<compile_context>
chip_gen: v7x
topology: tpu7x:2x2x1
jax: 0.10.2.dev20260603
libtpu: 0.0.44.dev20260713+nightly
codegen_flags: <defaults>
</compile_context>

<pallas_src>
import functools

import jax
import jax.numpy as jnp
from jax import lax
from jax.experimental import pallas as pl
from jax.experimental.pallas import tpu as pltpu
from jax.experimental.pallas import tpu_sc as plsc

NREAL = 10000
NPAD = 10240
KNN = 16
BLK = 256
NB = NPAD // BLK
EBLK = BLK * KNN
EPAD = NPAD * KNN
EREAL = NREAL * KNN
F32 = jnp.float32


def _leaky(v):
    return jnp.where(v > 0, v, 0.2 * v)



TILEW = 64
NTILE = NPAD // TILEW


def _knn_body(pos_blk, pos_t, work_out, gidx_out, tid_out):
    i = pl.program_id(0)
    pr = pos_blk[...]
    pt = pos_t[...]
    dot = lax.dot_general(pr, pt, (((1,), (0,)), ((), ())),
                          preferred_element_type=F32)
    sqr = jnp.sum(pr * pr, axis=1, keepdims=True)
    sqc = jnp.sum(pt * pt, axis=0, keepdims=True)
    d = (sqr + sqc) - 2.0 * dot
    col = lax.broadcasted_iota(jnp.int32, (BLK, NPAD), 1)
    work = jnp.where(col >= NREAL, -jnp.inf, -d)
    work_out[...] = work
    M = jnp.max(work.reshape(BLK, NTILE, TILEW), axis=2)
    tcol = lax.broadcasted_iota(jnp.int32, (BLK, NTILE), 1)
    sel_ids = []
    for _ in range(KNN):
        tj = jnp.argmax(M, axis=1).astype(jnp.int32)
        sel_ids.append(tj.reshape(BLK, 1))
        M = jnp.where(tcol == tj[:, None], -jnp.inf, M)
    rem = jnp.concatenate(sel_ids, axis=1)
    tids = []
    for _ in range(KNN):
        mn = jnp.min(rem, axis=1)
        tids.append(mn.reshape(BLK, 1))
        rem = jnp.where(rem == mn[:, None], jnp.int32(2**30), rem)
    tid = jnp.concatenate(tids, axis=1)
    tid_out[...] = tid
    r_glob = lax.broadcasted_iota(jnp.int32, (BLK, 1), 0) + i * BLK
    gidx_out[...] = r_glob * NTILE + tid


def _knn_phase1(pos_pad):
    pos_t = pos_pad.T
    return pl.pallas_call(
        _knn_body,
        grid=(NB,),
        compiler_params=pltpu.CompilerParams(
            vmem_limit_bytes=100 * 1024 * 1024),
        in_specs=[
            pl.BlockSpec((BLK, 8), lambda i: (i, 0)),
            pl.BlockSpec((8, NPAD), lambda i: (0, 0)),
        ],
        out_specs=[
            pl.BlockSpec((BLK, NPAD), lambda i: (i, 0)),
            pl.BlockSpec((BLK, KNN), lambda i: (i, 0)),
            pl.BlockSpec((BLK, KNN), lambda i: (i, 0)),
        ],
        out_shape=[
            jax.ShapeDtypeStruct((NPAD, NPAD), F32),
            jax.ShapeDtypeStruct((NPAD, KNN), jnp.int32),
            jax.ShapeDtypeStruct((NPAD, KNN), jnp.int32),
        ],
    )(pos_pad, pos_t)


def _cand_body(cand_ref, tid_ref, nbr_out):
    cand = cand_ref[...]
    tid = tid_ref[...]
    col = lax.broadcasted_iota(jnp.int32, (BLK, KNN * TILEW), 1)
    s_iota = lax.broadcasted_iota(jnp.int32, (BLK, KNN), 1)
    picks = []
    for _ in range(KNN):
        jc = jnp.argmax(cand, axis=1).astype(jnp.int32)
        slot = lax.shift_right_logical(jc, 6)
        lane = jnp.bitwise_and(jc, TILEW - 1)
        oh = s_iota == slot[:, None]
        gtile = jnp.sum(jnp.where(oh, tid, 0), axis=1)
        picks.append((gtile * TILEW + lane).reshape(BLK, 1))
        cand = jnp.where(col == jc[:, None], -jnp.inf, cand)
    nbr_out[...] = jnp.concatenate(picks, axis=1)


def _cand_topk(cand, tid):
    return pl.pallas_call(
        _cand_body,
        grid=(NB,),
        in_specs=[
            pl.BlockSpec((BLK, KNN * TILEW), lambda i: (i, 0)),
            pl.BlockSpec((BLK, KNN), lambda i: (i, 0)),
        ],
        out_specs=pl.BlockSpec((BLK, KNN), lambda i: (i, 0)),
        out_shape=jax.ShapeDtypeStruct((NPAD, KNN), jnp.int32),
    )(cand, tid)


def _knn(pos_pad):
    work, gidx, tid = _knn_phase1(pos_pad)
    table = work.reshape(NPAD * NTILE, TILEW)
    cand = _gather_tiles(table, gidx.reshape(-1))
    return _cand_topk(cand.reshape(NPAD, KNN * TILEW), tid)



def _bn_masked(y, rmask, g, bt):
    m = jnp.sum(y * rmask, axis=0, keepdims=True) / NREAL
    c = (y - m) * rmask
    v = jnp.sum(c * c, axis=0, keepdims=True) / NREAL
    return (y - m) / jnp.sqrt(v + 1e-6) * g + bt


def _node_body(x, scW, scb, scg, scbt, m1W, m1b, m1g, m1bt, sc_out, h1_out):
    xv = x[...]
    rmask = (lax.broadcasted_iota(jnp.int32, (NPAD, 1), 0) < NREAL).astype(F32)
    y = jnp.dot(xv, scW[...], preferred_element_type=F32) + scb[...]
    sc_out[...] = _bn_masked(y, rmask, scg[...], scbt[...])
    y1 = jnp.dot(xv, m1W[...], preferred_element_type=F32) + m1b[...]
    h1_out[...] = _leaky(_bn_masked(y1, rmask, m1g[...], m1bt[...]))


def _node(xp, p):
    return pl.pallas_call(
        _node_body,
        out_shape=[
            jax.ShapeDtypeStruct((NPAD, 128), F32),
            jax.ShapeDtypeStruct((NPAD, 16), F32),
        ],
    )(xp, p['sc_W'], p['sc_b'].reshape(1, -1), p['sc_g'].reshape(1, -1),
      p['sc_bt'].reshape(1, -1), p['mlp1_W'], p['mlp1_b'].reshape(1, -1),
      p['mlp1_g'].reshape(1, -1), p['mlp1_bt'].reshape(1, -1))



@functools.lru_cache(maxsize=None)
def _make_gather(D):
    info = plsc.get_sparse_core_info()
    nw = info.num_cores * info.num_subcores
    b_per_w = EPAD // nw
    ch = 1280 if D <= 64 else 640
    nch = b_per_w // ch
    mesh = plsc.VectorSubcoreMesh(core_axis_name="c", subcore_axis_name="s")

    @functools.partial(
        pl.kernel, mesh=mesh,
        compiler_params=pltpu.CompilerParams(use_tc_tiling_on_sc=False),
        out_type=jax.ShapeDtypeStruct((EPAD, D), F32),
        scratch_types=[
            pltpu.VMEM((ch,), jnp.int32),
            pltpu.VMEM((ch, D), F32),
            pltpu.SemaphoreType.DMA,
        ],
    )
    def gather(table_hbm, idx_hbm, out_hbm, idx_v, rows_v, sem):
        wid = lax.axis_index("s") * info.num_cores + lax.axis_index("c")
        base = wid * b_per_w
        for ci in range(nch):
            off = base + ci * ch
            pltpu.sync_copy(idx_hbm.at[pl.ds(off, ch)], idx_v)
            pltpu.async_copy(table_hbm.at[idx_v], rows_v, sem).wait()
            pltpu.sync_copy(rows_v, out_hbm.at[pl.ds(off, ch)])

    return gather


def _gather32(table, idx):
    return _make_gather(32)(table, idx)


def _gather_tiles(table, idx):
    return _make_gather(TILEW)(table, idx)



def _row(M, r):
    return M[r:r + 1, :]


def _rel_body(pn_i_ref, gj_ref, rel_ref, s1_ref, s2_ref):
    i = pl.program_id(0)
    pn_i = pn_i_ref[...]
    pnj = gj_ref[...][:, :8]
    pn_ie = jnp.broadcast_to(
        pn_i.reshape(BLK, 1, 8), (BLK, KNN, 8)).reshape(EBLK, 8)
    A = pn_ie.T
    B = pnj.T
    pix, piy, piz = _row(A, 0), _row(A, 1), _row(A, 2)
    nix, niy, niz = _row(A, 3), _row(A, 4), _row(A, 5)
    pjx, pjy, pjz = _row(B, 0), _row(B, 1), _row(B, 2)
    njx, njy, njz = _row(B, 3), _row(B, 4), _row(B, 5)
    dx, dy, dz = pjx - pix, pjy - piy, pjz - piz
    dist = jnp.sqrt(dx * dx + dy * dy + dz * dz)
    li = jnp.sqrt(nix * nix + niy * niy + niz * niz)
    lj = jnp.sqrt(njx * njx + njy * njy + njz * njz)
    f0 = dist
    f1 = (dx * nix + dy * niy + dz * niz) / (dist * li + 1e-10)
    f2 = (dx * njx + dy * njy + dz * njz) / (dist * lj + 1e-10)
    f3 = (nix * njx + niy * njy + niz * njz) / (li * lj + 1e-10)
    uqx, uqy, uqz = dy * niz - dz * niy, dz * nix - dx * niz, dx * niy - dy * nix
    vqx, vqy, vqz = (uqy * niz - uqz * niy, uqz * nix - uqx * niz,
                     uqx * niy - uqy * nix)
    ukx, uky, ukz = dy * njz - dz * njy, dz * njx - dx * njz, dx * njy - dy * njx
    vkx, vky, vkz = (uky * njz - ukz * njy, ukz * njx - ukx * njz,
                     ukx * njy - uky * njx)
    luq = jnp.sqrt(uqx * uqx + uqy * uqy + uqz * uqz)
    lvq = jnp.sqrt(vqx * vqx + vqy * vqy + vqz * vqz)
    luk = jnp.sqrt(ukx * ukx + uky * uky + ukz * ukz)
    lvk = jnp.sqrt(vkx * vkx + vky * vky + vkz * vkz)
    f4 = (uqx * ukx + uqy * uky + uqz * ukz) / (luq * luk + 1e-10)
    f5 = (vqx * vkx + vqy * vky + vqz * vkz) / (lvq * lvk + 1e-10)
    f6 = (uqx * vkx + uqy * vky + uqz * vkz) / (luq * lvk + 1e-10)
    f7 = (vqx * ukx + vqy * uky + vqz * ukz) / (lvq * luk + 1e-10)
    relT = jnp.concatenate([f0, f1, f2, f3, f4, f5, f6, f7], axis=0)
    rel_ref[...] = relT.T

    eidx = lax.broadcasted_iota(jnp.int32, (1, EBLK), 1) + i * EBLK
    msk = (eidx < EREAL).astype(F32)
    relTm = relT * msk
    s1 = jnp.sum(relTm, axis=1, keepdims=True).reshape(1, 8)
    s2 = lax.dot_general(relTm, relTm, (((1,), (1,)), ((), ())),
                         preferred_element_type=F32)

    @pl.when(i == 0)
    def _init():
        s1_ref[...] = jnp.zeros_like(s1_ref)
        s2_ref[...] = jnp.zeros_like(s2_ref)

    s1_ref[...] += s1
    s2_ref[...] += s2


def _rel(pn, g1):
    return pl.pallas_call(
        _rel_body,
        grid=(NB,),
        in_specs=[
            pl.BlockSpec((BLK, 8), lambda i: (i, 0)),
            pl.BlockSpec((EBLK, 32), lambda i: (i, 0)),
        ],
        out_specs=[
            pl.BlockSpec((EBLK, 8), lambda i: (i, 0)),
            pl.BlockSpec((1, 8), lambda i: (0, 0)),
            pl.BlockSpec((8, 8), lambda i: (0, 0)),
        ],
        out_shape=[
            jax.ShapeDtypeStruct((EPAD, 8), F32),
            jax.ShapeDtypeStruct((1, 8), F32),
            jax.ShapeDtypeStruct((8, 8), F32),
        ],
    )(pn, g1)



def _att_body(xj_lo, xj_hi, rel_ref, g_ref, s1_ref, s2_ref, encW_ref,
              encb_ref, encg_ref, encbt_ref, attW_ref, agg_ref):
    c = attW_ref.shape[0]
    rel = rel_ref[...]
    xj = g_ref[...][:, xj_lo:xj_hi]
    W = encW_ref[...]
    b = encb_ref[...]
    M1 = s1_ref[...] / EREAL
    M2 = s2_ref[...] / EREAL
    m0 = jnp.dot(M1, W, preferred_element_type=F32)
    a2 = jnp.dot(M2, W, preferred_element_type=F32)
    var = jnp.sum(W * a2, axis=0, keepdims=True) - m0 * m0
    mean = m0 + b
    pre = jnp.dot(rel, W, preferred_element_type=F32) + b
    lse = _leaky((pre - mean) / jnp.sqrt(var + 1e-6)
                 * encg_ref[...] + encbt_ref[...])
    lf = jnp.concatenate([xj, lse], axis=1)
    att = jnp.dot(lf, attW_ref[...], preferred_element_type=F32)
    a3 = att.reshape(BLK, KNN, c)
    m = jnp.max(a3, axis=1, keepdims=True)
    e = jnp.exp(a3 - m)
    s = jnp.sum(e, axis=1, keepdims=True)
    a = e / (s + 1e-16)
    lf3 = lf.reshape(BLK, KNN, c)
    agg_ref[...] = jnp.sum(a * lf3, axis=1)


def _att(rel, g, s1, s2, p, pre, c, xj_lo, xj_hi):
    body = functools.partial(_att_body, xj_lo, xj_hi)
    return pl.pallas_call(
        body,
        grid=(NB,),
        in_specs=[
            pl.BlockSpec((EBLK, 8), lambda i: (i, 0)),
            pl.BlockSpec((EBLK, 32), lambda i: (i, 0)),
            pl.BlockSpec((1, 8), lambda i: (0, 0)),
            pl.BlockSpec((8, 8), lambda i: (0, 0)),
            pl.BlockSpec((8, c // 2), lambda i: (0, 0)),
            pl.BlockSpec((1, c // 2), lambda i: (0, 0)),
            pl.BlockSpec((1, c // 2), lambda i: (0, 0)),
            pl.BlockSpec((1, c // 2), lambda i: (0, 0)),
            pl.BlockSpec((c, c), lambda i: (0, 0)),
        ],
        out_specs=pl.BlockSpec((BLK, c), lambda i: (i, 0)),
        out_shape=jax.ShapeDtypeStruct((NPAD, c), F32),
    )(rel, g, s1, s2, p[pre + 'enc_W'], p[pre + 'enc_b'].reshape(1, -1),
      p[pre + 'enc_g'].reshape(1, -1), p[pre + 'enc_bt'].reshape(1, -1),
      p[pre + 'att_W'])



def _post_body(leaky_out, agg, W, b, g, bt, out):
    rmask = (lax.broadcasted_iota(jnp.int32, (NPAD, 1), 0) < NREAL).astype(F32)
    y = jnp.dot(agg[...], W[...], preferred_element_type=F32) + b[...]
    z = _bn_masked(y, rmask, g[...], bt[...])
    out[...] = _leaky(z) if leaky_out else z


def _post(agg, W, b, g, bt, leaky_out=True):
    body = functools.partial(_post_body, leaky_out)
    return pl.pallas_call(
        body,
        out_shape=jax.ShapeDtypeStruct((NPAD, W.shape[1]), F32),
    )(agg, W, b.reshape(1, -1), g.reshape(1, -1), bt.reshape(1, -1))


def _final_body(h, sc, W, b, g, bt, out):
    rmask = (lax.broadcasted_iota(jnp.int32, (NPAD, 1), 0) < NREAL).astype(F32)
    y = jnp.dot(h[...], W[...], preferred_element_type=F32) + b[...]
    z = _bn_masked(y, rmask, g[...], bt[...])
    out[...] = _leaky(z + sc[...])


def _final(h, sc, p):
    return pl.pallas_call(
        _final_body,
        out_shape=jax.ShapeDtypeStruct((NPAD, 128), F32),
    )(h, sc, p['mlp2_W'], p['mlp2_b'].reshape(1, -1),
      p['mlp2_g'].reshape(1, -1), p['mlp2_bt'].reshape(1, -1))



def kernel(x, pos, batch, normals, params):
    p = params
    padn = NPAD - NREAL
    xp = jnp.pad(x, ((0, padn), (0, 0)))
    pos_pad = jnp.pad(pos, ((0, padn), (0, 5)))
    pn = jnp.pad(jnp.concatenate([pos, normals], axis=1), ((0, padn), (0, 2)))

    nbr = _knn(pos_pad)
    src = nbr.reshape(-1)

    sc_out, h1 = _node(xp, p)
    table1 = jnp.concatenate(
        [pn, h1, jnp.zeros((NPAD, 8), F32)], axis=1)
    g1 = _gather32(table1, src)
    rel, s1, s2 = _rel(pn, g1)

    agg1 = _att(rel, g1, s1, s2, p, 'lfa1_', 32, 8, 24)
    h2 = _post(agg1, p['lfa1_post_W'], p['lfa1_post_b'],
               p['lfa1_post_g'], p['lfa1_post_bt'])

    g2 = _gather32(h2, src)
    agg2 = _att(rel, g2, s1, s2, p, 'lfa2_', 64, 0, 32)
    h3 = _post(agg2, p['lfa2_post_W'], p['lfa2_post_b'],
               p['lfa2_post_g'], p['lfa2_post_bt'])

    out = _final(h3, sc_out, p)[:NREAL]
    return (out, pos, batch, normals)

# --- scband reference (transcript-rebuilt; emitter-appended) ---
"""Pipeline reference for scband-dilated-residual-block-33217277067474 (READ-ONLY COPY).

The authoritative reference and input builder live on the scoring server;
editing this copy changes nothing except your own understanding.
"""

import jax, jax.numpy as jnp
import numpy as np

K = 16
N_NODES = 10000
D_IN = 128
D_OUT = 128


def leaky(x):
    return jnp.where(x > 0, x, 0.2 * x)


def bn(x, g, b):
    m = jnp.mean(x, axis=0)
    v = jnp.var(x, axis=0)
    return (x - m) / jnp.sqrt(v + 1e-6) * g + b


def knn_graph(pos, batch, k):
    N = pos.shape[0]
    sq = jnp.sum(pos * pos, axis=1)
    idx_chunks = []
    chunk = 2000
    for s in range(0, N, chunk):
        p = pos[s:s + chunk]
        d = sq[s:s + chunk][:, None] + sq[None, :] - 2.0 * (p @ pos.T)
        mask = batch[s:s + chunk][:, None] != batch[None, :]
        d = jnp.where(mask, jnp.inf, d)
        _, idx = jax.lax.top_k(-d, k)
        idx_chunks.append(idx)
    nbr = jnp.concatenate(idx_chunks, axis=0)
    src = nbr.reshape(-1)
    dst = jnp.repeat(jnp.arange(N), k)
    return jnp.stack([src, dst], axis=0)


def darboux(pos_i, pos_j, n_i, n_j):
    d = pos_j - pos_i
    dist = jnp.sqrt(jnp.sum(d * d, axis=1, keepdims=True))
    li = jnp.linalg.norm(n_i, axis=1, keepdims=True)
    lj = jnp.linalg.norm(n_j, axis=1, keepdims=True)
    f0 = dist
    f1 = jnp.sum(d * n_i, axis=1, keepdims=True) / (dist * li + 1e-10)
    f2 = jnp.sum(d * n_j, axis=1, keepdims=True) / (dist * lj + 1e-10)
    f3 = jnp.sum(n_i * n_j, axis=1, keepdims=True) / (li * lj + 1e-10)
    uq = jnp.cross(d, n_i)
    vq = jnp.cross(uq, n_i)
    uk = jnp.cross(d, n_j)
    vk = jnp.cross(uk, n_j)
    luq = jnp.linalg.norm(uq, axis=1, keepdims=True)
    lvq = jnp.linalg.norm(vq, axis=1, keepdims=True)
    luk = jnp.linalg.norm(uk, axis=1, keepdims=True)
    lvk = jnp.linalg.norm(vk, axis=1, keepdims=True)
    f4 = jnp.sum(uq * uk, axis=1, keepdims=True) / (luq * luk + 1e-10)
    f5 = jnp.sum(vq * vk, axis=1, keepdims=True) / (lvq * lvk + 1e-10)
    f6 = jnp.sum(uq * vk, axis=1, keepdims=True) / (luq * lvk + 1e-10)
    f7 = jnp.sum(vq * uk, axis=1, keepdims=True) / (lvq * luk + 1e-10)
    return jnp.concatenate([f0, f1, f2, f3, f4, f5, f6, f7], axis=1)


def lfa(edge_index, x, pos, normals, p, pre, N):
    src = edge_index[0]
    dst = edge_index[1]
    x_j = x[src]
    rel = darboux(pos[dst], pos[src], normals[dst], normals[src])
    lse = leaky(bn(rel @ p[pre + 'enc_W'] + p[pre + 'enc_b'], p[pre + 'enc_g'], p[pre + 'enc_bt']))
    lf = jnp.concatenate([x_j, lse], axis=1)
    att = lf @ p[pre + 'att_W']
    m = jax.ops.segment_max(att, dst, num_segments=N)
    e = jnp.exp(att - m[dst])
    s = jax.ops.segment_sum(e, dst, num_segments=N)
    a = e / (s[dst] + 1e-16)
    agg = jax.ops.segment_sum(a * lf, dst, num_segments=N)
    return leaky(bn(agg @ p[pre + 'post_W'] + p[pre + 'post_b'], p[pre + 'post_g'], p[pre + 'post_bt']))


def setup_inputs(seed: int = 0):
    key = jax.random.key(seed)
    ks = jax.random.split(key, 16)
    x = jax.random.normal(ks[0], (N_NODES, D_IN), dtype=jnp.float32)
    pos = jax.random.normal(ks[1], (N_NODES, 3), dtype=jnp.float32)
    normals = jax.random.normal(ks[2], (N_NODES, 3), dtype=jnp.float32)
    batch = jnp.zeros((N_NODES,), dtype=jnp.int32)

    def lin(k, fi, fo):
        return jax.random.normal(k, (fi, fo), dtype=jnp.float32) * (1.0 / np.sqrt(fi))

    c1 = D_OUT // 4
    c2 = D_OUT // 2
    params = {}
    params['mlp1_W'] = lin(ks[3], D_IN, D_OUT // 8)
    params['mlp1_b'] = jnp.zeros((D_OUT // 8,))
    params['mlp1_g'] = jnp.ones((D_OUT // 8,))
    params['mlp1_bt'] = jnp.zeros((D_OUT // 8,))
    params['sc_W'] = lin(ks[4], D_IN, D_OUT)
    params['sc_b'] = jnp.zeros((D_OUT,))
    params['sc_g'] = jnp.ones((D_OUT,))
    params['sc_bt'] = jnp.zeros((D_OUT,))
    params['mlp2_W'] = lin(ks[5], D_OUT // 2, D_OUT)
    params['mlp2_b'] = jnp.zeros((D_OUT,))
    params['mlp2_g'] = jnp.ones((D_OUT,))
    params['mlp2_bt'] = jnp.zeros((D_OUT,))
    params['lfa1_enc_W'] = lin(ks[6], 8, c1 // 2)
    params['lfa1_enc_b'] = jnp.zeros((c1 // 2,))
    params['lfa1_enc_g'] = jnp.ones((c1 // 2,))
    params['lfa1_enc_bt'] = jnp.zeros((c1 // 2,))
    params['lfa1_att_W'] = lin(ks[7], c1, c1)
    params['lfa1_post_W'] = lin(ks[8], c1, c1)
    params['lfa1_post_b'] = jnp.zeros((c1,))
    params['lfa1_post_g'] = jnp.ones((c1,))
    params['lfa1_post_bt'] = jnp.zeros((c1,))
    params['lfa2_enc_W'] = lin(ks[9], 8, c2 // 2)
    params['lfa2_enc_b'] = jnp.zeros((c2 // 2,))
    params['lfa2_enc_g'] = jnp.ones((c2 // 2,))
    params['lfa2_enc_bt'] = jnp.zeros((c2 // 2,))
    params['lfa2_att_W'] = lin(ks[10], c2, c2)
    params['lfa2_post_W'] = lin(ks[11], c2, c2)
    params['lfa2_post_b'] = jnp.zeros((c2,))
    params['lfa2_post_g'] = jnp.ones((c2,))
    params['lfa2_post_bt'] = jnp.zeros((c2,))
    return {'x': x, 'pos': pos, 'batch': batch, 'normals': normals, 'params': params}


def reference(x, pos, batch, normals, params):
    N = x.shape[0]
    ei = knn_graph(pos, batch, K)
    sc = bn(x @ params['sc_W'] + params['sc_b'], params['sc_g'], params['sc_bt'])
    h = leaky(bn(x @ params['mlp1_W'] + params['mlp1_b'], params['mlp1_g'], params['mlp1_bt']))
    h = lfa(ei, h, pos, normals, params, 'lfa1_', N)
    h = lfa(ei, h, pos, normals, params, 'lfa2_', N)
    h = bn(h @ params['mlp2_W'] + params['mlp2_b'], params['mlp2_g'], params['mlp2_bt'])
    out = leaky(h + sc)
    return (out, pos, batch, normals)

if __name__ == "__main__":
    import jax
    _d = setup_inputs()
    print(jax.jit(kernel)(*tuple(_d.values())))

</pallas_src>

<mosaic_0001>
#map = affine_map<(d0, d1) -> (0, 0)>
#map1 = affine_map<(d0, d1) -> (0)>
module attributes {stable_mosaic.version = 14 : i64} {
  func.func @gather(%arg0: i32, %arg1: i32, %arg2: memref<1638400x64xf32, #tpu.memory_space<hbm>>, %arg3: memref<163840xi32, #tpu.memory_space<hbm>>, %arg4: memref<163840x64xf32, #tpu.memory_space<hbm>>, %arg5: memref<1280xi32, #tpu.memory_space<vmem>>, %arg6: memref<1280x64xf32, #tpu.memory_space<vmem>>, %arg7: memref<!tpu.dma_semaphore, #tpu.memory_space<semaphore_mem>>) attributes {dimension_semantics = [#tpu.dimension_semantics<core_parallel>, #tpu.dimension_semantics<subcore_parallel>], iteration_bounds = array<i64: 2, 16>, scalar_prefetch = 0 : i64, scratch_operands = 3 : i64, tpu.core_type = #tpu.core_type<sc_vector_subcore>, window_params = [{transform_indices = #map}, {transform_indices = #map1}, {transform_indices = #map}]} {
    %mul3A = arith.constant 2 : i32
    %mul3A_0 = arith.muli %arg1, %mul3A : i32
    %add3A = arith.addi %mul3A_0, %arg0 : i32
    %mul3A_1 = arith.constant 5120 : i32
    %mul3A_2 = arith.muli %add3A, %mul3A_1 : i32
    %add3A_3 = arith.constant 0 : i32
    %add3A_4 = arith.addi %mul3A_2, %add3A_3 : i32
    "tpu.region"() ({
      %run_scoped3A = tpu.sem_alloc : memref<!tpu.dma_semaphore, #tpu.memory_space<semaphore_mem>>
      %dma_start3A_33 = tpu.memref_slice %arg3[%add3A_4] : memref<163840xi32, #tpu.memory_space<hbm>> -> memref<1280xi32, #tpu.memory_space<hbm>>
      %dma_start3A_34 = tpu.memref_slice %arg3[%add3A_4] : memref<163840xi32, #tpu.memory_space<hbm>> -> memref<1280xi32, #tpu.memory_space<hbm>>
      tpu.enqueue_dma source(%dma_start3A_34 : memref<1280xi32, #tpu.memory_space<hbm>>) target(%arg5 : memref<1280xi32, #tpu.memory_space<vmem>>) target_semaphore(%run_scoped3A : memref<!tpu.dma_semaphore, #tpu.memory_space<semaphore_mem>>)
      %dma_wait3A_35 = tpu.memref_slice %arg3[%add3A_4] : memref<163840xi32, #tpu.memory_space<hbm>> -> memref<1280xi32, #tpu.memory_space<hbm>>
      %dma_wait3A_36 = tpu.memref_slice %arg3[%add3A_4] : memref<163840xi32, #tpu.memory_space<hbm>> -> memref<1280xi32, #tpu.memory_space<hbm>>
      tpu.wait_dma2 semaphore(%run_scoped3A : memref<!tpu.dma_semaphore, #tpu.memory_space<semaphore_mem>>) src(%dma_wait3A_36 : memref<1280xi32, #tpu.memory_space<hbm>>) dst(%arg5 : memref<1280xi32, #tpu.memory_space<vmem>>)
      tpu.yield
    }) : () -> ()
    %dma_start3A = arith.constant 0 : i32
    %dma_start3A_5 = arith.constant 0 : i32
    %dma_start3A_6 = tpu.memref_slice %arg2[%dma_start3A, %dma_start3A_5] : memref<1638400x64xf32, #tpu.memory_space<hbm>> -> memref<1638400x64xf32, #tpu.memory_space<hbm>>
    tpu.enqueue_indirect_dma source(%dma_start3A_6 : memref<1638400x64xf32, #tpu.memory_space<hbm>>) target(%arg6 : memref<1280x64xf32, #tpu.memory_space<vmem>>) offsets(%arg5 : memref<1280xi32, #tpu.memory_space<vmem>>) semaphore(%arg7 : memref<!tpu.dma_semaphore, #tpu.memory_space<semaphore_mem>>)
    %dma_wait3A = arith.constant 0 : i32
    %dma_wait3A_7 = arith.constant 0 : i32
    %dma_wait3A_8 = tpu.memref_slice %arg2[%dma_wait3A, %dma_wait3A_7] : memref<1638400x64xf32, #tpu.memory_space<hbm>> -> memref<1638400x64xf32, #tpu.memory_space<hbm>>
    tpu.wait_indirect_dma semaphore(%arg7 : memref<!tpu.dma_semaphore, #tpu.memory_space<semaphore_mem>>) src(%dma_wait3A_8 : memref<1638400x64xf32, #tpu.memory_space<hbm>>) dst(%arg6 : memref<1280x64xf32, #tpu.memory_space<vmem>>)
    "tpu.region"() ({
      %run_scoped3A = tpu.sem_alloc : memref<!tpu.dma_semaphore, #tpu.memory_space<semaphore_mem>>
      %dma_start3A_33 = arith.constant 0 : i32
      %dma_start3A_34 = tpu.memref_slice %arg4[%add3A_4, %dma_start3A_33] : memref<163840x64xf32, #tpu.memory_space<hbm>> -> memref<1280x64xf32, #tpu.memory_space<hbm>>
      %dma_start3A_35 = arith.constant 0 : i32
      %dma_start3A_36 = tpu.memref_slice %arg4[%add3A_4, %dma_start3A_35] : memref<163840x64xf32, #tpu.memory_space<hbm>> -> memref<1280x64xf32, #tpu.memory_space<hbm>>
      tpu.enqueue_dma source(%arg6 : memref<1280x64xf32, #tpu.memory_space<vmem>>) target(%dma_start3A_36 : memref<1280x64xf32, #tpu.memory_space<hbm>>) target_semaphore(%run_scoped3A : memref<!tpu.dma_semaphore, #tpu.memory_space<semaphore_mem>>)
      %dma_wait3A_37 = arith.constant 0 : i32
      %dma_wait3A_38 = tpu.memref_slice %arg4[%add3A_4, %dma_wait3A_37] : memref<163840x64xf32, #tpu.memory_space<hbm>> -> memref<1280x64xf32, #tpu.memory_space<hbm>>
      %dma_wait3A_39 = arith.constant 0 : i32
      %dma_wait3A_40 = tpu.memref_slice %arg4[%add3A_4, %dma_wait3A_39] : memref<163840x64xf32, #tpu.memory_space<hbm>> -> memref<1280x64xf32, #tpu.memory_space<hbm>>
      tpu.wait_dma2 semaphore(%run_scoped3A : memref<!tpu.dma_semaphore, #tpu.memory_space<semaphore_mem>>) src(%arg6 : memref<1280x64xf32, #tpu.memory_space<vmem>>) dst(%dma_wait3A_40 : memref<1280x64xf32, #tpu.memory_space<hbm>>)
      tpu.yield
    }) : () -> ()
    %add3A_9 = arith.constant 1280 : i32
    %add3A_10 = arith.addi %mul3A_2, %add3A_9 : i32
    "tpu.region"() ({
      %run_scoped3A = tpu.sem_alloc : memref<!tpu.dma_semaphore, #tpu.memory_space<semaphore_mem>>
      %dma_start3A_33 = tpu.memref_slice %arg3[%add3A_10] : memref<163840xi32, #tpu.memory_space<hbm>> -> memref<1280xi32, #tpu.memory_space<hbm>>
      %dma_start3A_34 = tpu.memref_slice %arg3[%add3A_10] : memref<163840xi32, #tpu.memory_space<hbm>> -> memref<1280xi32, #tpu.memory_space<hbm>>
      tpu.enqueue_dma source(%dma_start3A_34 : memref<1280xi32, #tpu.memory_space<hbm>>) target(%arg5 : memref<1280xi32, #tpu.memory_space<vmem>>) target_semaphore(%run_scoped3A : memref<!tpu.dma_semaphore, #tpu.memory_space<semaphore_mem>>)
      %dma_wait3A_35 = tpu.memref_slice %arg3[%add3A_10] : memref<163840xi32, #tpu.memory_space<hbm>> -> memref<1280xi32, #tpu.memory_space<hbm>>
      %dma_wait3A_36 = tpu.memref_slice %arg3[%add3A_10] : memref<163840xi32, #tpu.memory_space<hbm>> -> memref<1280xi32, #tpu.memory_space<hbm>>
      tpu.wait_dma2 semaphore(%run_scoped3A : memref<!tpu.dma_semaphore, #tpu.memory_space<semaphore_mem>>) src(%dma_wait3A_36 : memref<1280xi32, #tpu.memory_space<hbm>>) dst(%arg5 : memref<1280xi32, #tpu.memory_space<vmem>>)
      tpu.yield
    }) : () -> ()
    %dma_start3A_11 = arith.constant 0 : i32
    %dma_start3A_12 = arith.constant 0 : i32
    %dma_start3A_13 = tpu.memref_slice %arg2[%dma_start3A_11, %dma_start3A_12] : memref<1638400x64xf32, #tpu.memory_space<hbm>> -> memref<1638400x64xf32, #tpu.memory_space<hbm>>
    tpu.enqueue_indirect_dma source(%dma_start3A_13 : memref<1638400x64xf32, #tpu.memory_space<hbm>>) target(%arg6 : memref<1280x64xf32, #tpu.memory_space<vmem>>) offsets(%arg5 : memref<1280xi32, #tpu.memory_space<vmem>>) semaphore(%arg7 : memref<!tpu.dma_semaphore, #tpu.memory_space<semaphore_mem>>)
    %dma_wait3A_14 = arith.constant 0 : i32
    %dma_wait3A_15 = arith.constant 0 : i32
    %dma_wait3A_16 = tpu.memref_slice %arg2[%dma_wait3A_14, %dma_wait3A_15] : memref<1638400x64xf32, #tpu.memory_space<hbm>> -> memref<1638400x64xf32, #tpu.memory_space<hbm>>
    tpu.wait_indirect_dma semaphore(%arg7 : memref<!tpu.dma_semaphore, #tpu.memory_space<semaphore_mem>>) src(%dma_wait3A_16 : memref<1638400x64xf32, #tpu.memory_space<hbm>>) dst(%arg6 : memref<1280x64xf32, #tpu.memory_space<vmem>>)
    "tpu.region"() ({
      %run_scoped3A = tpu.sem_alloc : memref<!tpu.dma_semaphore, #tpu.memory_space<semaphore_mem>>
      %dma_start3A_33 = arith.constant 0 : i32
      %dma_start3A_34 = tpu.memref_slice %arg4[%add3A_10, %dma_start3A_33] : memref<163840x64xf32, #tpu.memory_space<hbm>> -> memref<1280x64xf32, #tpu.memory_space<hbm>>
      %dma_start3A_35 = arith.constant 0 : i32
      %dma_start3A_36 = tpu.memref_slice %arg4[%add3A_10, %dma_start3A_35] : memref<163840x64xf32, #tpu.memory_space<hbm>> -> memref<1280x64xf32, #tpu.memory_space<hbm>>
      tpu.enqueue_dma source(%arg6 : memref<1280x64xf32, #tpu.memory_space<vmem>>) target(%dma_start3A_36 : memref<1280x64xf32, #tpu.memory_space<hbm>>) target_semaphore(%run_scoped3A : memref<!tpu.dma_semaphore, #tpu.memory_space<semaphore_mem>>)
      %dma_wait3A_37 = arith.constant 0 : i32
      %dma_wait3A_38 = tpu.memref_slice %arg4[%add3A_10, %dma_wait3A_37] : memref<163840x64xf32, #tpu.memory_space<hbm>> -> memref<1280x64xf32, #tpu.memory_space<hbm>>
      %dma_wait3A_39 = arith.constant 0 : i32
      %dma_wait3A_40 = tpu.memref_slice %arg4[%add3A_10, %dma_wait3A_39] : memref<163840x64xf32, #tpu.memory_space<hbm>> -> memref<1280x64xf32, #tpu.memory_space<hbm>>
      tpu.wait_dma2 semaphore(%run_scoped3A : memref<!tpu.dma_semaphore, #tpu.memory_space<semaphore_mem>>) src(%arg6 : memref<1280x64xf32, #tpu.memory_space<vmem>>) dst(%dma_wait3A_40 : memref<1280x64xf32, #tpu.memory_space<hbm>>)
      tpu.yield
    }) : () -> ()
    %add3A_17 = arith.constant 2560 : i32
    %add3A_18 = arith.addi %mul3A_2, %add3A_17 : i32
    "tpu.region"() ({
      %run_scoped3A = tpu.sem_alloc : memref<!tpu.dma_semaphore, #tpu.memory_space<semaphore_mem>>
      %dma_start3A_33 = tpu.memref_slice %arg3[%add3A_18] : memref<163840xi32, #tpu.memory_space<hbm>> -> memref<1280xi32, #tpu.memory_space<hbm>>
      %dma_start3A_34 = tpu.memref_slice %arg3[%add3A_18] : memref<163840xi32, #tpu.memory_space<hbm>> -> memref<1280xi32, #tpu.memory_space<hbm>>
      tpu.enqueue_dma source(%dma_start3A_34 : memref<1280xi32, #tpu.memory_space<hbm>>) target(%arg5 : memref<1280xi32, #tpu.memory_space<vmem>>) target_semaphore(%run_scoped3A : memref<!tpu.dma_semaphore, #tpu.memory_space<semaphore_mem>>)
      %dma_wait3A_35 = tpu.memref_slice %arg3[%add3A_18] : memref<163840xi32, #tpu.memory_space<hbm>> -> memref<1280xi32, #tpu.memory_space<hbm>>
      %dma_wait3A_36 = tpu.memref_slice %arg3[%add3A_18] : memref<163840xi32, #tpu.memory_space<hbm>> -> memref<1280xi32, #tpu.memory_space<hbm>>
      tpu.wait_dma2 semaphore(%run_scoped3A : memref<!tpu.dma_semaphore, #tpu.memory_space<semaphore_mem>>) src(%dma_wait3A_36 : memref<1280xi32, #tpu.memory_space<hbm>>) dst(%arg5 : memref<1280xi32, #tpu.memory_space<vmem>>)
      tpu.yield
    }) : () -> ()
    %dma_start3A_19 = arith.constant 0 : i32
    %dma_start3A_20 = arith.constant 0 : i32
    %dma_start3A_21 = tpu.memref_slice %arg2[%dma_start3A_19, %dma_start3A_20] : memref<1638400x64xf32, #tpu.memory_space<hbm>> -> memref<1638400x64xf32, #tpu.memory_space<hbm>>
    tpu.enqueue_indirect_dma source(%dma_start3A_21 : memref<1638400x64xf32, #tpu.memory_space<hbm>>) target(%arg6 : memref<1280x64xf32, #tpu.memory_space<vmem>>) offsets(%arg5 : memref<1280xi32, #tpu.memory_space<vmem>>) semaphore(%arg7 : memref<!tpu.dma_semaphore, #tpu.memory_space<semaphore_mem>>)
    %dma_wait3A_22 = arith.constant 0 : i32
    %dma_wait3A_23 = arith.constant 0 : i32
    %dma_wait3A_24 = tpu.memref_slice %arg2[%dma_wait3A_22, %dma_wait3A_23] : memref<1638400x64xf32, #tpu.memory_space<hbm>> -> memref<1638400x64xf32, #tpu.memory_space<hbm>>
    tpu.wait_indirect_dma semaphore(%arg7 : memref<!tpu.dma_semaphore, #tpu.memory_space<semaphore_mem>>) src(%dma_wait3A_24 : memref<1638400x64xf32, #tpu.memory_space<hbm>>) dst(%arg6 : memref<1280x64xf32, #tpu.memory_space<vmem>>)
    "tpu.region"() ({
      %run_scoped3A = tpu.sem_alloc : memref<!tpu.dma_semaphore, #tpu.memory_space<semaphore_mem>>
      %dma_start3A_33 = arith.constant 0 : i32
      %dma_start3A_34 = tpu.memref_slice %arg4[%add3A_18, %dma_start3A_33] : memref<163840x64xf32, #tpu.memory_space<hbm>> -> memref<1280x64xf32, #tpu.memory_space<hbm>>
      %dma_start3A_35 = arith.constant 0 : i32
      %dma_start3A_36 = tpu.memref_slice %arg4[%add3A_18, %dma_start3A_35] : memref<163840x64xf32, #tpu.memory_space<hbm>> -> memref<1280x64xf32, #tpu.memory_space<hbm>>
      tpu.enqueue_dma source(%arg6 : memref<1280x64xf32, #tpu.memory_space<vmem>>) target(%dma_start3A_36 : memref<1280x64xf32, #tpu.memory_space<hbm>>) target_semaphore(%run_scoped3A : memref<!tpu.dma_semaphore, #tpu.memory_space<semaphore_mem>>)
      %dma_wait3A_37 = arith.constant 0 : i32
      %dma_wait3A_38 = tpu.memref_slice %arg4[%add3A_18, %dma_wait3A_37] : memref<163840x64xf32, #tpu.memory_space<hbm>> -> memref<1280x64xf32, #tpu.memory_space<hbm>>
      %dma_wait3A_39 = arith.constant 0 : i32
      %dma_wait3A_40 = tpu.memref_slice %arg4[%add3A_18, %dma_wait3A_39] : memref<163840x64xf32, #tpu.memory_space<hbm>> -> memref<1280x64xf32, #tpu.memory_space<hbm>>
      tpu.wait_dma2 semaphore(%run_scoped3A : memref<!tpu.dma_semaphore, #tpu.memory_space<semaphore_mem>>) src(%arg6 : memref<1280x64xf32, #tpu.memory_space<vmem>>) dst(%dma_wait3A_40 : memref<1280x64xf32, #tpu.memory_space<hbm>>)
      tpu.yield
    }) : () -> ()
    %add3A_25 = arith.constant 3840 : i32
    %add3A_26 = arith.addi %mul3A_2, %add3A_25 : i32
    "tpu.region"() ({
      %run_scoped3A = tpu.sem_alloc : memref<!tpu.dma_semaphore, #tpu.memory_space<semaphore_mem>>
      %dma_start3A_33 = tpu.memref_slice %arg3[%add3A_26] : memref<163840xi32, #tpu.memory_space<hbm>> -> memref<1280xi32, #tpu.memory_space<hbm>>
      %dma_start3A_34 = tpu.memref_slice %arg3[%add3A_26] : memref<163840xi32, #tpu.memory_space<hbm>> -> memref<1280xi32, #tpu.memory_space<hbm>>
      tpu.enqueue_dma source(%dma_start3A_34 : memref<1280xi32, #tpu.memory_space<hbm>>) target(%arg5 : memref<1280xi32, #tpu.memory_space<vmem>>) target_semaphore(%run_scoped3A : memref<!tpu.dma_semaphore, #tpu.memory_space<semaphore_mem>>)
      %dma_wait3A_35 = tpu.memref_slice %arg3[%add3A_26] : memref<163840xi32, #tpu.memory_space<hbm>> -> memref<1280xi32, #tpu.memory_space<hbm>>
      %dma_wait3A_36 = tpu.memref_slice %arg3[%add3A_26] : memref<163840xi32, #tpu.memory_space<hbm>> -> memref<1280xi32, #tpu.memory_space<hbm>>
      tpu.wait_dma2 semaphore(%run_scoped3A : memref<!tpu.dma_semaphore, #tpu.memory_space<semaphore_mem>>) src(%dma_wait3A_36 : memref<1280xi32, #tpu.memory_space<hbm>>) dst(%arg5 : memref<1280xi32, #tpu.memory_space<vmem>>)
      tpu.yield
    }) : () -> ()
    %dma_start3A_27 = arith.constant 0 : i32
    %dma_start3A_28 = arith.constant 0 : i32
    %dma_start3A_29 = tpu.memref_slice %arg2[%dma_start3A_27, %dma_start3A_28] : memref<1638400x64xf32, #tpu.memory_space<hbm>> -> memref<1638400x64xf32, #tpu.memory_space<hbm>>
    tpu.enqueue_indirect_dma source(%dma_start3A_29 : memref<1638400x64xf32, #tpu.memory_space<hbm>>) target(%arg6 : memref<1280x64xf32, #tpu.memory_space<vmem>>) offsets(%arg5 : memref<1280xi32, #tpu.memory_space<vmem>>) semaphore(%arg7 : memref<!tpu.dma_semaphore, #tpu.memory_space<semaphore_mem>>)
    %dma_wait3A_30 = arith.constant 0 : i32
    %dma_wait3A_31 = arith.constant 0 : i32
    %dma_wait3A_32 = tpu.memref_slice %arg2[%dma_wait3A_30, %dma_wait3A_31] : memref<1638400x64xf32, #tpu.memory_space<hbm>> -> memref<1638400x64xf32, #tpu.memory_space<hbm>>
    tpu.wait_indirect_dma semaphore(%arg7 : memref<!tpu.dma_semaphore, #tpu.memory_space<semaphore_mem>>) src(%dma_wait3A_32 : memref<1638400x64xf32, #tpu.memory_space<hbm>>) dst(%arg6 : memref<1280x64xf32, #tpu.memory_space<vmem>>)
    "tpu.region"() ({
      %run_scoped3A = tpu.sem_alloc : memref<!tpu.dma_semaphore, #tpu.memory_space<semaphore_mem>>
      %dma_start3A_33 = arith.constant 0 : i32
      %dma_start3A_34 = tpu.memref_slice %arg4[%add3A_26, %dma_start3A_33] : memref<163840x64xf32, #tpu.memory_space<hbm>> -> memref<1280x64xf32, #tpu.memory_space<hbm>>
      %dma_start3A_35 = arith.constant 0 : i32
      %dma_start3A_36 = tpu.memref_slice %arg4[%add3A_26, %dma_start3A_35] : memref<163840x64xf32, #tpu.memory_space<hbm>> -> memref<1280x64xf32, #tpu.memory_space<hbm>>
      tpu.enqueue_dma source(%arg6 : memref<1280x64xf32, #tpu.memory_space<vmem>>) target(%dma_start3A_36 : memref<1280x64xf32, #tpu.memory_space<hbm>>) target_semaphore(%run_scoped3A : memref<!tpu.dma_semaphore, #tpu.memory_space<semaphore_mem>>)
      %dma_wait3A_37 = arith.constant 0 : i32
      %dma_wait3A_38 = tpu.memref_slice %arg4[%add3A_26, %dma_wait3A_37] : memref<163840x64xf32, #tpu.memory_space<hbm>> -> memref<1280x64xf32, #tpu.memory_space<hbm>>
      %dma_wait3A_39 = arith.constant 0 : i32
      %dma_wait3A_40 = tpu.memref_slice %arg4[%add3A_26, %dma_wait3A_39] : memref<163840x64xf32, #tpu.memory_space<hbm>> -> memref<1280x64xf32, #tpu.memory_space<hbm>>
      tpu.wait_dma2 semaphore(%run_scoped3A : memref<!tpu.dma_semaphore, #tpu.memory_space<semaphore_mem>>) src(%arg6 : memref<1280x64xf32, #tpu.memory_space<vmem>>) dst(%dma_wait3A_40 : memref<1280x64xf32, #tpu.memory_space<hbm>>)
      tpu.yield
    }) : () -> ()
    return
  }
}

#map = affine_map<(d0, d1) -> (0, 0)>
#map1 = affine_map<(d0, d1) -> (0)>
module attributes {stable_mosaic.version = 14 : i64} {
  func.func @gather(%arg0: i32, %arg1: i32, %arg2: memref<10240x32xf32, #tpu.memory_space<hbm>>, %arg3: memref<163840xi32, #tpu.memory_space<hbm>>, %arg4: memref<163840x32xf32, #tpu.memory_space<hbm>>, %arg5: memref<1280xi32, #tpu.memory_space<vmem>>, %arg6: memref<1280x32xf32, #tpu.memory_space<vmem>>, %arg7: memref<!tpu.dma_semaphore, #tpu.memory_space<semaphore_mem>>) attributes {dimension_semantics = [#tpu.dimension_semantics<core_parallel>, #tpu.dimension_semantics<subcore_parallel>], iteration_bounds = array<i64: 2, 16>, scalar_prefetch = 0 : i64, scratch_operands = 3 : i64, tpu.core_type = #tpu.core_type<sc_vector_subcore>, window_params = [{transform_indices = #map}, {transform_indices = #map1}, {transform_indices = #map}]} {
    %mul3A = arith.constant 2 : i32
    %mul3A_0 = arith.muli %arg1, %mul3A : i32
    %add3A = arith.addi %mul3A_0, %arg0 : i32
    %mul3A_1 = arith.constant 5120 : i32
    %mul3A_2 = arith.muli %add3A, %mul3A_1 : i32
    %add3A_3 = arith.constant 0 : i32
    %add3A_4 = arith.addi %mul3A_2, %add3A_3 : i32
    "tpu.region"() ({
      %run_scoped3A = tpu.sem_alloc : memref<!tpu.dma_semaphore, #tpu.memory_space<semaphore_mem>>
      %dma_start3A_33 = tpu.memref_slice %arg3[%add3A_4] : memref<163840xi32, #tpu.memory_space<hbm>> -> memref<1280xi32, #tpu.memory_space<hbm>>
      %dma_start3A_34 = tpu.memref_slice %arg3[%add3A_4] : memref<163840xi32, #tpu.memory_space<hbm>> -> memref<1280xi32, #tpu.memory_space<hbm>>
      tpu.enqueue_dma source(%dma_start3A_34 : memref<1280xi32, #tpu.memory_space<hbm>>) target(%arg5 : memref<1280xi32, #tpu.memory_space<vmem>>) target_semaphore(%run_scoped3A : memref<!tpu.dma_semaphore, #tpu.memory_space<semaphore_mem>>)
      %dma_wait3A_35 = tpu.memref_slice %arg3[%add3A_4] : memref<163840xi32, #tpu.memory_space<hbm>> -> memref<1280xi32, #tpu.memory_space<hbm>>
      %dma_wait3A_36 = tpu.memref_slice %arg3[%add3A_4] : memref<163840xi32, #tpu.memory_space<hbm>> -> memref<1280xi32, #tpu.memory_space<hbm>>
      tpu.wait_dma2 semaphore(%run_scoped3A : memref<!tpu.dma_semaphore, #tpu.memory_space<semaphore_mem>>) src(%dma_wait3A_36 : memref<1280xi32, #tpu.memory_space<hbm>>) dst(%arg5 : memref<1280xi32, #tpu.memory_space<vmem>>)
      tpu.yield
    }) : () -> ()
    %dma_start3A = arith.constant 0 : i32
    %dma_start3A_5 = arith.constant 0 : i32
    %dma_start3A_6 = tpu.memref_slice %arg2[%dma_start3A, %dma_start3A_5] : memref<10240x32xf32, #tpu.memory_space<hbm>> -> memref<10240x32xf32, #tpu.memory_space<hbm>>
    tpu.enqueue_indirect_dma source(%dma_start3A_6 : memref<10240x32xf32, #tpu.memory_space<hbm>>) target(%arg6 : memref<1280x32xf32, #tpu.memory_space<vmem>>) offsets(%arg5 : memref<1280xi32, #tpu.memory_space<vmem>>) semaphore(%arg7 : memref<!tpu.dma_semaphore, #tpu.memory_space<semaphore_mem>>)
    %dma_wait3A = arith.constant 0 : i32
    %dma_wait3A_7 = arith.constant 0 : i32
    %dma_wait3A_8 = tpu.memref_slice %arg2[%dma_wait3A, %dma_wait3A_7] : memref<10240x32xf32, #tpu.memory_space<hbm>> -> memref<10240x32xf32, #tpu.memory_space<hbm>>
    tpu.wait_indirect_dma semaphore(%arg7 : memref<!tpu.dma_semaphore, #tpu.memory_space<semaphore_mem>>) src(%dma_wait3A_8 : memref<10240x32xf32, #tpu.memory_space<hbm>>) dst(%arg6 : memref<1280x32xf32, #tpu.memory_space<vmem>>)
    "tpu.region"() ({
      %run_scoped3A = tpu.sem_alloc : memref<!tpu.dma_semaphore, #tpu.memory_space<semaphore_mem>>
      %dma_start3A_33 = arith.constant 0 : i32
      %dma_start3A_34 = tpu.memref_slice %arg4[%add3A_4, %dma_start3A_33] : memref<163840x32xf32, #tpu.memory_space<hbm>> -> memref<1280x32xf32, #tpu.memory_space<hbm>>
      %dma_start3A_35 = arith.constant 0 : i32
      %dma_start3A_36 = tpu.memref_slice %arg4[%add3A_4, %dma_start3A_35] : memref<163840x32xf32, #tpu.memory_space<hbm>> -> memref<1280x32xf32, #tpu.memory_space<hbm>>
      tpu.enqueue_dma source(%arg6 : memref<1280x32xf32, #tpu.memory_space<vmem>>) target(%dma_start3A_36 : memref<1280x32xf32, #tpu.memory_space<hbm>>) target_semaphore(%run_scoped3A : memref<!tpu.dma_semaphore, #tpu.memory_space<semaphore_mem>>)
      %dma_wait3A_37 = arith.constant 0 : i32
      %dma_wait3A_38 = tpu.memref_slice %arg4[%add3A_4, %dma_wait3A_37] : memref<163840x32xf32, #tpu.memory_space<hbm>> -> memref<1280x32xf32, #tpu.memory_space<hbm>>
      %dma_wait3A_39 = arith.constant 0 : i32
      %dma_wait3A_40 = tpu.memref_slice %arg4[%add3A_4, %dma_wait3A_39] : memref<163840x32xf32, #tpu.memory_space<hbm>> -> memref<1280x32xf32, #tpu.memory_space<hbm>>
      tpu.wait_dma2 semaphore(%run_scoped3A : memref<!tpu.dma_semaphore, #tpu.memory_space<semaphore_mem>>) src(%arg6 : memref<1280x32xf32, #tpu.memory_space<vmem>>) dst(%dma_wait3A_40 : memref<1280x32xf32, #tpu.memory_space<hbm>>)
      tpu.yield
    }) : () -> ()
    %add3A_9 = arith.constant 1280 : i32
    %add3A_10 = arith.addi %mul3A_2, %add3A_9 : i32
    "tpu.region"() ({
      %run_scoped3A = tpu.sem_alloc : memref<!tpu.dma_semaphore, #tpu.memory_space<semaphore_mem>>
      %dma_start3A_33 = tpu.memref_slice %arg3[%add3A_10] : memref<163840xi32, #tpu.memory_space<hbm>> -> memref<1280xi32, #tpu.memory_space<hbm>>
      %dma_start3A_34 = tpu.memref_slice %arg3[%add3A_10] : memref<163840xi32, #tpu.memory_space<hbm>> -> memref<1280xi32, #tpu.memory_space<hbm>>
      tpu.enqueue_dma source(%dma_start3A_34 : memref<1280xi32, #tpu.memory_space<hbm>>) target(%arg5 : memref<1280xi32, #tpu.memory_space<vmem>>) target_semaphore(%run_scoped3A : memref<!tpu.dma_semaphore, #tpu.memory_space<semaphore_mem>>)
      %dma_wait3A_35 = tpu.memref_slice %arg3[%add3A_10] : memref<163840xi32, #tpu.memory_space<hbm>> -> memref<1280xi32, #tpu.memory_space<hbm>>
      %dma_wait3A_36 = tpu.memref_slice %arg3[%add3A_10] : memref<163840xi32, #tpu.memory_space<hbm>> -> memref<1280xi32, #tpu.memory_space<hbm>>
      tpu.wait_dma2 semaphore(%run_scoped3A : memref<!tpu.dma_semaphore, #tpu.memory_space<semaphore_mem>>) src(%dma_wait3A_36 : memref<1280xi32, #tpu.memory_space<hbm>>) dst(%arg5 : memref<1280xi32, #tpu.memory_space<vmem>>)
      tpu.yield
    }) : () -> ()
    %dma_start3A_11 = arith.constant 0 : i32
    %dma_start3A_12 = arith.constant 0 : i32
    %dma_start3A_13 = tpu.memref_slice %arg2[%dma_start3A_11, %dma_start3A_12] : memref<10240x32xf32, #tpu.memory_space<hbm>> -> memref<10240x32xf32, #tpu.memory_space<hbm>>
    tpu.enqueue_indirect_dma source(%dma_start3A_13 : memref<10240x32xf32, #tpu.memory_space<hbm>>) target(%arg6 : memref<1280x32xf32, #tpu.memory_space<vmem>>) offsets(%arg5 : memref<1280xi32, #tpu.memory_space<vmem>>) semaphore(%arg7 : memref<!tpu.dma_semaphore, #tpu.memory_space<semaphore_mem>>)
    %dma_wait3A_14 = arith.constant 0 : i32
    %dma_wait3A_15 = arith.constant 0 : i32
    %dma_wait3A_16 = tpu.memref_slice %arg2[%dma_wait3A_14, %dma_wait3A_15] : memref<10240x32xf32, #tpu.memory_space<hbm>> -> memref<10240x32xf32, #tpu.memory_space<hbm>>
    tpu.wait_indirect_dma semaphore(%arg7 : memref<!tpu.dma_semaphore, #tpu.memory_space<semaphore_mem>>) src(%dma_wait3A_16 : memref<10240x32xf32, #tpu.memory_space<hbm>>) dst(%arg6 : memref<1280x32xf32, #tpu.memory_space<vmem>>)
    "tpu.region"() ({
      %run_scoped3A = tpu.sem_alloc : memref<!tpu.dma_semaphore, #tpu.memory_space<semaphore_mem>>
      %dma_start3A_33 = arith.constant 0 : i32
      %dma_start3A_34 = tpu.memref_slice %arg4[%add3A_10, %dma_start3A_33] : memref<163840x32xf32, #tpu.memory_space<hbm>> -> memref<1280x32xf32, #tpu.memory_space<hbm>>
      %dma_start3A_35 = arith.constant 0 : i32
      %dma_start3A_36 = tpu.memref_slice %arg4[%add3A_10, %dma_start3A_35] : memref<163840x32xf32, #tpu.memory_space<hbm>> -> memref<1280x32xf32, #tpu.memory_space<hbm>>
      tpu.enqueue_dma source(%arg6 : memref<1280x32xf32, #tpu.memory_space<vmem>>) target(%dma_start3A_36 : memref<1280x32xf32, #tpu.memory_space<hbm>>) target_semaphore(%run_scoped3A : memref<!tpu.dma_semaphore, #tpu.memory_space<semaphore_mem>>)
      %dma_wait3A_37 = arith.constant 0 : i32
      %dma_wait3A_38 = tpu.memref_slice %arg4[%add3A_10, %dma_wait3A_37] : memref<163840x32xf32, #tpu.memory_space<hbm>> -> memref<1280x32xf32, #tpu.memory_space<hbm>>
      %dma_wait3A_39 = arith.constant 0 : i32
      %dma_wait3A_40 = tpu.memref_slice %arg4[%add3A_10, %dma_wait3A_39] : memref<163840x32xf32, #tpu.memory_space<hbm>> -> memref<1280x32xf32, #tpu.memory_space<hbm>>
      tpu.wait_dma2 semaphore(%run_scoped3A : memref<!tpu.dma_semaphore, #tpu.memory_space<semaphore_mem>>) src(%arg6 : memref<1280x32xf32, #tpu.memory_space<vmem>>) dst(%dma_wait3A_40 : memref<1280x32xf32, #tpu.memory_space<hbm>>)
      tpu.yield
    }) : () -> ()
    %add3A_17 = arith.constant 2560 : i32
    %add3A_18 = arith.addi %mul3A_2, %add3A_17 : i32
    "tpu.region"() ({
      %run_scoped3A = tpu.sem_alloc : memref<!tpu.dma_semaphore, #tpu.memory_space<semaphore_mem>>
      %dma_start3A_33 = tpu.memref_slice %arg3[%add3A_18] : memref<163840xi32, #tpu.memory_space<hbm>> -> memref<1280xi32, #tpu.memory_space<hbm>>
      %dma_start3A_34 = tpu.memref_slice %arg3[%add3A_18] : memref<163840xi32, #tpu.memory_space<hbm>> -> memref<1280xi32, #tpu.memory_space<hbm>>
      tpu.enqueue_dma source(%dma_start3A_34 : memref<1280xi32, #tpu.memory_space<hbm>>) target(%arg5 : memref<1280xi32, #tpu.memory_space<vmem>>) target_semaphore(%run_scoped3A : memref<!tpu.dma_semaphore, #tpu.memory_space<semaphore_mem>>)
      %dma_wait3A_35 = tpu.memref_slice %arg3[%add3A_18] : memref<163840xi32, #tpu.memory_space<hbm>> -> memref<1280xi32, #tpu.memory_space<hbm>>
      %dma_wait3A_36 = tpu.memref_slice %arg3[%add3A_18] : memref<163840xi32, #tpu.memory_space<hbm>> -> memref<1280xi32, #tpu.memory_space<hbm>>
      tpu.wait_dma2 semaphore(%run_scoped3A : memref<!tpu.dma_semaphore, #tpu.memory_space<semaphore_mem>>) src(%dma_wait3A_36 : memref<1280xi32, #tpu.memory_space<hbm>>) dst(%arg5 : memref<1280xi32, #tpu.memory_space<vmem>>)
      tpu.yield
    }) : () -> ()
    %dma_start3A_19 = arith.constant 0 : i32
    %dma_start3A_20 = arith.constant 0 : i32
    %dma_start3A_21 = tpu.memref_slice %arg2[%dma_start3A_19, %dma_start3A_20] : memref<10240x32xf32, #tpu.memory_space<hbm>> -> memref<10240x32xf32, #tpu.memory_space<hbm>>
    tpu.enqueue_indirect_dma source(%dma_start3A_21 : memref<10240x32xf32, #tpu.memory_space<hbm>>) target(%arg6 : memref<1280x32xf32, #tpu.memory_space<vmem>>) offsets(%arg5 : memref<1280xi32, #tpu.memory_space<vmem>>) semaphore(%arg7 : memref<!tpu.dma_semaphore, #tpu.memory_space<semaphore_mem>>)
    %dma_wait3A_22 = arith.constant 0 : i32
    %dma_wait3A_23 = arith.constant 0 : i32
    %dma_wait3A_24 = tpu.memref_slice %arg2[%dma_wait3A_22, %dma_wait3A_23] : memref<10240x32xf32, #tpu.memory_space<hbm>> -> memref<10240x32xf32, #tpu.memory_space<hbm>>
    tpu.wait_indirect_dma semaphore(%arg7 : memref<!tpu.dma_semaphore, #tpu.memory_space<semaphore_mem>>) src(%dma_wait3A_24 : memref<10240x32xf32, #tpu.memory_space<hbm>>) dst(%arg6 : memref<1280x32xf32, #tpu.memory_space<vmem>>)
    "tpu.region"() ({
      %run_scoped3A = tpu.sem_alloc : memref<!tpu.dma_semaphore, #tpu.memory_space<semaphore_mem>>
      %dma_start3A_33 = arith.constant 0 : i32
      %dma_start3A_34 = tpu.memref_slice %arg4[%add3A_18, %dma_start3A_33] : memref<163840x32xf32, #tpu.memory_space<hbm>> -> memref<1280x32xf32, #tpu.memory_space<hbm>>
      %dma_start3A_35 = arith.constant 0 : i32
      %dma_start3A_36 = tpu.memref_slice %arg4[%add3A_18, %dma_start3A_35] : memref<163840x32xf32, #tpu.memory_space<hbm>> -> memref<1280x32xf32, #tpu.memory_space<hbm>>
      tpu.enqueue_dma source(%arg6 : memref<1280x32xf32, #tpu.memory_space<vmem>>) target(%dma_start3A_36 : memref<1280x32xf32, #tpu.memory_space<hbm>>) target_semaphore(%run_scoped3A : memref<!tpu.dma_semaphore, #tpu.memory_space<semaphore_mem>>)
      %dma_wait3A_37 = arith.constant 0 : i32
      %dma_wait3A_38 = tpu.memref_slice %arg4[%add3A_18, %dma_wait3A_37] : memref<163840x32xf32, #tpu.memory_space<hbm>> -> memref<1280x32xf32, #tpu.memory_space<hbm>>
      %dma_wait3A_39 = arith.constant 0 : i32
      %dma_wait3A_40 = tpu.memref_slice %arg4[%add3A_18, %dma_wait3A_39] : memref<163840x32xf32, #tpu.memory_space<hbm>> -> memref<1280x32xf32, #tpu.memory_space<hbm>>
      tpu.wait_dma2 semaphore(%run_scoped3A : memref<!tpu.dma_semaphore, #tpu.memory_space<semaphore_mem>>) src(%arg6 : memref<1280x32xf32, #tpu.memory_space<vmem>>) dst(%dma_wait3A_40 : memref<1280x32xf32, #tpu.memory_space<hbm>>)
      tpu.yield
    }) : () -> ()
    %add3A_25 = arith.constant 3840 : i32
    %add3A_26 = arith.addi %mul3A_2, %add3A_25 : i32
    "tpu.region"() ({
      %run_scoped3A = tpu.sem_alloc : memref<!tpu.dma_semaphore, #tpu.memory_space<semaphore_mem>>
      %dma_start3A_33 = tpu.memref_slice %arg3[%add3A_26] : memref<163840xi32, #tpu.memory_space<hbm>> -> memref<1280xi32, #tpu.memory_space<hbm>>
      %dma_start3A_34 = tpu.memref_slice %arg3[%add3A_26] : memref<163840xi32, #tpu.memory_space<hbm>> -> memref<1280xi32, #tpu.memory_space<hbm>>
      tpu.enqueue_dma source(%dma_start3A_34 : memref<1280xi32, #tpu.memory_space<hbm>>) target(%arg5 : memref<1280xi32, #tpu.memory_space<vmem>>) target_semaphore(%run_scoped3A : memref<!tpu.dma_semaphore, #tpu.memory_space<semaphore_mem>>)
      %dma_wait3A_35 = tpu.memref_slice %arg3[%add3A_26] : memref<163840xi32, #tpu.memory_space<hbm>> -> memref<1280xi32, #tpu.memory_space<hbm>>
      %dma_wait3A_36 = tpu.memref_slice %arg3[%add3A_26] : memref<163840xi32, #tpu.memory_space<hbm>> -> memref<1280xi32, #tpu.memory_space<hbm>>
      tpu.wait_dma2 semaphore(%run_scoped3A : memref<!tpu.dma_semaphore, #tpu.memory_space<semaphore_mem>>) src(%dma_wait3A_36 : memref<1280xi32, #tpu.memory_space<hbm>>) dst(%arg5 : memref<1280xi32, #tpu.memory_space<vmem>>)
      tpu.yield
    }) : () -> ()
    %dma_start3A_27 = arith.constant 0 : i32
    %dma_start3A_28 = arith.constant 0 : i32
    %dma_start3A_29 = tpu.memref_slice %arg2[%dma_start3A_27, %dma_start3A_28] : memref<10240x32xf32, #tpu.memory_space<hbm>> -> memref<10240x32xf32, #tpu.memory_space<hbm>>
    tpu.enqueue_indirect_dma source(%dma_start3A_29 : memref<10240x32xf32, #tpu.memory_space<hbm>>) target(%arg6 : memref<1280x32xf32, #tpu.memory_space<vmem>>) offsets(%arg5 : memref<1280xi32, #tpu.memory_space<vmem>>) semaphore(%arg7 : memref<!tpu.dma_semaphore, #tpu.memory_space<semaphore_mem>>)
    %dma_wait3A_30 = arith.constant 0 : i32
    %dma_wait3A_31 = arith.constant 0 : i32
    %dma_wait3A_32 = tpu.memref_slice %arg2[%dma_wait3A_30, %dma_wait3A_31] : memref<10240x32xf32, #tpu.memory_space<hbm>> -> memref<10240x32xf32, #tpu.memory_space<hbm>>
    tpu.wait_indirect_dma semaphore(%arg7 : memref<!tpu.dma_semaphore, #tpu.memory_space<semaphore_mem>>) src(%dma_wait3A_32 : memref<10240x32xf32, #tpu.memory_space<hbm>>) dst(%arg6 : memref<1280x32xf32, #tpu.memory_space<vmem>>)
    "tpu.region"() ({
      %run_scoped3A = tpu.sem_alloc : memref<!tpu.dma_semaphore, #tpu.memory_space<semaphore_mem>>
      %dma_start3A_33 = arith.constant 0 : i32
      %dma_start3A_34 = tpu.memref_slice %arg4[%add3A_26, %dma_start3A_33] : memref<163840x32xf32, #tpu.memory_space<hbm>> -> memref<1280x32xf32, #tpu.memory_space<hbm>>
      %dma_start3A_35 = arith.constant 0 : i32
      %dma_start3A_36 = tpu.memref_slice %arg4[%add3A_26, %dma_start3A_35] : memref<163840x32xf32, #tpu.memory_space<hbm>> -> memref<1280x32xf32, #tpu.memory_space<hbm>>
      tpu.enqueue_dma source(%arg6 : memref<1280x32xf32, #tpu.memory_space<vmem>>) target(%dma_start3A_36 : memref<1280x32xf32, #tpu.memory_space<hbm>>) target_semaphore(%run_scoped3A : memref<!tpu.dma_semaphore, #tpu.memory_space<semaphore_mem>>)
      %dma_wait3A_37 = arith.constant 0 : i32
      %dma_wait3A_38 = tpu.memref_slice %arg4[%add3A_26, %dma_wait3A_37] : memref<163840x32xf32, #tpu.memory_space<hbm>> -> memref<1280x32xf32, #tpu.memory_space<hbm>>
      %dma_wait3A_39 = arith.constant 0 : i32
      %dma_wait3A_40 = tpu.memref_slice %arg4[%add3A_26, %dma_wait3A_39] : memref<163840x32xf32, #tpu.memory_space<hbm>> -> memref<1280x32xf32, #tpu.memory_space<hbm>>
      tpu.wait_dma2 semaphore(%run_scoped3A : memref<!tpu.dma_semaphore, #tpu.memory_space<semaphore_mem>>) src(%arg6 : memref<1280x32xf32, #tpu.memory_space<vmem>>) dst(%dma_wait3A_40 : memref<1280x32xf32, #tpu.memory_space<hbm>>)
      tpu.yield
    }) : () -> ()
    return
  }
}

#map = affine_map<(d0, d1) -> (0, 0)>
#map1 = affine_map<(d0, d1) -> (0)>
module attributes {stable_mosaic.version = 14 : i64} {
  func.func @gather(%arg0: i32, %arg1: i32, %arg2: memref<10240x32xf32, #tpu.memory_space<hbm>>, %arg3: memref<163840xi32, #tpu.memory_space<hbm>>, %arg4: memref<163840x32xf32, #tpu.memory_space<hbm>>, %arg5: memref<1280xi32, #tpu.memory_space<vmem>>, %arg6: memref<1280x32xf32, #tpu.memory_space<vmem>>, %arg7: memref<!tpu.dma_semaphore, #tpu.memory_space<semaphore_mem>>) attributes {dimension_semantics = [#tpu.dimension_semantics<core_parallel>, #tpu.dimension_semantics<subcore_parallel>], iteration_bounds = array<i64: 2, 16>, scalar_prefetch = 0 : i64, scratch_operands = 3 : i64, tpu.core_type = #tpu.core_type<sc_vector_subcore>, window_params = [{transform_indices = #map}, {transform_indices = #map1}, {transform_indices = #map}]} {
    %mul3A = arith.constant 2 : i32
    %mul3A_0 = arith.muli %arg1, %mul3A : i32
    %add3A = arith.addi %mul3A_0, %arg0 : i32
    %mul3A_1 = arith.constant 5120 : i32
    %mul3A_2 = arith.muli %add3A, %mul3A_1 : i32
    %add3A_3 = arith.constant 0 : i32
    %add3A_4 = arith.addi %mul3A_2, %add3A_3 : i32
    "tpu.region"() ({
      %run_scoped3A = tpu.sem_alloc : memref<!tpu.dma_semaphore, #tpu.memory_space<semaphore_mem>>
      %dma_start3A_33 = tpu.memref_slice %arg3[%add3A_4] : memref<163840xi32, #tpu.memory_space<hbm>> -> memref<1280xi32, #tpu.memory_space<hbm>>
      %dma_start3A_34 = tpu.memref_slice %arg3[%add3A_4] : memref<163840xi32, #tpu.memory_space<hbm>> -> memref<1280xi32, #tpu.memory_space<hbm>>
      tpu.enqueue_dma source(%dma_start3A_34 : memref<1280xi32, #tpu.memory_space<hbm>>) target(%arg5 : memref<1280xi32, #tpu.memory_space<vmem>>) target_semaphore(%run_scoped3A : memref<!tpu.dma_semaphore, #tpu.memory_space<semaphore_mem>>)
      %dma_wait3A_35 = tpu.memref_slice %arg3[%add3A_4] : memref<163840xi32, #tpu.memory_space<hbm>> -> memref<1280xi32, #tpu.memory_space<hbm>>
      %dma_wait3A_36 = tpu.memref_slice %arg3[%add3A_4] : memref<163840xi32, #tpu.memory_space<hbm>> -> memref<1280xi32, #tpu.memory_space<hbm>>
      tpu.wait_dma2 semaphore(%run_scoped3A : memref<!tpu.dma_semaphore, #tpu.memory_space<semaphore_mem>>) src(%dma_wait3A_36 : memref<1280xi32, #tpu.memory_space<hbm>>) dst(%arg5 : memref<1280xi32, #tpu.memory_space<vmem>>)
      tpu.yield
    }) : () -> ()
    %dma_start3A = arith.constant 0 : i32
    %dma_start3A_5 = arith.constant 0 : i32
    %dma_start3A_6 = tpu.memref_slice %arg2[%dma_start3A, %dma_start3A_5] : memref<10240x32xf32, #tpu.memory_space<hbm>> -> memref<10240x32xf32, #tpu.memory_space<hbm>>
    tpu.enqueue_indirect_dma source(%dma_start3A_6 : memref<10240x32xf32, #tpu.memory_space<hbm>>) target(%arg6 : memref<1280x32xf32, #tpu.memory_space<vmem>>) offsets(%arg5 : memref<1280xi32, #tpu.memory_space<vmem>>) semaphore(%arg7 : memref<!tpu.dma_semaphore, #tpu.memory_space<semaphore_mem>>)
    %dma_wait3A = arith.constant 0 : i32
    %dma_wait3A_7 = arith.constant 0 : i32
    %dma_wait3A_8 = tpu.memref_slice %arg2[%dma_wait3A, %dma_wait3A_7] : memref<10240x32xf32, #tpu.memory_space<hbm>> -> memref<10240x32xf32, #tpu.memory_space<hbm>>
    tpu.wait_indirect_dma semaphore(%arg7 : memref<!tpu.dma_semaphore, #tpu.memory_space<semaphore_mem>>) src(%dma_wait3A_8 : memref<10240x32xf32, #tpu.memory_space<hbm>>) dst(%arg6 : memref<1280x32xf32, #tpu.memory_space<vmem>>)
    "tpu.region"() ({
      %run_scoped3A = tpu.sem_alloc : memref<!tpu.dma_semaphore, #tpu.memory_space<semaphore_mem>>
      %dma_start3A_33 = arith.constant 0 : i32
      %dma_start3A_34 = tpu.memref_slice %arg4[%add3A_4, %dma_start3A_33] : memref<163840x32xf32, #tpu.memory_space<hbm>> -> memref<1280x32xf32, #tpu.memory_space<hbm>>
      %dma_start3A_35 = arith.constant 0 : i32
      %dma_start3A_36 = tpu.memref_slice %arg4[%add3A_4, %dma_start3A_35] : memref<163840x32xf32, #tpu.memory_space<hbm>> -> memref<1280x32xf32, #tpu.memory_space<hbm>>
      tpu.enqueue_dma source(%arg6 : memref<1280x32xf32, #tpu.memory_space<vmem>>) target(%dma_start3A_36 : memref<1280x32xf32, #tpu.memory_space<hbm>>) target_semaphore(%run_scoped3A : memref<!tpu.dma_semaphore, #tpu.memory_space<semaphore_mem>>)
      %dma_wait3A_37 = arith.constant 0 : i32
      %dma_wait3A_38 = tpu.memref_slice %arg4[%add3A_4, %dma_wait3A_37] : memref<163840x32xf32, #tpu.memory_space<hbm>> -> memref<1280x32xf32, #tpu.memory_space<hbm>>
      %dma_wait3A_39 = arith.constant 0 : i32
      %dma_wait3A_40 = tpu.memref_slice %arg4[%add3A_4, %dma_wait3A_39] : memref<163840x32xf32, #tpu.memory_space<hbm>> -> memref<1280x32xf32, #tpu.memory_space<hbm>>
      tpu.wait_dma2 semaphore(%run_scoped3A : memref<!tpu.dma_semaphore, #tpu.memory_space<semaphore_mem>>) src(%arg6 : memref<1280x32xf32, #tpu.memory_space<vmem>>) dst(%dma_wait3A_40 : memref<1280x32xf32, #tpu.memory_space<hbm>>)
      tpu.yield
    }) : () -> ()
    %add3A_9 = arith.constant 1280 : i32
    %add3A_10 = arith.addi %mul3A_2, %add3A_9 : i32
    "tpu.region"() ({
      %run_scoped3A = tpu.sem_alloc : memref<!tpu.dma_semaphore, #tpu.memory_space<semaphore_mem>>
      %dma_start3A_33 = tpu.memref_slice %arg3[%add3A_10] : memref<163840xi32, #tpu.memory_space<hbm>> -> memref<1280xi32, #tpu.memory_space<hbm>>
      %dma_start3A_34 = tpu.memref_slice %arg3[%add3A_10] : memref<163840xi32, #tpu.memory_space<hbm>> -> memref<1280xi32, #tpu.memory_space<hbm>>
      tpu.enqueue_dma source(%dma_start3A_34 : memref<1280xi32, #tpu.memory_space<hbm>>) target(%arg5 : memref<1280xi32, #tpu.memory_space<vmem>>) target_semaphore(%run_scoped3A : memref<!tpu.dma_semaphore, #tpu.memory_space<semaphore_mem>>)
      %dma_wait3A_35 = tpu.memref_slice %arg3[%add3A_10] : memref<163840xi32, #tpu.memory_space<hbm>> -> memref<1280xi32, #tpu.memory_space<hbm>>
      %dma_wait3A_36 = tpu.memref_slice %arg3[%add3A_10] : memref<163840xi32, #tpu.memory_space<hbm>> -> memref<1280xi32, #tpu.memory_space<hbm>>
      tpu.wait_dma2 semaphore(%run_scoped3A : memref<!tpu.dma_semaphore, #tpu.memory_space<semaphore_mem>>) src(%dma_wait3A_36 : memref<1280xi32, #tpu.memory_space<hbm>>) dst(%arg5 : memref<1280xi32, #tpu.memory_space<vmem>>)
      tpu.yield
    }) : () -> ()
    %dma_start3A_11 = arith.constant 0 : i32
    %dma_start3A_12 = arith.constant 0 : i32
    %dma_start3A_13 = tpu.memref_slice %arg2[%dma_start3A_11, %dma_start3A_12] : memref<10240x32xf32, #tpu.memory_space<hbm>> -> memref<10240x32xf32, #tpu.memory_space<hbm>>
    tpu.enqueue_indirect_dma source(%dma_start3A_13 : memref<10240x32xf32, #tpu.memory_space<hbm>>) target(%arg6 : memref<1280x32xf32, #tpu.memory_space<vmem>>) offsets(%arg5 : memref<1280xi32, #tpu.memory_space<vmem>>) semaphore(%arg7 : memref<!tpu.dma_semaphore, #tpu.memory_space<semaphore_mem>>)
    %dma_wait3A_14 = arith.constant 0 : i32
    %dma_wait3A_15 = arith.constant 0 : i32
    %dma_wait3A_16 = tpu.memref_slice %arg2[%dma_wait3A_14, %dma_wait3A_15] : memref<10240x32xf32, #tpu.memory_space<hbm>> -> memref<10240x32xf32, #tpu.memory_space<hbm>>
    tpu.wait_indirect_dma semaphore(%arg7 : memref<!tpu.dma_semaphore, #tpu.memory_space<semaphore_mem>>) src(%dma_wait3A_16 : memref<10240x32xf32, #tpu.memory_space<hbm>>) dst(%arg6 : memref<1280x32xf32, #tpu.memory_space<vmem>>)
    "tpu.region"() ({
      %run_scoped3A = tpu.sem_alloc : memref<!tpu.dma_semaphore, #tpu.memory_space<semaphore_mem>>
      %dma_start3A_33 = arith.constant 0 : i32
      %dma_start3A_34 = tpu.memref_slice %arg4[%add3A_10, %dma_start3A_33] : memref<163840x32xf32, #tpu.memory_space<hbm>> -> memref<1280x32xf32, #tpu.memory_space<hbm>>
      %dma_start3A_35 = arith.constant 0 : i32
      %dma_start3A_36 = tpu.memref_slice %arg4[%add3A_10, %dma_start3A_35] : memref<163840x32xf32, #tpu.memory_space<hbm>> -> memref<1280x32xf32, #tpu.memory_space<hbm>>
      tpu.enqueue_dma source(%arg6 : memref<1280x32xf32, #tpu.memory_space<vmem>>) target(%dma_start3A_36 : memref<1280x32xf32, #tpu.memory_space<hbm>>) target_semaphore(%run_scoped3A : memref<!tpu.dma_semaphore, #tpu.memory_space<semaphore_mem>>)
      %dma_wait3A_37 = arith.constant 0 : i32
      %dma_wait3A_38 = tpu.memref_slice %arg4[%add3A_10, %dma_wait3A_37] : memref<163840x32xf32, #tpu.memory_space<hbm>> -> memref<1280x32xf32, #tpu.memory_space<hbm>>
      %dma_wait3A_39 = arith.constant 0 : i32
      %dma_wait3A_40 = tpu.memref_slice %arg4[%add3A_10, %dma_wait3A_39] : memref<163840x32xf32, #tpu.memory_space<hbm>> -> memref<1280x32xf32, #tpu.memory_space<hbm>>
      tpu.wait_dma2 semaphore(%run_scoped3A : memref<!tpu.dma_semaphore, #tpu.memory_space<semaphore_mem>>) src(%arg6 : memref<1280x32xf32, #tpu.memory_space<vmem>>) dst(%dma_wait3A_40 : memref<1280x32xf32, #tpu.memory_space<hbm>>)
      tpu.yield
    }) : () -> ()
    %add3A_17 = arith.constant 2560 : i32
    %add3A_18 = arith.addi %mul3A_2, %add3A_17 : i32
    "tpu.region"() ({
      %run_scoped3A = tpu.sem_alloc : memref<!tpu.dma_semaphore, #tpu.memory_space<semaphore_mem>>
      %dma_start3A_33 = tpu.memref_slice %arg3[%add3A_18] : memref<163840xi32, #tpu.memory_space<hbm>> -> memref<1280xi32, #tpu.memory_space<hbm>>
      %dma_start3A_34 = tpu.memref_slice %arg3[%add3A_18] : memref<163840xi32, #tpu.memory_space<hbm>> -> memref<1280xi32, #tpu.memory_space<hbm>>
      tpu.enqueue_dma source(%dma_start3A_34 : memref<1280xi32, #tpu.memory_space<hbm>>) target(%arg5 : memref<1280xi32, #tpu.memory_space<vmem>>) target_semaphore(%run_scoped3A : memref<!tpu.dma_semaphore, #tpu.memory_space<semaphore_mem>>)
      %dma_wait3A_35 = tpu.memref_slice %arg3[%add3A_18] : memref<163840xi32, #tpu.memory_space<hbm>> -> memref<1280xi32, #tpu.memory_space<hbm>>
      %dma_wait3A_36 = tpu.memref_slice %arg3[%add3A_18] : memref<163840xi32, #tpu.memory_space<hbm>> -> memref<1280xi32, #tpu.memory_space<hbm>>
      tpu.wait_dma2 semaphore(%run_scoped3A : memref<!tpu.dma_semaphore, #tpu.memory_space<semaphore_mem>>) src(%dma_wait3A_36 : memref<1280xi32, #tpu.memory_space<hbm>>) dst(%arg5 : memref<1280xi32, #tpu.memory_space<vmem>>)
      tpu.yield
    }) : () -> ()
    %dma_start3A_19 = arith.constant 0 : i32
    %dma_start3A_20 = arith.constant 0 : i32
    %dma_start3A_21 = tpu.memref_slice %arg2[%dma_start3A_19, %dma_start3A_20] : memref<10240x32xf32, #tpu.memory_space<hbm>> -> memref<10240x32xf32, #tpu.memory_space<hbm>>
    tpu.enqueue_indirect_dma source(%dma_start3A_21 : memref<10240x32xf32, #tpu.memory_space<hbm>>) target(%arg6 : memref<1280x32xf32, #tpu.memory_space<vmem>>) offsets(%arg5 : memref<1280xi32, #tpu.memory_space<vmem>>) semaphore(%arg7 : memref<!tpu.dma_semaphore, #tpu.memory_space<semaphore_mem>>)
    %dma_wait3A_22 = arith.constant 0 : i32
    %dma_wait3A_23 = arith.constant 0 : i32
    %dma_wait3A_24 = tpu.memref_slice %arg2[%dma_wait3A_22, %dma_wait3A_23] : memref<10240x32xf32, #tpu.memory_space<hbm>> -> memref<10240x32xf32, #tpu.memory_space<hbm>>
    tpu.wait_indirect_dma semaphore(%arg7 : memref<!tpu.dma_semaphore, #tpu.memory_space<semaphore_mem>>) src(%dma_wait3A_24 : memref<10240x32xf32, #tpu.memory_space<hbm>>) dst(%arg6 : memref<1280x32xf32, #tpu.memory_space<vmem>>)
    "tpu.region"() ({
      %run_scoped3A = tpu.sem_alloc : memref<!tpu.dma_semaphore, #tpu.memory_space<semaphore_mem>>
      %dma_start3A_33 = arith.constant 0 : i32
      %dma_start3A_34 = tpu.memref_slice %arg4[%add3A_18, %dma_start3A_33] : memref<163840x32xf32, #tpu.memory_space<hbm>> -> memref<1280x32xf32, #tpu.memory_space<hbm>>
      %dma_start3A_35 = arith.constant 0 : i32
      %dma_start3A_36 = tpu.memref_slice %arg4[%add3A_18, %dma_start3A_35] : memref<163840x32xf32, #tpu.memory_space<hbm>> -> memref<1280x32xf32, #tpu.memory_space<hbm>>
      tpu.enqueue_dma source(%arg6 : memref<1280x32xf32, #tpu.memory_space<vmem>>) target(%dma_start3A_36 : memref<1280x32xf32, #tpu.memory_space<hbm>>) target_semaphore(%run_scoped3A : memref<!tpu.dma_semaphore, #tpu.memory_space<semaphore_mem>>)
      %dma_wait3A_37 = arith.constant 0 : i32
      %dma_wait3A_38 = tpu.memref_slice %arg4[%add3A_18, %dma_wait3A_37] : memref<163840x32xf32, #tpu.memory_space<hbm>> -> memref<1280x32xf32, #tpu.memory_space<hbm>>
      %dma_wait3A_39 = arith.constant 0 : i32
      %dma_wait3A_40 = tpu.memref_slice %arg4[%add3A_18, %dma_wait3A_39] : memref<163840x32xf32, #tpu.memory_space<hbm>> -> memref<1280x32xf32, #tpu.memory_space<hbm>>
      tpu.wait_dma2 semaphore(%run_scoped3A : memref<!tpu.dma_semaphore, #tpu.memory_space<semaphore_mem>>) src(%arg6 : memref<1280x32xf32, #tpu.memory_space<vmem>>) dst(%dma_wait3A_40 : memref<1280x32xf32, #tpu.memory_space<hbm>>)
      tpu.yield
    }) : () -> ()
    %add3A_25 = arith.constant 3840 : i32
    %add3A_26 = arith.addi %mul3A_2, %add3A_25 : i32
    "tpu.region"() ({
      %run_scoped3A = tpu.sem_alloc : memref<!tpu.dma_semaphore, #tpu.memory_space<semaphore_mem>>
      %dma_start3A_33 = tpu.memref_slice %arg3[%add3A_26] : memref<163840xi32, #tpu.memory_space<hbm>> -> memref<1280xi32, #tpu.memory_space<hbm>>
      %dma_start3A_34 = tpu.memref_slice %arg3[%add3A_26] : memref<163840xi32, #tpu.memory_space<hbm>> -> memref<1280xi32, #tpu.memory_space<hbm>>
      tpu.enqueue_dma source(%dma_start3A_34 : memref<1280xi32, #tpu.memory_space<hbm>>) target(%arg5 : memref<1280xi32, #tpu.memory_space<vmem>>) target_semaphore(%run_scoped3A : memref<!tpu.dma_semaphore, #tpu.memory_space<semaphore_mem>>)
      %dma_wait3A_35 = tpu.memref_slice %arg3[%add3A_26] : memref<163840xi32, #tpu.memory_space<hbm>> -> memref<1280xi32, #tpu.memory_space<hbm>>
      %dma_wait3A_36 = tpu.memref_slice %arg3[%add3A_26] : memref<163840xi32, #tpu.memory_space<hbm>> -> memref<1280xi32, #tpu.memory_space<hbm>>
      tpu.wait_dma2 semaphore(%run_scoped3A : memref<!tpu.dma_semaphore, #tpu.memory_space<semaphore_mem>>) src(%dma_wait3A_36 : memref<1280xi32, #tpu.memory_space<hbm>>) dst(%arg5 : memref<1280xi32, #tpu.memory_space<vmem>>)
      tpu.yield
    }) : () -> ()
    %dma_start3A_27 = arith.constant 0 : i32
    %dma_start3A_28 = arith.constant 0 : i32
    %dma_start3A_29 = tpu.memref_slice %arg2[%dma_start3A_27, %dma_start3A_28] : memref<10240x32xf32, #tpu.memory_space<hbm>> -> memref<10240x32xf32, #tpu.memory_space<hbm>>
    tpu.enqueue_indirect_dma source(%dma_start3A_29 : memref<10240x32xf32, #tpu.memory_space<hbm>>) target(%arg6 : memref<1280x32xf32, #tpu.memory_space<vmem>>) offsets(%arg5 : memref<1280xi32, #tpu.memory_space<vmem>>) semaphore(%arg7 : memref<!tpu.dma_semaphore, #tpu.memory_space<semaphore_mem>>)
    %dma_wait3A_30 = arith.constant 0 : i32
    %dma_wait3A_31 = arith.constant 0 : i32
    %dma_wait3A_32 = tpu.memref_slice %arg2[%dma_wait3A_30, %dma_wait3A_31] : memref<10240x32xf32, #tpu.memory_space<hbm>> -> memref<10240x32xf32, #tpu.memory_space<hbm>>
    tpu.wait_indirect_dma semaphore(%arg7 : memref<!tpu.dma_semaphore, #tpu.memory_space<semaphore_mem>>) src(%dma_wait3A_32 : memref<10240x32xf32, #tpu.memory_space<hbm>>) dst(%arg6 : memref<1280x32xf32, #tpu.memory_space<vmem>>)
    "tpu.region"() ({
      %run_scoped3A = tpu.sem_alloc : memref<!tpu.dma_semaphore, #tpu.memory_space<semaphore_mem>>
      %dma_start3A_33 = arith.constant 0 : i32
      %dma_start3A_34 = tpu.memref_slice %arg4[%add3A_26, %dma_start3A_33] : memref<163840x32xf32, #tpu.memory_space<hbm>> -> memref<1280x32xf32, #tpu.memory_space<hbm>>
      %dma_start3A_35 = arith.constant 0 : i32
      %dma_start3A_36 = tpu.memref_slice %arg4[%add3A_26, %dma_start3A_35] : memref<163840x32xf32, #tpu.memory_space<hbm>> -> memref<1280x32xf32, #tpu.memory_space<hbm>>
      tpu.enqueue_dma source(%arg6 : memref<1280x32xf32, #tpu.memory_space<vmem>>) target(%dma_start3A_36 : memref<1280x32xf32, #tpu.memory_space<hbm>>) target_semaphore(%run_scoped3A : memref<!tpu.dma_semaphore, #tpu.memory_space<semaphore_mem>>)
      %dma_wait3A_37 = arith.constant 0 : i32
      %dma_wait3A_38 = tpu.memref_slice %arg4[%add3A_26, %dma_wait3A_37] : memref<163840x32xf32, #tpu.memory_space<hbm>> -> memref<1280x32xf32, #tpu.memory_space<hbm>>
      %dma_wait3A_39 = arith.constant 0 : i32
      %dma_wait3A_40 = tpu.memref_slice %arg4[%add3A_26, %dma_wait3A_39] : memref<163840x32xf32, #tpu.memory_space<hbm>> -> memref<1280x32xf32, #tpu.memory_space<hbm>>
      tpu.wait_dma2 semaphore(%run_scoped3A : memref<!tpu.dma_semaphore, #tpu.memory_space<semaphore_mem>>) src(%arg6 : memref<1280x32xf32, #tpu.memory_space<vmem>>) dst(%dma_wait3A_40 : memref<1280x32xf32, #tpu.memory_space<hbm>>)
      tpu.yield
    }) : () -> ()
    return
  }
}

module attributes {stable_mosaic.version = 14 : i64} {
  func.func @_knn_body(%arg0: i32, %arg1: memref<256x8xf32, #tpu.memory_space<vmem>>, %arg2: memref<8x10240xf32, #tpu.memory_space<vmem>>, %arg3: memref<256x10240xf32, #tpu.memory_space<vmem>>, %arg4: memref<256x16xi32, #tpu.memory_space<vmem>>, %arg5: memref<256x16xi32, #tpu.memory_space<vmem>>) attributes {dimension_semantics = [#tpu.dimension_semantics<arbitrary>], iteration_bounds = array<i64: 40>, scalar_prefetch = 0 : i64, scratch_operands = 0 : i64, tpu.core_type = #tpu.core_type<tc>, window_params = [{transform_indices = @transform_0, window_bounds = array<i64: 256, 8>}, {pipeline_mode = #tpu.pipeline_mode<synchronous>, transform_indices = @transform_1, window_bounds = array<i64: 8, 10240>}, {transform_indices = @transform_2, window_bounds = array<i64: 256, 10240>}, {transform_indices = @transform_3, window_bounds = array<i64: 256, 16>}, {transform_indices = @transform_4, window_bounds = array<i64: 256, 16>}]} {
    %get3A = arith.constant 0 : index
    %get3A_0 = arith.constant 0 : index
    %get3A_1 = vector.load %arg1[%get3A, %get3A_0] : memref<256x8xf32, #tpu.memory_space<vmem>>, vector<256x8xf32>
    %get3A_2 = arith.constant 0 : index
    %get3A_3 = arith.constant 0 : index
    %get3A_4 = vector.load %arg2[%get3A_2, %get3A_3] : memref<8x10240xf32, #tpu.memory_space<vmem>>, vector<8x10240xf32>
    %dot_general3A = arith.constant dense<0.000000e+00> : vector<256x10240xf32>
    %dot_general3A_5 = tpu.matmul %get3A_1, %get3A_4, %dot_general3A {dimension_numbers = #tpu.dot_dimension_numbers<[1], [0], [0], [1], [0, 0, 1, 1], [], []>, transpose_lhs_hint = false} : vector<256x8xf32>, vector<8x10240xf32>, vector<256x10240xf32> -> vector<256x10240xf32>
    %mul3A = arith.mulf %get3A_1, %get3A_1 : vector<256x8xf32>
    %reduce_sum3A = arith.constant dense<0.000000e+00> : vector<256xf32>
    %reduce_sum3A_6 = vector.multi_reduction <add>, %mul3A, %reduce_sum3A [1] : vector<256x8xf32> to vector<256xf32>
    %broadcast_in_dim3A = vector.shape_cast %reduce_sum3A_6 : vector<256xf32> to vector<256x1xf32>
    %mul3A_7 = arith.mulf %get3A_4, %get3A_4 : vector<8x10240xf32>
    %reduce_sum3A_8 = arith.constant dense<0.000000e+00> : vector<10240xf32>
    %reduce_sum3A_9 = vector.multi_reduction <add>, %mul3A_7, %reduce_sum3A_8 [0] : vector<8x10240xf32> to vector<10240xf32>
    %broadcast_in_dim3A_10 = vector.shape_cast %reduce_sum3A_9 : vector<10240xf32> to vector<1x10240xf32>
    %add3A = vector.broadcast %broadcast_in_dim3A : vector<256x1xf32> to vector<256x10240xf32>
    %add3A_11 = vector.broadcast %broadcast_in_dim3A_10 : vector<1x10240xf32> to vector<256x10240xf32>
    %add3A_12 = arith.addf %add3A, %add3A_11 : vector<256x10240xf32>
    %mul3A_13 = arith.constant 2.000000e+00 : f32
    %mul3A_14 = vector.broadcast %mul3A_13 : f32 to vector<256x10240xf32>
    %mul3A_15 = arith.mulf %mul3A_14, %dot_general3A_5 : vector<256x10240xf32>
    %sub3A = arith.subf %add3A_12, %mul3A_15 : vector<256x10240xf32>
    %iota3A = tpu.iota {dimensions = array<i32: 1>} : vector<256x10240xi32>
    %ge3A = arith.constant 10000 : i32
    %ge3A_16 = vector.broadcast %ge3A : i32 to vector<256x10240xi32>
    %ge3A_17 = arith.cmpi sge, %iota3A, %ge3A_16 : vector<256x10240xi32>
    %neg3A = arith.constant 0.000000e+00 : f32
    %neg3A_18 = vector.broadcast %neg3A : f32 to vector<256x10240xf32>
    %neg3A_19 = arith.subf %neg3A_18, %sub3A : vector<256x10240xf32>
    %jit3A = arith.constant 0xFF800000 : f32
    %broadcast_in_dim3A_20 = vector.broadcast %jit3A : f32 to vector<256x10240xf32>
    %select_n3A = arith.select %ge3A_17, %broadcast_in_dim3A_20, %neg3A_19 : vector<256x10240xi1>, vector<256x10240xf32>
    %swap3A = arith.constant 0 : index
    %swap3A_21 = arith.constant 0 : index
    %swap3A_22 = vector.load %arg3[%swap3A, %swap3A_21] : memref<256x10240xf32, #tpu.memory_space<vmem>>, vector<256x10240xf32>
    tpu.vector_store %arg3[%swap3A, %swap3A_21], %select_n3A {strides = array<i32>} : memref<256x10240xf32, #tpu.memory_space<vmem>>, vector<256x10240xf32>,
    %reshape3A = vector.shape_cast %select_n3A : vector<256x10240xf32> to vector<256x160x64xf32>
    %reduce_max3A = arith.constant dense<0xFF800000> : vector<256x160xf32>
    %reduce_max3A_23 = vector.multi_reduction <maximumf>, %reshape3A, %reduce_max3A [2] : vector<256x160x64xf32> to vector<256x160xf32>
    %iota3A_24 = tpu.iota {dimensions = array<i32: 1>} : vector<256x160xi32>
    %argmax3A = tpu.reduce_index %reduce_max3A_23 {axis = 1 : i32, kind = #tpu.reduction_kind<arg_max>} : vector<256x160xf32> -> vector<256xi32>
    %reshape3A_25 = vector.shape_cast %argmax3A : vector<256xi32> to vector<256x1xi32>
    %broadcast_in_dim3A_26 = vector.shape_cast %argmax3A : vector<256xi32> to vector<256x1xi32>
    %eq3A = vector.broadcast %broadcast_in_dim3A_26 : vector<256x1xi32> to vector<256x160xi32>
    %eq3A_27 = arith.cmpi eq, %iota3A_24, %eq3A : vector<256x160xi32>
    %jit3A_28 = arith.constant 0xFF800000 : f32
    %broadcast_in_dim3A_29 = vector.broadcast %jit3A_28 : f32 to vector<256x160xf32>
    %select_n3A_30 = arith.select %eq3A_27, %broadcast_in_dim3A_29, %reduce_max3A_23 : vector<256x160xi1>, vector<256x160xf32>
    %argmax3A_31 = tpu.reduce_index %select_n3A_30 {axis = 1 : i32, kind = #tpu.reduction_kind<arg_max>} : vector<256x160xf32> -> vector<256xi32>
    %reshape3A_32 = vector.shape_cast %argmax3A_31 : vector<256xi32> to vector<256x1xi32>
    %broadcast_in_dim3A_33 = vector.shape_cast %argmax3A_31 : vector<256xi32> to vector<256x1xi32>
    %eq3A_34 = vector.broadcast %broadcast_in_dim3A_33 : vector<256x1xi32> to vector<256x160xi32>
    %eq3A_35 = arith.cmpi eq, %iota3A_24, %eq3A_34 : vector<256x160xi32>
    %jit3A_36 = arith.constant 0xFF800000 : f32
    %broadcast_in_dim3A_37 = vector.broadcast %jit3A_36 : f32 to vector<256x160xf32>
    %select_n3A_38 = arith.select %eq3A_35, %broadcast_in_dim3A_37, %select_n3A_30 : vector<256x160xi1>, vector<256x160xf32>
    %argmax3A_39 = tpu.reduce_index %select_n3A_38 {axis = 1 : i32, kind = #tpu.reduction_kind<arg_max>} : vector<256x160xf32> -> vector<256xi32>
    %reshape3A_40 = vector.shape_cast %argmax3A_39 : vector<256xi32> to vector<256x1xi32>
    %broadcast_in_dim3A_41 = vector.shape_cast %argmax3A_39 : vector<256xi32> to vector<256x1xi32>
    %eq3A_42 = vector.broadcast %broadcast_in_dim3A_41 : vector<256x1xi32> to vector<256x160xi32>
    %eq3A_43 = arith.cmpi eq, %iota3A_24, %eq3A_42 : vector<256x160xi32>
    %jit3A_44 = arith.constant 0xFF800000 : f32
    %broadcast_in_dim3A_45 = vector.broadcast %jit3A_44 : f32 to vector<256x160xf32>
    %select_n3A_46 = arith.select %eq3A_43, %broadcast_in_dim3A_45, %select_n3A_38 : vector<256x160xi1>, vector<256x160xf32>
    %argmax3A_47 = tpu.reduce_index %select_n3A_46 {axis = 1 : i32, kind = #tpu.reduction_kind<arg_max>} : vector<256x160xf32> -> vector<256xi32>
    %reshape3A_48 = vector.shape_cast %argmax3A_47 : vector<256xi32> to vector<256x1xi32>
    %broadcast_in_dim3A_49 = vector.shape_cast %argmax3A_47 : vector<256xi32> to vector<256x1xi32>
    %eq3A_50 = vector.broadcast %broadcast_in_dim3A_49 : vector<256x1xi32> to vector<256x160xi32>
    %eq3A_51 = arith.cmpi eq, %iota3A_24, %eq3A_50 : vector<256x160xi32>
    %jit3A_52 = arith.constant 0xFF800000 : f32
    %broadcast_in_dim3A_53 = vector.broadcast %jit3A_52 : f32 to vector<256x160xf32>
    %select_n3A_54 = arith.select %eq3A_51, %broadcast_in_dim3A_53, %select_n3A_46 : vector<256x160xi1>, vector<256x160xf32>
    %argmax3A_55 = tpu.reduce_index %select_n3A_54 {axis = 1 : i32, kind = #tpu.reduction_kind<arg_max>} : vector<256x160xf32> -> vector<256xi32>
    %reshape3A_56 = vector.shape_cast %argmax3A_55 : vector<256xi32> to vector<256x1xi32>
    %broadcast_in_dim3A_57 = vector.shape_cast %argmax3A_55 : vector<256xi32> to vector<256x1xi32>
    %eq3A_58 = vector.broadcast %broadcast_in_dim3A_57 : vector<256x1xi32> to vector<256x160xi32>
    %eq3A_59 = arith.cmpi eq, %iota3A_24, %eq3A_58 : vector<256x160xi32>
    %jit3A_60 = arith.constant 0xFF800000 : f32
    %broadcast_in_dim3A_61 = vector.broadcast %jit3A_60 : f32 to vector<256x160xf32>
    %select_n3A_62 = arith.select %eq3A_59, %broadcast_in_dim3A_61, %select_n3A_54 : vector<256x160xi1>, vector<256x160xf32>
    %argmax3A_63 = tpu.reduce_index %select_n3A_62 {axis = 1 : i32, kind = #tpu.reduction_kind<arg_max>} : vector<256x160xf32> -> vector<256xi32>
    %reshape3A_64 = vector.shape_cast %argmax3A_63 : vector<256xi32> to vector<256x1xi32>
    %broadcast_in_dim3A_65 = vector.shape_cast %argmax3A_63 : vector<256xi32> to vector<256x1xi32>
    %eq3A_66 = vector.broadcast %broadcast_in_dim3A_65 : vector<256x1xi32> to vector<256x160xi32>
    %eq3A_67 = arith.cmpi eq, %iota3A_24, %eq3A_66 : vector<256x160xi32>
    %jit3A_68 = arith.constant 0xFF800000 : f32
    %broadcast_in_dim3A_69 = vector.broadcast %jit3A_68 : f32 to vector<256x160xf32>
    %select_n3A_70 = arith.select %eq3A_67, %broadcast_in_dim3A_69, %select_n3A_62 : vector<256x160xi1>, vector<256x160xf32>
    %argmax3A_71 = tpu.reduce_index %select_n3A_70 {axis = 1 : i32, kind = #tpu.reduction_kind<arg_max>} : vector<256x160xf32> -> vector<256xi32>
    %reshape3A_72 = vector.shape_cast %argmax3A_71 : vector<256xi32> to vector<256x1xi32>
    %broadcast_in_dim3A_73 = vector.shape_cast %argmax3A_71 : vector<256xi32> to vector<256x1xi32>
    %eq3A_74 = vector.broadcast %broadcast_in_dim3A_73 : vector<256x1xi32> to vector<256x160xi32>
    %eq3A_75 = arith.cmpi eq, %iota3A_24, %eq3A_74 : vector<256x160xi32>
    %jit3A_76 = arith.constant 0xFF800000 : f32
    %broadcast_in_dim3A_77 = vector.broadcast %jit3A_76 : f32 to vector<256x160xf32>
    %select_n3A_78 = arith.select %eq3A_75, %broadcast_in_dim3A_77, %select_n3A_70 : vector<256x160xi1>, vector<256x160xf32>
    %argmax3A_79 = tpu.reduce_index %select_n3A_78 {axis = 1 : i32, kind = #tpu.reduction_kind<arg_max>} : vector<256x160xf32> -> vector<256xi32>
    %reshape3A_80 = vector.shape_cast %argmax3A_79 : vector<256xi32> to vector<256x1xi32>
    %broadcast_in_dim3A_81 = vector.shape_cast %argmax3A_79 : vector<256xi32> to vector<256x1xi32>
    %eq3A_82 = vector.broadcast %broadcast_in_dim3A_81 : vector<256x1xi32> to vector<256x160xi32>
    %eq3A_83 = arith.cmpi eq, %iota3A_24, %eq3A_82 : vector<256x160xi32>
    %jit3A_84 = arith.constant 0xFF800000 : f32
    %broadcast_in_dim3A_85 = vector.broadcast %jit3A_84 : f32 to vector<256x160xf32>
    %select_n3A_86 = arith.select %eq3A_83, %broadcast_in_dim3A_85, %select_n3A_78 : vector<256x160xi1>, vector<256x160xf32>
    %argmax3A_87 = tpu.reduce_index %select_n3A_86 {axis = 1 : i32, kind = #tpu.reduction_kind<arg_max>} : vector<256x160xf32> -> vector<256xi32>
    %reshape3A_88 = vector.shape_cast %argmax3A_87 : vector<256xi32> to vector<256x1xi32>
    %broadcast_in_dim3A_89 = vector.shape_cast %argmax3A_87 : vector<256xi32> to vector<256x1xi32>
    %eq3A_90 = vector.broadcast %broadcast_in_dim3A_89 : vector<256x1xi32> to vector<256x160xi32>
    %eq3A_91 = arith.cmpi eq, %iota3A_24, %eq3A_90 : vector<256x160xi32>
    %jit3A_92 = arith.constant 0xFF800000 : f32
    %broadcast_in_dim3A_93 = vector.broadcast %jit3A_92 : f32 to vector<256x160xf32>
    %select_n3A_94 = arith.select %eq3A_91, %broadcast_in_dim3A_93, %select_n3A_86 : vector<256x160xi1>, vector<256x160xf32>
    %argmax3A_95 = tpu.reduce_index %select_n3A_94 {axis = 1 : i32, kind = #tpu.reduction_kind<arg_max>} : vector<256x160xf32> -> vector<256xi32>
    %reshape3A_96 = vector.shape_cast %argmax3A_95 : vector<256xi32> to vector<256x1xi32>
    %broadcast_in_dim3A_97 = vector.shape_cast %argmax3A_95 : vector<256xi32> to vector<256x1xi32>
    %eq3A_98 = vector.broadcast %broadcast_in_dim3A_97 : vector<256x1xi32> to vector<256x160xi32>
    %eq3A_99 = arith.cmpi eq, %iota3A_24, %eq3A_98 : vector<256x160xi32>
    %jit3A_100 = arith.constant 0xFF800000 : f32
    %broadcast_in_dim3A_101 = vector.broadcast %jit3A_100 : f32 to vector<256x160xf32>
    %select_n3A_102 = arith.select %eq3A_99, %broadcast_in_dim3A_101, %select_n3A_94 : vector<256x160xi1>, vector<256x160xf32>
    %argmax3A_103 = tpu.reduce_index %select_n3A_102 {axis = 1 : i32, kind = #tpu.reduction_kind<arg_max>} : vector<256x160xf32> -> vector<256xi32>
    %reshape3A_104 = vector.shape_cast %argmax3A_103 : vector<256xi32> to vector<256x1xi32>
    %broadcast_in_dim3A_105 = vector.shape_cast %argmax3A_103 : vector<256xi32> to vector<256x1xi32>
    %eq3A_106 = vector.broadcast %broadcast_in_dim3A_105 : vector<256x1xi32> to vector<256x160xi32>
    %eq3A_107 = arith.cmpi eq, %iota3A_24, %eq3A_106 : vector<256x160xi32>
    %jit3A_108 = arith.constant 0xFF800000 : f32
    %broadcast_in_dim3A_109 = vector.broadcast %jit3A_108 : f32 to vector<256x160xf32>
    %select_n3A_110 = arith.select %eq3A_107, %broadcast_in_dim3A_109, %select_n3A_102 : vector<256x160xi1>, vector<256x160xf32>
    %argmax3A_111 = tpu.reduce_index %select_n3A_110 {axis = 1 : i32, kind = #tpu.reduction_kind<arg_max>} : vector<256x160xf32> -> vector<256xi32>
    %reshape3A_112 = vector.shape_cast %argmax3A_111 : vector<256xi32> to vector<256x1xi32>
    %broadcast_in_dim3A_113 = vector.shape_cast %argmax3A_111 : vector<256xi32> to vector<256x1xi32>
    %eq3A_114 = vector.broadcast %broadcast_in_dim3A_113 : vector<256x1xi32> to vector<256x160xi32>
    %eq3A_115 = arith.cmpi eq, %iota3A_24, %eq3A_114 : vector<256x160xi32>
    %jit3A_116 = arith.constant 0xFF800000 : f32
    %broadcast_in_dim3A_117 = vector.broadcast %jit3A_116 : f32 to vector<256x160xf32>
    %select_n3A_118 = arith.select %eq3A_115, %broadcast_in_dim3A_117, %select_n3A_110 : vector<256x160xi1>, vector<256x160xf32>
    %argmax3A_119 = tpu.reduce_index %select_n3A_118 {axis = 1 : i32, kind = #tpu.reduction_kind<arg_max>} : vector<256x160xf32> -> vector<256xi32>
    %reshape3A_120 = vector.shape_cast %argmax3A_119 : vector<256xi32> to vector<256x1xi32>
    %broadcast_in_dim3A_121 = vector.shape_cast %argmax3A_119 : vector<256xi32> to vector<256x1xi32>
    %eq3A_122 = vector.broadcast %broadcast_in_dim3A_121 : vector<256x1xi32> to vector<256x160xi32>
    %eq3A_123 = arith.cmpi eq, %iota3A_24, %eq3A_122 : vector<256x160xi32>
    %jit3A_124 = arith.constant 0xFF800000 : f32
    %broadcast_in_dim3A_125 = vector.broadcast %jit3A_124 : f32 to vector<256x160xf32>
    %select_n3A_126 = arith.select %eq3A_123, %broadcast_in_dim3A_125, %select_n3A_118 : vector<256x160xi1>, vector<256x160xf32>
    %argmax3A_127 = tpu.reduce_index %select_n3A_126 {axis = 1 : i32, kind = #tpu.reduction_kind<arg_max>} : vector<256x160xf32> -> vector<256xi32>
    %reshape3A_128 = vector.shape_cast %argmax3A_127 : vector<256xi32> to vector<256x1xi32>
    %broadcast_in_dim3A_129 = vector.shape_cast %argmax3A_127 : vector<256xi32> to vector<256x1xi32>
    %eq3A_130 = vector.broadcast %broadcast_in_dim3A_129 : vector<256x1xi32> to vector<256x160xi32>
    %eq3A_131 = arith.cmpi eq, %iota3A_24, %eq3A_130 : vector<256x160xi32>
    %jit3A_132 = arith.constant 0xFF800000 : f32
    %broadcast_in_dim3A_133 = vector.broadcast %jit3A_132 : f32 to vector<256x160xf32>
    %select_n3A_134 = arith.select %eq3A_131, %broadcast_in_dim3A_133, %select_n3A_126 : vector<256x160xi1>, vector<256x160xf32>
    %argmax3A_135 = tpu.reduce_index %select_n3A_134 {axis = 1 : i32, kind = #tpu.reduction_kind<arg_max>} : vector<256x160xf32> -> vector<256xi32>
    %reshape3A_136 = vector.shape_cast %argmax3A_135 : vector<256xi32> to vector<256x1xi32>
    %broadcast_in_dim3A_137 = vector.shape_cast %argmax3A_135 : vector<256xi32> to vector<256x1xi32>
    %eq3A_138 = vector.broadcast %broadcast_in_dim3A_137 : vector<256x1xi32> to vector<256x160xi32>
    %eq3A_139 = arith.cmpi eq, %iota3A_24, %eq3A_138 : vector<256x160xi32>
    %jit3A_140 = arith.constant 0xFF800000 : f32
    %broadcast_in_dim3A_141 = vector.broadcast %jit3A_140 : f32 to vector<256x160xf32>
    %select_n3A_142 = arith.select %eq3A_139, %broadcast_in_dim3A_141, %select_n3A_134 : vector<256x160xi1>, vector<256x160xf32>
    %argmax3A_143 = tpu.reduce_index %select_n3A_142 {axis = 1 : i32, kind = #tpu.reduction_kind<arg_max>} : vector<256x160xf32> -> vector<256xi32>
    %reshape3A_144 = vector.shape_cast %argmax3A_143 : vector<256xi32> to vector<256x1xi32>
    %concatenate3A = tpu.concatenate %reshape3A_25, %reshape3A_32, %reshape3A_40, %reshape3A_48, %reshape3A_56, %reshape3A_64, %reshape3A_72, %reshape3A_80, %reshape3A_88, %reshape3A_96, %reshape3A_104, %reshape3A_112, %reshape3A_120, %reshape3A_128, %reshape3A_136, %reshape3A_144 in 1 : vector<256x1xi32>, vector<256x1xi32>, vector<256x1xi32>, vector<256x1xi32>, vector<256x1xi32>, vector<256x1xi32>, vector<256x1xi32>, vector<256x1xi32>, vector<256x1xi32>, vector<256x1xi32>, vector<256x1xi32>, vector<256x1xi32>, vector<256x1xi32>, vector<256x1xi32>, vector<256x1xi32>, vector<256x1xi32> -> vector<256x16xi32>
    %reduce_min3A = arith.constant dense<2147483647> : vector<256xi32>
    %reduce_min3A_145 = vector.multi_reduction <minsi>, %concatenate3A, %reduce_min3A [1] : vector<256x16xi32> to vector<256xi32>
    %reshape3A_146 = vector.shape_cast %reduce_min3A_145 : vector<256xi32> to vector<256x1xi32>
    %broadcast_in_dim3A_147 = vector.shape_cast %reduce_min3A_145 : vector<256xi32> to vector<256x1xi32>
    %eq3A_148 = vector.broadcast %broadcast_in_dim3A_147 : vector<256x1xi32> to vector<256x16xi32>
    %eq3A_149 = arith.cmpi eq, %concatenate3A, %eq3A_148 : vector<256x16xi32>
    %jit3A_150 = arith.constant 1073741824 : i32
    %broadcast_in_dim3A_151 = vector.broadcast %jit3A_150 : i32 to vector<256x16xi32>
    %select_n3A_152 = arith.select %eq3A_149, %broadcast_in_dim3A_151, %concatenate3A : vector<256x16xi1>, vector<256x16xi32>
    %reduce_min3A_153 = arith.constant dense<2147483647> : vector<256xi32>
    %reduce_min3A_154 = vector.multi_reduction <minsi>, %select_n3A_152, %reduce_min3A_153 [1] : vector<256x16xi32> to vector<256xi32>
    %reshape3A_155 = vector.shape_cast %reduce_min3A_154 : vector<256xi32> to vector<256x1xi32>
    %broadcast_in_dim3A_156 = vector.shape_cast %reduce_min3A_154 : vector<256xi32> to vector<256x1xi32>
    %eq3A_157 = vector.broadcast %broadcast_in_dim3A_156 : vector<256x1xi32> to vector<256x16xi32>
    %eq3A_158 = arith.cmpi eq, %select_n3A_152, %eq3A_157 : vector<256x16xi32>
    %jit3A_159 = arith.constant 1073741824 : i32
    %broadcast_in_dim3A_160 = vector.broadcast %jit3A_159 : i32 to vector<256x16xi32>
    %select_n3A_161 = arith.select %eq3A_158, %broadcast_in_dim3A_160, %select_n3A_152 : vector<256x16xi1>, vector<256x16xi32>
    %reduce_min3A_162 = arith.constant dense<2147483647> : vector<256xi32>
    %reduce_min3A_163 = vector.multi_reduction <minsi>, %select_n3A_161, %reduce_min3A_162 [1] : vector<256x16xi32> to vector<256xi32>
    %reshape3A_164 = vector.shape_cast %reduce_min3A_163 : vector<256xi32> to vector<256x1xi32>
    %broadcast_in_dim3A_165 = vector.shape_cast %reduce_min3A_163 : vector<256xi32> to vector<256x1xi32>
    %eq3A_166 = vector.broadcast %broadcast_in_dim3A_165 : vector<256x1xi32> to vector<256x16xi32>
    %eq3A_167 = arith.cmpi eq, %select_n3A_161, %eq3A_166 : vector<256x16xi32>
    %jit3A_168 = arith.constant 1073741824 : i32
    %broadcast_in_dim3A_169 = vector.broadcast %jit3A_168 : i32 to vector<256x16xi32>
    %select_n3A_170 = arith.select %eq3A_167, %broadcast_in_dim3A_169, %select_n3A_161 : vector<256x16xi1>, vector<256x16xi32>
    %reduce_min3A_171 = arith.constant dense<2147483647> : vector<256xi32>
    %reduce_min3A_172 = vector.multi_reduction <minsi>, %select_n3A_170, %reduce_min3A_171 [1] : vector<256x16xi32> to vector<256xi32>
    %reshape3A_173 = vector.shape_cast %reduce_min3A_172 : vector<256xi32> to vector<256x1xi32>
    %broadcast_in_dim3A_174 = vector.shape_cast %reduce_min3A_172 : vector<256xi32> to vector<256x1xi32>
    %eq3A_175 = vector.broadcast %broadcast_in_dim3A_174 : vector<256x1xi32> to vector<256x16xi32>
    %eq3A_176 = arith.cmpi eq, %select_n3A_170, %eq3A_175 : vector<256x16xi32>
    %jit3A_177 = arith.constant 1073741824 : i32
    %broadcast_in_dim3A_178 = vector.broadcast %jit3A_177 : i32 to vector<256x16xi32>
    %select_n3A_179 = arith.select %eq3A_176, %broadcast_in_dim3A_178, %select_n3A_170 : vector<256x16xi1>, vector<256x16xi32>
    %reduce_min3A_180 = arith.constant dense<2147483647> : vector<256xi32>
    %reduce_min3A_181 = vector.multi_reduction <minsi>, %select_n3A_179, %reduce_min3A_180 [1] : vector<256x16xi32> to vector<256xi32>
    %reshape3A_182 = vector.shape_cast %reduce_min3A_181 : vector<256xi32> to vector<256x1xi32>
    %broadcast_in_dim3A_183 = vector.shape_cast %reduce_min3A_181 : vector<256xi32> to vector<256x1xi32>
    %eq3A_184 = vector.broadcast %broadcast_in_dim3A_183 : vector<256x1xi32> to vector<256x16xi32>
    %eq3A_185 = arith.cmpi eq, %select_n3A_179, %eq3A_184 : vector<256x16xi32>
    %jit3A_186 = arith.constant 1073741824 : i32
    %broadcast_in_dim3A_187 = vector.broadcast %jit3A_186 : i32 to vector<256x16xi32>
    %select_n3A_188 = arith.select %eq3A_185, %broadcast_in_dim3A_187, %select_n3A_179 : vector<256x16xi1>, vector<256x16xi32>
    %reduce_min3A_189 = arith.constant dense<2147483647> : vector<256xi32>
    %reduce_min3A_190 = vector.multi_reduction <minsi>, %select_n3A_188, %reduce_min3A_189 [1] : vector<256x16xi32> to vector<256xi32>
    %reshape3A_191 = vector.shape_cast %reduce_min3A_190 : vector<256xi32> to vector<256x1xi32>
    %broadcast_in_dim3A_192 = vector.shape_cast %reduce_min3A_190 : vector<256xi32> to vector<256x1xi32>
    %eq3A_193 = vector.broadcast %broadcast_in_dim3A_192 : vector<256x1xi32> to vector<256x16xi32>
    %eq3A_194 = arith.cmpi eq, %select_n3A_188, %eq3A_193 : vector<256x16xi32>
    %jit3A_195 = arith.constant 1073741824 : i32
    %broadcast_in_dim3A_196 = vector.broadcast %jit3A_195 : i32 to vector<256x16xi32>
    %select_n3A_197 = arith.select %eq3A_194, %broadcast_in_dim3A_196, %select_n3A_188 : vector<256x16xi1>, vector<256x16xi32>
    %reduce_min3A_198 = arith.constant dense<2147483647> : vector<256xi32>
    %reduce_min3A_199 = vector.multi_reduction <minsi>, %select_n3A_197, %reduce_min3A_198 [1] : vector<256x16xi32> to vector<256xi32>
    %reshape3A_200 = vector.shape_cast %reduce_min3A_199 : vector<256xi32> to vector<256x1xi32>
    %broadcast_in_dim3A_201 = vector.shape_cast %reduce_min3A_199 : vector<256xi32> to vector<256x1xi32>
    %eq3A_202 = vector.broadcast %broadcast_in_dim3A_201 : vector<256x1xi32> to vector<256x16xi32>
    %eq3A_203 = arith.cmpi eq, %select_n3A_197, %eq3A_202 : vector<256x16xi32>
    %jit3A_204 = arith.constant 1073741824 : i32
    %broadcast_in_dim3A_205 = vector.broadcast %jit3A_204 : i32 to vector<256x16xi32>
    %select_n3A_206 = arith.select %eq3A_203, %broadcast_in_dim3A_205, %select_n3A_197 : vector<256x16xi1>, vector<256x16xi32>
    %reduce_min3A_207 = arith.constant dense<2147483647> : vector<256xi32>
    %reduce_min3A_208 = vector.multi_reduction <minsi>, %select_n3A_206, %reduce_min3A_207 [1] : vector<256x16xi32> to vector<256xi32>
    %reshape3A_209 = vector.shape_cast %reduce_min3A_208 : vector<256xi32> to vector<256x1xi32>
    %broadcast_in_dim3A_210 = vector.shape_cast %reduce_min3A_208 : vector<256xi32> to vector<256x1xi32>
    %eq3A_211 = vector.broadcast %broadcast_in_dim3A_210 : vector<256x1xi32> to vector<256x16xi32>
    %eq3A_212 = arith.cmpi eq, %select_n3A_206, %eq3A_211 : vector<256x16xi32>
    %jit3A_213 = arith.constant 1073741824 : i32
    %broadcast_in_dim3A_214 = vector.broadcast %jit3A_213 : i32 to vector<256x16xi32>
    %select_n3A_215 = arith.select %eq3A_212, %broadcast_in_dim3A_214, %select_n3A_206 : vector<256x16xi1>, vector<256x16xi32>
    %reduce_min3A_216 = arith.constant dense<2147483647> : vector<256xi32>
    %reduce_min3A_217 = vector.multi_reduction <minsi>, %select_n3A_215, %reduce_min3A_216 [1] : vector<256x16xi32> to vector<256xi32>
    %reshape3A_218 = vector.shape_cast %reduce_min3A_217 : vector<256xi32> to vector<256x1xi32>
    %broadcast_in_dim3A_219 = vector.shape_cast %reduce_min3A_217 : vector<256xi32> to vector<256x1xi32>
    %eq3A_220 = vector.broadcast %broadcast_in_dim3A_219 : vector<256x1xi32> to vector<256x16xi32>
    %eq3A_221 = arith.cmpi eq, %select_n3A_215, %eq3A_220 : vector<256x16xi32>
    %jit3A_222 = arith.constant 1073741824 : i32
    %broadcast_in_dim3A_223 = vector.broadcast %jit3A_222 : i32 to vector<256x16xi32>
    %select_n3A_224 = arith.select %eq3A_221, %broadcast_in_dim3A_223, %select_n3A_215 : vector<256x16xi1>, vector<256x16xi32>
    %reduce_min3A_225 = arith.constant dense<2147483647> : vector<256xi32>
    %reduce_min3A_226 = vector.multi_reduction <minsi>, %select_n3A_224, %reduce_min3A_225 [1] : vector<256x16xi32> to vector<256xi32>
    %reshape3A_227 = vector.shape_cast %reduce_min3A_226 : vector<256xi32> to vector<256x1xi32>
    %broadcast_in_dim3A_228 = vector.shape_cast %reduce_min3A_226 : vector<256xi32> to vector<256x1xi32>
    %eq3A_229 = vector.broadcast %broadcast_in_dim3A_228 : vector<256x1xi32> to vector<256x16xi32>
    %eq3A_230 = arith.cmpi eq, %select_n3A_224, %eq3A_229 : vector<256x16xi32>
    %jit3A_231 = arith.constant 1073741824 : i32
    %broadcast_in_dim3A_232 = vector.broadcast %jit3A_231 : i32 to vector<256x16xi32>
    %select_n3A_233 = arith.select %eq3A_230, %broadcast_in_dim3A_232, %select_n3A_224 : vector<256x16xi1>, vector<256x16xi32>
    %reduce_min3A_234 = arith.constant dense<2147483647> : vector<256xi32>
    %reduce_min3A_235 = vector.multi_reduction <minsi>, %select_n3A_233, %reduce_min3A_234 [1] : vector<256x16xi32> to vector<256xi32>
    %reshape3A_236 = vector.shape_cast %reduce_min3A_235 : vector<256xi32> to vector<256x1xi32>
    %broadcast_in_dim3A_237 = vector.shape_cast %reduce_min3A_235 : vector<256xi32> to vector<256x1xi32>
    %eq3A_238 = vector.broadcast %broadcast_in_dim3A_237 : vector<256x1xi32> to vector<256x16xi32>
    %eq3A_239 = arith.cmpi eq, %select_n3A_233, %eq3A_238 : vector<256x16xi32>
    %jit3A_240 = arith.constant 1073741824 : i32
    %broadcast_in_dim3A_241 = vector.broadcast %jit3A_240 : i32 to vector<256x16xi32>
    %select_n3A_242 = arith.select %eq3A_239, %broadcast_in_dim3A_241, %select_n3A_233 : vector<256x16xi1>, vector<256x16xi32>
    %reduce_min3A_243 = arith.constant dense<2147483647> : vector<256xi32>
    %reduce_min3A_244 = vector.multi_reduction <minsi>, %select_n3A_242, %reduce_min3A_243 [1] : vector<256x16xi32> to vector<256xi32>
    %reshape3A_245 = vector.shape_cast %reduce_min3A_244 : vector<256xi32> to vector<256x1xi32>
    %broadcast_in_dim3A_246 = vector.shape_cast %reduce_min3A_244 : vector<256xi32> to vector<256x1xi32>
    %eq3A_247 = vector.broadcast %broadcast_in_dim3A_246 : vector<256x1xi32> to vector<256x16xi32>
    %eq3A_248 = arith.cmpi eq, %select_n3A_242, %eq3A_247 : vector<256x16xi32>
    %jit3A_249 = arith.constant 1073741824 : i32
    %broadcast_in_dim3A_250 = vector.broadcast %jit3A_249 : i32 to vector<256x16xi32>
    %select_n3A_251 = arith.select %eq3A_248, %broadcast_in_dim3A_250, %select_n3A_242 : vector<256x16xi1>, vector<256x16xi32>
    %reduce_min3A_252 = arith.constant dense<2147483647> : vector<256xi32>
    %reduce_min3A_253 = vector.multi_reduction <minsi>, %select_n3A_251, %reduce_min3A_252 [1] : vector<256x16xi32> to vector<256xi32>
    %reshape3A_254 = vector.shape_cast %reduce_min3A_253 : vector<256xi32> to vector<256x1xi32>
    %broadcast_in_dim3A_255 = vector.shape_cast %reduce_min3A_253 : vector<256xi32> to vector<256x1xi32>
    %eq3A_256 = vector.broadcast %broadcast_in_dim3A_255 : vector<256x1xi32> to vector<256x16xi32>
    %eq3A_257 = arith.cmpi eq, %select_n3A_251, %eq3A_256 : vector<256x16xi32>
    %jit3A_258 = arith.constant 1073741824 : i32
    %broadcast_in_dim3A_259 = vector.broadcast %jit3A_258 : i32 to vector<256x16xi32>
    %select_n3A_260 = arith.select %eq3A_257, %broadcast_in_dim3A_259, %select_n3A_251 : vector<256x16xi1>, vector<256x16xi32>
    %reduce_min3A_261 = arith.constant dense<2147483647> : vector<256xi32>
    %reduce_min3A_262 = vector.multi_reduction <minsi>, %select_n3A_260, %reduce_min3A_261 [1] : vector<256x16xi32> to vector<256xi32>
    %reshape3A_263 = vector.shape_cast %reduce_min3A_262 : vector<256xi32> to vector<256x1xi32>
    %broadcast_in_dim3A_264 = vector.shape_cast %reduce_min3A_262 : vector<256xi32> to vector<256x1xi32>
    %eq3A_265 = vector.broadcast %broadcast_in_dim3A_264 : vector<256x1xi32> to vector<256x16xi32>
    %eq3A_266 = arith.cmpi eq, %select_n3A_260, %eq3A_265 : vector<256x16xi32>
    %jit3A_267 = arith.constant 1073741824 : i32
    %broadcast_in_dim3A_268 = vector.broadcast %jit3A_267 : i32 to vector<256x16xi32>
    %select_n3A_269 = arith.select %eq3A_266, %broadcast_in_dim3A_268, %select_n3A_260 : vector<256x16xi1>, vector<256x16xi32>
    %reduce_min3A_270 = arith.constant dense<2147483647> : vector<256xi32>
    %reduce_min3A_271 = vector.multi_reduction <minsi>, %select_n3A_269, %reduce_min3A_270 [1] : vector<256x16xi32> to vector<256xi32>
    %reshape3A_272 = vector.shape_cast %reduce_min3A_271 : vector<256xi32> to vector<256x1xi32>
    %broadcast_in_dim3A_273 = vector.shape_cast %reduce_min3A_271 : vector<256xi32> to vector<256x1xi32>
    %eq3A_274 = vector.broadcast %broadcast_in_dim3A_273 : vector<256x1xi32> to vector<256x16xi32>
    %eq3A_275 = arith.cmpi eq, %select_n3A_269, %eq3A_274 : vector<256x16xi32>
    %jit3A_276 = arith.constant 1073741824 : i32
    %broadcast_in_dim3A_277 = vector.broadcast %jit3A_276 : i32 to vector<256x16xi32>
    %select_n3A_278 = arith.select %eq3A_275, %broadcast_in_dim3A_277, %select_n3A_269 : vector<256x16xi1>, vector<256x16xi32>
    %reduce_min3A_279 = arith.constant dense<2147483647> : vector<256xi32>
    %reduce_min3A_280 = vector.multi_reduction <minsi>, %select_n3A_278, %reduce_min3A_279 [1] : vector<256x16xi32> to vector<256xi32>
    %reshape3A_281 = vector.shape_cast %reduce_min3A_280 : vector<256xi32> to vector<256x1xi32>
    %concatenate3A_282 = tpu.concatenate %reshape3A_146, %reshape3A_155, %reshape3A_164, %reshape3A_173, %reshape3A_182, %reshape3A_191, %reshape3A_200, %reshape3A_209, %reshape3A_218, %reshape3A_227, %reshape3A_236, %reshape3A_245, %reshape3A_254, %reshape3A_263, %reshape3A_272, %reshape3A_281 in 1 : vector<256x1xi32>, vector<256x1xi32>, vector<256x1xi32>, vector<256x1xi32>, vector<256x1xi32>, vector<256x1xi32>, vector<256x1xi32>, vector<256x1xi32>, vector<256x1xi32>, vector<256x1xi32>, vector<256x1xi32>, vector<256x1xi32>, vector<256x1xi32>, vector<256x1xi32>, vector<256x1xi32>, vector<256x1xi32> -> vector<256x16xi32>
    %swap3A_283 = arith.constant 0 : index
    %swap3A_284 = arith.constant 0 : index
    %swap3A_285 = vector.load %arg5[%swap3A_283, %swap3A_284] : memref<256x16xi32, #tpu.memory_space<vmem>>, vector<256x16xi32>
    tpu.vector_store %arg5[%swap3A_283, %swap3A_284], %concatenate3A_282 {strides = array<i32>} : memref<256x16xi32, #tpu.memory_space<vmem>>, vector<256x16xi32>,
    %iota3A_286 = tpu.iota {dimensions = array<i32: 0>} : vector<256x1xi32>
    %mul3A_287 = arith.constant 256 : i32
    %mul3A_288 = arith.muli %arg0, %mul3A_287 : i32
    %add3A_289 = vector.broadcast %mul3A_288 : i32 to vector<256x1xi32>
    %add3A_290 = arith.addi %iota3A_286, %add3A_289 : vector<256x1xi32>
    %mul3A_291 = arith.constant 160 : i32
    %mul3A_292 = vector.broadcast %mul3A_291 : i32 to vector<256x1xi32>
    %mul3A_293 = arith.muli %add3A_290, %mul3A_292 : vector<256x1xi32>
    %add3A_294 = vector.broadcast %mul3A_293 : vector<256x1xi32> to vector<256x16xi32>
    %add3A_295 = arith.addi %add3A_294, %concatenate3A_282 : vector<256x16xi32>
    %swap3A_296 = arith.constant 0 : index
    %swap3A_297 = arith.constant 0 : index
    %swap3A_298 = vector.load %arg4[%swap3A_296, %swap3A_297] : memref<256x16xi32, #tpu.memory_space<vmem>>, vector<256x16xi32>
    tpu.vector_store %arg4[%swap3A_296, %swap3A_297], %add3A_295 {strides = array<i32>} : memref<256x16xi32, #tpu.memory_space<vmem>>, vector<256x16xi32>,
    return
  }
  func.func @transform_0(%arg0: i32) -> (i32, i32) {
    %c0_i32 = arith.constant 0 : i32
    %c0_i32_0 = arith.constant 0 : i32
    return %arg0, %c0_i32 : i32, i32
  }
  func.func @transform_1(%arg0: i32) -> (i32, i32) {
    %c0_i32 = arith.constant 0 : i32
    %c0_i32_0 = arith.constant 0 : i32
    %c0_i32_1 = arith.constant 0 : i32
    return %c0_i32, %c0_i32_0 : i32, i32
  }
  func.func @transform_2(%arg0: i32) -> (i32, i32) {
    %c0_i32 = arith.constant 0 : i32
    %c0_i32_0 = arith.constant 0 : i32
    return %arg0, %c0_i32 : i32, i32
  }
  func.func @transform_3(%arg0: i32) -> (i32, i32) {
    %c0_i32 = arith.constant 0 : i32
    %c0_i32_0 = arith.constant 0 : i32
    return %arg0, %c0_i32 : i32, i32
  }
  func.func @transform_4(%arg0: i32) -> (i32, i32) {
    %c0_i32 = arith.constant 0 : i32
    %c0_i32_0 = arith.constant 0 : i32
    return %arg0, %c0_i32 : i32, i32
  }
}

module attributes {stable_mosaic.version = 14 : i64} {
  func.func @_node_body(%arg0: memref<10240x128xf32, #tpu.memory_space<vmem>>, %arg1: memref<128x128xf32, #tpu.memory_space<vmem>>, %arg2: memref<1x128xf32, #tpu.memory_space<vmem>>, %arg3: memref<1x128xf32, #tpu.memory_space<vmem>>, %arg4: memref<1x128xf32, #tpu.memory_space<vmem>>, %arg5: memref<128x16xf32, #tpu.memory_space<vmem>>, %arg6: memref<1x16xf32, #tpu.memory_space<vmem>>, %arg7: memref<1x16xf32, #tpu.memory_space<vmem>>, %arg8: memref<1x16xf32, #tpu.memory_space<vmem>>, %arg9: memref<10240x128xf32, #tpu.memory_space<vmem>>, %arg10: memref<10240x16xf32, #tpu.memory_space<vmem>>) attributes {dimension_semantics = [], scalar_prefetch = 0 : i64, scratch_operands = 0 : i64, tpu.core_type = #tpu.core_type<tc>} {
    %get3A = arith.constant 0 : index
    %get3A_0 = arith.constant 0 : index
    %get3A_1 = vector.load %arg0[%get3A, %get3A_0] : memref<10240x128xf32, #tpu.memory_space<vmem>>, vector<10240x128xf32>
    %iota3A = tpu.iota {dimensions = array<i32: 0>} : vector<10240x1xi32>
    %lt3A = arith.constant 10000 : i32
    %lt3A_2 = vector.broadcast %lt3A : i32 to vector<10240x1xi32>
    %lt3A_3 = arith.cmpi slt, %iota3A, %lt3A_2 : vector<10240x1xi32>
    %convert_element_type3A = arith.extui %lt3A_3 : vector<10240x1xi1> to vector<10240x1xi32>
    %convert_element_type3A_4 = arith.sitofp %convert_element_type3A : vector<10240x1xi32> to vector<10240x1xf32>
    %get3A_5 = arith.constant 0 : index
    %get3A_6 = arith.constant 0 : index
    %get3A_7 = vector.load %arg1[%get3A_5, %get3A_6] : memref<128x128xf32, #tpu.memory_space<vmem>>, vector<128x128xf32>
    %dot_general3A = arith.constant dense<0.000000e+00> : vector<10240x128xf32>
    %dot_general3A_8 = tpu.matmul %get3A_1, %get3A_7, %dot_general3A {dimension_numbers = #tpu.dot_dimension_numbers<[1], [0], [0], [1], [0, 0, 1, 1], [], []>, transpose_lhs_hint = false} : vector<10240x128xf32>, vector<128x128xf32>, vector<10240x128xf32> -> vector<10240x128xf32>
    %get3A_9 = arith.constant 0 : index
    %get3A_10 = arith.constant 0 : index
    %get3A_11 = vector.load %arg2[%get3A_9, %get3A_10] : memref<1x128xf32, #tpu.memory_space<vmem>>, vector<1x128xf32>
    %add3A = vector.broadcast %get3A_11 : vector<1x128xf32> to vector<10240x128xf32>
    %add3A_12 = arith.addf %dot_general3A_8, %add3A : vector<10240x128xf32>
    %get3A_13 = arith.constant 0 : index
    %get3A_14 = arith.constant 0 : index
    %get3A_15 = vector.load %arg3[%get3A_13, %get3A_14] : memref<1x128xf32, #tpu.memory_space<vmem>>, vector<1x128xf32>
    %get3A_16 = arith.constant 0 : index
    %get3A_17 = arith.constant 0 : index
    %get3A_18 = vector.load %arg4[%get3A_16, %get3A_17] : memref<1x128xf32, #tpu.memory_space<vmem>>, vector<1x128xf32>
    %mul3A = vector.broadcast %convert_element_type3A_4 : vector<10240x1xf32> to vector<10240x128xf32>
    %mul3A_19 = arith.mulf %add3A_12, %mul3A : vector<10240x128xf32>
    %reduce_sum3A = arith.constant dense<0.000000e+00> : vector<128xf32>
    %reduce_sum3A_20 = vector.multi_reduction <add>, %mul3A_19, %reduce_sum3A [0] : vector<10240x128xf32> to vector<128xf32>
    %broadcast_in_dim3A = vector.shape_cast %reduce_sum3A_20 : vector<128xf32> to vector<1x128xf32>
    %div3A = arith.constant 1.000000e+04 : f32
    %div3A_21 = vector.broadcast %div3A : f32 to vector<1x128xf32>
    %div3A_22 = arith.divf %broadcast_in_dim3A, %div3A_21 : vector<1x128xf32>
    %sub3A = vector.broadcast %div3A_22 : vector<1x128xf32> to vector<10240x128xf32>
    %sub3A_23 = arith.subf %add3A_12, %sub3A : vector<10240x128xf32>
    %mul3A_24 = vector.broadcast %convert_element_type3A_4 : vector<10240x1xf32> to vector<10240x128xf32>
    %mul3A_25 = arith.mulf %sub3A_23, %mul3A_24 : vector<10240x128xf32>
    %mul3A_26 = arith.mulf %mul3A_25, %mul3A_25 : vector<10240x128xf32>
    %reduce_sum3A_27 = arith.constant dense<0.000000e+00> : vector<128xf32>
    %reduce_sum3A_28 = vector.multi_reduction <add>, %mul3A_26, %reduce_sum3A_27 [0] : vector<10240x128xf32> to vector<128xf32>
    %broadcast_in_dim3A_29 = vector.shape_cast %reduce_sum3A_28 : vector<128xf32> to vector<1x128xf32>
    %div3A_30 = arith.constant 1.000000e+04 : f32
    %div3A_31 = vector.broadcast %div3A_30 : f32 to vector<1x128xf32>
    %div3A_32 = arith.divf %broadcast_in_dim3A_29, %div3A_31 : vector<1x128xf32>
    %sub3A_33 = vector.broadcast %div3A_22 : vector<1x128xf32> to vector<10240x128xf32>
    %sub3A_34 = arith.subf %add3A_12, %sub3A_33 : vector<10240x128xf32>
    %add3A_35 = arith.constant 9.99999997E-7 : f32
    %add3A_36 = vector.broadcast %add3A_35 : f32 to vector<1x128xf32>
    %add3A_37 = arith.addf %div3A_32, %add3A_36 : vector<1x128xf32>
    %sqrt3A = math.sqrt %add3A_37 : vector<1x128xf32>
    %div3A_38 = vector.broadcast %sqrt3A : vector<1x128xf32> to vector<10240x128xf32>
    %div3A_39 = arith.divf %sub3A_34, %div3A_38 : vector<10240x128xf32>
    %mul3A_40 = vector.broadcast %get3A_15 : vector<1x128xf32> to vector<10240x128xf32>
    %mul3A_41 = arith.mulf %div3A_39, %mul3A_40 : vector<10240x128xf32>
    %add3A_42 = vector.broadcast %get3A_18 : vector<1x128xf32> to vector<10240x128xf32>
    %add3A_43 = arith.addf %mul3A_41, %add3A_42 : vector<10240x128xf32>
    %swap3A = arith.constant 0 : index
    %swap3A_44 = arith.constant 0 : index
    %swap3A_45 = vector.load %arg9[%swap3A, %swap3A_44] : memref<10240x128xf32, #tpu.memory_space<vmem>>, vector<10240x128xf32>
    tpu.vector_store %arg9[%swap3A, %swap3A_44], %add3A_43 {strides = array<i32>} : memref<10240x128xf32, #tpu.memory_space<vmem>>, vector<10240x128xf32>,
    %get3A_46 = arith.constant 0 : index
    %get3A_47 = arith.constant 0 : index
    %get3A_48 = vector.load %arg5[%get3A_46, %get3A_47] : memref<128x16xf32, #tpu.memory_space<vmem>>, vector<128x16xf32>
    %dot_general3A_49 = arith.constant dense<0.000000e+00> : vector<10240x16xf32>
    %dot_general3A_50 = tpu.matmul %get3A_1, %get3A_48, %dot_general3A_49 {dimension_numbers = #tpu.dot_dimension_numbers<[1], [0], [0], [1], [0, 0, 1, 1], [], []>, transpose_lhs_hint = false} : vector<10240x128xf32>, vector<128x16xf32>, vector<10240x16xf32> -> vector<10240x16xf32>
    %get3A_51 = arith.constant 0 : index
    %get3A_52 = arith.constant 0 : index
    %get3A_53 = vector.load %arg6[%get3A_51, %get3A_52] : memref<1x16xf32, #tpu.memory_space<vmem>>, vector<1x16xf32>
    %add3A_54 = vector.broadcast %get3A_53 : vector<1x16xf32> to vector<10240x16xf32>
    %add3A_55 = arith.addf %dot_general3A_50, %add3A_54 : vector<10240x16xf32>
    %get3A_56 = arith.constant 0 : index
    %get3A_57 = arith.constant 0 : index
    %get3A_58 = vector.load %arg7[%get3A_56, %get3A_57] : memref<1x16xf32, #tpu.memory_space<vmem>>, vector<1x16xf32>
    %get3A_59 = arith.constant 0 : index
    %get3A_60 = arith.constant 0 : index
    %get3A_61 = vector.load %arg8[%get3A_59, %get3A_60] : memref<1x16xf32, #tpu.memory_space<vmem>>, vector<1x16xf32>
    %mul3A_62 = vector.broadcast %convert_element_type3A_4 : vector<10240x1xf32> to vector<10240x16xf32>
    %mul3A_63 = arith.mulf %add3A_55, %mul3A_62 : vector<10240x16xf32>
    %reduce_sum3A_64 = arith.constant dense<0.000000e+00> : vector<16xf32>
    %reduce_sum3A_65 = vector.multi_reduction <add>, %mul3A_63, %reduce_sum3A_64 [0] : vector<10240x16xf32> to vector<16xf32>
    %broadcast_in_dim3A_66 = vector.shape_cast %reduce_sum3A_65 : vector<16xf32> to vector<1x16xf32>
    %div3A_67 = arith.constant 1.000000e+04 : f32
    %div3A_68 = vector.broadcast %div3A_67 : f32 to vector<1x16xf32>
    %div3A_69 = arith.divf %broadcast_in_dim3A_66, %div3A_68 : vector<1x16xf32>
    %sub3A_70 = vector.broadcast %div3A_69 : vector<1x16xf32> to vector<10240x16xf32>
    %sub3A_71 = arith.subf %add3A_55, %sub3A_70 : vector<10240x16xf32>
    %mul3A_72 = vector.broadcast %convert_element_type3A_4 : vector<10240x1xf32> to vector<10240x16xf32>
    %mul3A_73 = arith.mulf %sub3A_71, %mul3A_72 : vector<10240x16xf32>
    %mul3A_74 = arith.mulf %mul3A_73, %mul3A_73 : vector<10240x16xf32>
    %reduce_sum3A_75 = arith.constant dense<0.000000e+00> : vector<16xf32>
    %reduce_sum3A_76 = vector.multi_reduction <add>, %mul3A_74, %reduce_sum3A_75 [0] : vector<10240x16xf32> to vector<16xf32>
    %broadcast_in_dim3A_77 = vector.shape_cast %reduce_sum3A_76 : vector<16xf32> to vector<1x16xf32>
    %div3A_78 = arith.constant 1.000000e+04 : f32
    %div3A_79 = vector.broadcast %div3A_78 : f32 to vector<1x16xf32>
    %div3A_80 = arith.divf %broadcast_in_dim3A_77, %div3A_79 : vector<1x16xf32>
    %sub3A_81 = vector.broadcast %div3A_69 : vector<1x16xf32> to vector<10240x16xf32>
    %sub3A_82 = arith.subf %add3A_55, %sub3A_81 : vector<10240x16xf32>
    %add3A_83 = arith.constant 9.99999997E-7 : f32
    %add3A_84 = vector.broadcast %add3A_83 : f32 to vector<1x16xf32>
    %add3A_85 = arith.addf %div3A_80, %add3A_84 : vector<1x16xf32>
    %sqrt3A_86 = math.sqrt %add3A_85 : vector<1x16xf32>
    %div3A_87 = vector.broadcast %sqrt3A_86 : vector<1x16xf32> to vector<10240x16xf32>
    %div3A_88 = arith.divf %sub3A_82, %div3A_87 : vector<10240x16xf32>
    %mul3A_89 = vector.broadcast %get3A_58 : vector<1x16xf32> to vector<10240x16xf32>
    %mul3A_90 = arith.mulf %div3A_88, %mul3A_89 : vector<10240x16xf32>
    %add3A_91 = vector.broadcast %get3A_61 : vector<1x16xf32> to vector<10240x16xf32>
    %add3A_92 = arith.addf %mul3A_90, %add3A_91 : vector<10240x16xf32>
    %gt3A = arith.constant 0.000000e+00 : f32
    %gt3A_93 = vector.broadcast %gt3A : f32 to vector<10240x16xf32>
    %gt3A_94 = arith.cmpf ogt, %add3A_92, %gt3A_93 : vector<10240x16xf32>
    %mul3A_95 = arith.constant 2.000000e-01 : f32
    %mul3A_96 = vector.broadcast %mul3A_95 : f32 to vector<10240x16xf32>
    %mul3A_97 = arith.mulf %mul3A_96, %add3A_92 : vector<10240x16xf32>
    %select_n3A = arith.select %gt3A_94, %add3A_92, %mul3A_97 : vector<10240x16xi1>, vector<10240x16xf32>
    %swap3A_98 = arith.constant 0 : index
    %swap3A_99 = arith.constant 0 : index
    %swap3A_100 = vector.load %arg10[%swap3A_98, %swap3A_99] : memref<10240x16xf32, #tpu.memory_space<vmem>>, vector<10240x16xf32>
    tpu.vector_store %arg10[%swap3A_98, %swap3A_99], %select_n3A {strides = array<i32>} : memref<10240x16xf32, #tpu.memory_space<vmem>>, vector<10240x16xf32>,
    return
  }
}

module attributes {stable_mosaic.version = 14 : i64} {
  func.func @_cand_body(%arg0: i32, %arg1: memref<256x1024xf32, #tpu.memory_space<vmem>>, %arg2: memref<256x16xi32, #tpu.memory_space<vmem>>, %arg3: memref<256x16xi32, #tpu.memory_space<vmem>>) attributes {dimension_semantics = [#tpu.dimension_semantics<arbitrary>], iteration_bounds = array<i64: 40>, scalar_prefetch = 0 : i64, scratch_operands = 0 : i64, tpu.core_type = #tpu.core_type<tc>, window_params = [{transform_indices = @transform_0, window_bounds = array<i64: 256, 1024>}, {transform_indices = @transform_1, window_bounds = array<i64: 256, 16>}, {transform_indices = @transform_2, window_bounds = array<i64: 256, 16>}]} {
    %get3A = arith.constant 0 : index
    %get3A_0 = arith.constant 0 : index
    %get3A_1 = vector.load %arg1[%get3A, %get3A_0] : memref<256x1024xf32, #tpu.memory_space<vmem>>, vector<256x1024xf32>
    %get3A_2 = arith.constant 0 : index
    %get3A_3 = arith.constant 0 : index
    %get3A_4 = vector.load %arg2[%get3A_2, %get3A_3] : memref<256x16xi32, #tpu.memory_space<vmem>>, vector<256x16xi32>
    %iota3A = tpu.iota {dimensions = array<i32: 1>} : vector<256x1024xi32>
    %iota3A_5 = tpu.iota {dimensions = array<i32: 1>} : vector<256x16xi32>
    %argmax3A = tpu.reduce_index %get3A_1 {axis = 1 : i32, kind = #tpu.reduction_kind<arg_max>} : vector<256x1024xf32> -> vector<256xi32>
    %shift_right_logical3A = arith.constant 6 : i32
    %shift_right_logical3A_6 = vector.broadcast %shift_right_logical3A : i32 to vector<256xi32>
    %shift_right_logical3A_7 = arith.shrui %argmax3A, %shift_right_logical3A_6 : vector<256xi32>
    %and3A = arith.constant 63 : i32
    %and3A_8 = vector.broadcast %and3A : i32 to vector<256xi32>
    %and3A_9 = arith.andi %argmax3A, %and3A_8 : vector<256xi32>
    %broadcast_in_dim3A = vector.shape_cast %shift_right_logical3A_7 : vector<256xi32> to vector<256x1xi32>
    %eq3A = vector.broadcast %broadcast_in_dim3A : vector<256x1xi32> to vector<256x16xi32>
    %eq3A_10 = arith.cmpi eq, %iota3A_5, %eq3A : vector<256x16xi32>
    %jit3A = arith.constant 0 : i32
    %broadcast_in_dim3A_11 = vector.broadcast %jit3A : i32 to vector<256x16xi32>
    %select_n3A = arith.select %eq3A_10, %get3A_4, %broadcast_in_dim3A_11 : vector<256x16xi1>, vector<256x16xi32>
    %reduce_sum3A = arith.constant dense<0> : vector<256xi32>
    %reduce_sum3A_12 = vector.multi_reduction <add>, %select_n3A, %reduce_sum3A [1] : vector<256x16xi32> to vector<256xi32>
    %mul3A = arith.constant 64 : i32
    %mul3A_13 = vector.broadcast %mul3A : i32 to vector<256xi32>
    %mul3A_14 = arith.muli %reduce_sum3A_12, %mul3A_13 : vector<256xi32>
    %add3A = arith.addi %mul3A_14, %and3A_9 : vector<256xi32>
    %reshape3A = vector.shape_cast %add3A : vector<256xi32> to vector<256x1xi32>
    %broadcast_in_dim3A_15 = vector.shape_cast %argmax3A : vector<256xi32> to vector<256x1xi32>
    %eq3A_16 = vector.broadcast %broadcast_in_dim3A_15 : vector<256x1xi32> to vector<256x1024xi32>
    %eq3A_17 = arith.cmpi eq, %iota3A, %eq3A_16 : vector<256x1024xi32>
    %jit3A_18 = arith.constant 0xFF800000 : f32
    %broadcast_in_dim3A_19 = vector.broadcast %jit3A_18 : f32 to vector<256x1024xf32>
    %select_n3A_20 = arith.select %eq3A_17, %broadcast_in_dim3A_19, %get3A_1 : vector<256x1024xi1>, vector<256x1024xf32>
    %argmax3A_21 = tpu.reduce_index %select_n3A_20 {axis = 1 : i32, kind = #tpu.reduction_kind<arg_max>} : vector<256x1024xf32> -> vector<256xi32>
    %shift_right_logical3A_22 = arith.constant 6 : i32
    %shift_right_logical3A_23 = vector.broadcast %shift_right_logical3A_22 : i32 to vector<256xi32>
    %shift_right_logical3A_24 = arith.shrui %argmax3A_21, %shift_right_logical3A_23 : vector<256xi32>
    %and3A_25 = arith.constant 63 : i32
    %and3A_26 = vector.broadcast %and3A_25 : i32 to vector<256xi32>
    %and3A_27 = arith.andi %argmax3A_21, %and3A_26 : vector<256xi32>
    %broadcast_in_dim3A_28 = vector.shape_cast %shift_right_logical3A_24 : vector<256xi32> to vector<256x1xi32>
    %eq3A_29 = vector.broadcast %broadcast_in_dim3A_28 : vector<256x1xi32> to vector<256x16xi32>
    %eq3A_30 = arith.cmpi eq, %iota3A_5, %eq3A_29 : vector<256x16xi32>
    %jit3A_31 = arith.constant 0 : i32
    %broadcast_in_dim3A_32 = vector.broadcast %jit3A_31 : i32 to vector<256x16xi32>
    %select_n3A_33 = arith.select %eq3A_30, %get3A_4, %broadcast_in_dim3A_32 : vector<256x16xi1>, vector<256x16xi32>
    %reduce_sum3A_34 = arith.constant dense<0> : vector<256xi32>
    %reduce_sum3A_35 = vector.multi_reduction <add>, %select_n3A_33, %reduce_sum3A_34 [1] : vector<256x16xi32> to vector<256xi32>
    %mul3A_36 = arith.constant 64 : i32
    %mul3A_37 = vector.broadcast %mul3A_36 : i32 to vector<256xi32>
    %mul3A_38 = arith.muli %reduce_sum3A_35, %mul3A_37 : vector<256xi32>
    %add3A_39 = arith.addi %mul3A_38, %and3A_27 : vector<256xi32>
    %reshape3A_40 = vector.shape_cast %add3A_39 : vector<256xi32> to vector<256x1xi32>
    %broadcast_in_dim3A_41 = vector.shape_cast %argmax3A_21 : vector<256xi32> to vector<256x1xi32>
    %eq3A_42 = vector.broadcast %broadcast_in_dim3A_41 : vector<256x1xi32> to vector<256x1024xi32>
    %eq3A_43 = arith.cmpi eq, %iota3A, %eq3A_42 : vector<256x1024xi32>
    %jit3A_44 = arith.constant 0xFF800000 : f32
    %broadcast_in_dim3A_45 = vector.broadcast %jit3A_44 : f32 to vector<256x1024xf32>
    %select_n3A_46 = arith.select %eq3A_43, %broadcast_in_dim3A_45, %select_n3A_20 : vector<256x1024xi1>, vector<256x1024xf32>
    %argmax3A_47 = tpu.reduce_index %select_n3A_46 {axis = 1 : i32, kind = #tpu.reduction_kind<arg_max>} : vector<256x1024xf32> -> vector<256xi32>
    %shift_right_logical3A_48 = arith.constant 6 : i32
    %shift_right_logical3A_49 = vector.broadcast %shift_right_logical3A_48 : i32 to vector<256xi32>
    %shift_right_logical3A_50 = arith.shrui %argmax3A_47, %shift_right_logical3A_49 : vector<256xi32>
    %and3A_51 = arith.constant 63 : i32
    %and3A_52 = vector.broadcast %and3A_51 : i32 to vector<256xi32>
    %and3A_53 = arith.andi %argmax3A_47, %and3A_52 : vector<256xi32>
    %broadcast_in_dim3A_54 = vector.shape_cast %shift_right_logical3A_50 : vector<256xi32> to vector<256x1xi32>
    %eq3A_55 = vector.broadcast %broadcast_in_dim3A_54 : vector<256x1xi32> to vector<256x16xi32>
    %eq3A_56 = arith.cmpi eq, %iota3A_5, %eq3A_55 : vector<256x16xi32>
    %jit3A_57 = arith.constant 0 : i32
    %broadcast_in_dim3A_58 = vector.broadcast %jit3A_57 : i32 to vector<256x16xi32>
    %select_n3A_59 = arith.select %eq3A_56, %get3A_4, %broadcast_in_dim3A_58 : vector<256x16xi1>, vector<256x16xi32>
    %reduce_sum3A_60 = arith.constant dense<0> : vector<256xi32>
    %reduce_sum3A_61 = vector.multi_reduction <add>, %select_n3A_59, %reduce_sum3A_60 [1] : vector<256x16xi32> to vector<256xi32>
    %mul3A_62 = arith.constant 64 : i32
    %mul3A_63 = vector.broadcast %mul3A_62 : i32 to vector<256xi32>
    %mul3A_64 = arith.muli %reduce_sum3A_61, %mul3A_63 : vector<256xi32>
    %add3A_65 = arith.addi %mul3A_64, %and3A_53 : vector<256xi32>
    %reshape3A_66 = vector.shape_cast %add3A_65 : vector<256xi32> to vector<256x1xi32>
    %broadcast_in_dim3A_67 = vector.shape_cast %argmax3A_47 : vector<256xi32> to vector<256x1xi32>
    %eq3A_68 = vector.broadcast %broadcast_in_dim3A_67 : vector<256x1xi32> to vector<256x1024xi32>
    %eq3A_69 = arith.cmpi eq, %iota3A, %eq3A_68 : vector<256x1024xi32>
    %jit3A_70 = arith.constant 0xFF800000 : f32
    %broadcast_in_dim3A_71 = vector.broadcast %jit3A_70 : f32 to vector<256x1024xf32>
    %select_n3A_72 = arith.select %eq3A_69, %broadcast_in_dim3A_71, %select_n3A_46 : vector<256x1024xi1>, vector<256x1024xf32>
    %argmax3A_73 = tpu.reduce_index %select_n3A_72 {axis = 1 : i32, kind = #tpu.reduction_kind<arg_max>} : vector<256x1024xf32> -> vector<256xi32>
    %shift_right_logical3A_74 = arith.constant 6 : i32
    %shift_right_logical3A_75 = vector.broadcast %shift_right_logical3A_74 : i32 to vector<256xi32>
    %shift_right_logical3A_76 = arith.shrui %argmax3A_73, %shift_right_logical3A_75 : vector<256xi32>
    %and3A_77 = arith.constant 63 : i32
    %and3A_78 = vector.broadcast %and3A_77 : i32 to vector<256xi32>
    %and3A_79 = arith.andi %argmax3A_73, %and3A_78 : vector<256xi32>
    %broadcast_in_dim3A_80 = vector.shape_cast %shift_right_logical3A_76 : vector<256xi32> to vector<256x1xi32>
    %eq3A_81 = vector.broadcast %broadcast_in_dim3A_80 : vector<256x1xi32> to vector<256x16xi32>
    %eq3A_82 = arith.cmpi eq, %iota3A_5, %eq3A_81 : vector<256x16xi32>
    %jit3A_83 = arith.constant 0 : i32
    %broadcast_in_dim3A_84 = vector.broadcast %jit3A_83 : i32 to vector<256x16xi32>
    %select_n3A_85 = arith.select %eq3A_82, %get3A_4, %broadcast_in_dim3A_84 : vector<256x16xi1>, vector<256x16xi32>
    %reduce_sum3A_86 = arith.constant dense<0> : vector<256xi32>
    %reduce_sum3A_87 = vector.multi_reduction <add>, %select_n3A_85, %reduce_sum3A_86 [1] : vector<256x16xi32> to vector<256xi32>
    %mul3A_88 = arith.constant 64 : i32
    %mul3A_89 = vector.broadcast %mul3A_88 : i32 to vector<256xi32>
    %mul3A_90 = arith.muli %reduce_sum3A_87, %mul3A_89 : vector<256xi32>
    %add3A_91 = arith.addi %mul3A_90, %and3A_79 : vector<256xi32>
    %reshape3A_92 = vector.shape_cast %add3A_91 : vector<256xi32> to vector<256x1xi32>
    %broadcast_in_dim3A_93 = vector.shape_cast %argmax3A_73 : vector<256xi32> to vector<256x1xi32>
    %eq3A_94 = vector.broadcast %broadcast_in_dim3A_93 : vector<256x1xi32> to vector<256x1024xi32>
    %eq3A_95 = arith.cmpi eq, %iota3A, %eq3A_94 : vector<256x1024xi32>
    %jit3A_96 = arith.constant 0xFF800000 : f32
    %broadcast_in_dim3A_97 = vector.broadcast %jit3A_96 : f32 to vector<256x1024xf32>
    %select_n3A_98 = arith.select %eq3A_95, %broadcast_in_dim3A_97, %select_n3A_72 : vector<256x1024xi1>, vector<256x1024xf32>
    %argmax3A_99 = tpu.reduce_index %select_n3A_98 {axis = 1 : i32, kind = #tpu.reduction_kind<arg_max>} : vector<256x1024xf32> -> vector<256xi32>
    %shift_right_logical3A_100 = arith.constant 6 : i32
    %shift_right_logical3A_101 = vector.broadcast %shift_right_logical3A_100 : i32 to vector<256xi32>
    %shift_right_logical3A_102 = arith.shrui %argmax3A_99, %shift_right_logical3A_101 : vector<256xi32>
    %and3A_103 = arith.constant 63 : i32
    %and3A_104 = vector.broadcast %and3A_103 : i32 to vector<256xi32>
    %and3A_105 = arith.andi %argmax3A_99, %and3A_104 : vector<256xi32>
    %broadcast_in_dim3A_106 = vector.shape_cast %shift_right_logical3A_102 : vector<256xi32> to vector<256x1xi32>
    %eq3A_107 = vector.broadcast %broadcast_in_dim3A_106 : vector<256x1xi32> to vector<256x16xi32>
    %eq3A_108 = arith.cmpi eq, %iota3A_5, %eq3A_107 : vector<256x16xi32>
    %jit3A_109 = arith.constant 0 : i32
    %broadcast_in_dim3A_110 = vector.broadcast %jit3A_109 : i32 to vector<256x16xi32>
    %select_n3A_111 = arith.select %eq3A_108, %get3A_4, %broadcast_in_dim3A_110 : vector<256x16xi1>, vector<256x16xi32>
    %reduce_sum3A_112 = arith.constant dense<0> : vector<256xi32>
    %reduce_sum3A_113 = vector.multi_reduction <add>, %select_n3A_111, %reduce_sum3A_112 [1] : vector<256x16xi32> to vector<256xi32>
    %mul3A_114 = arith.constant 64 : i32
    %mul3A_115 = vector.broadcast %mul3A_114 : i32 to vector<256xi32>
    %mul3A_116 = arith.muli %reduce_sum3A_113, %mul3A_115 : vector<256xi32>
    %add3A_117 = arith.addi %mul3A_116, %and3A_105 : vector<256xi32>
    %reshape3A_118 = vector.shape_cast %add3A_117 : vector<256xi32> to vector<256x1xi32>
    %broadcast_in_dim3A_119 = vector.shape_cast %argmax3A_99 : vector<256xi32> to vector<256x1xi32>
    %eq3A_120 = vector.broadcast %broadcast_in_dim3A_119 : vector<256x1xi32> to vector<256x1024xi32>
    %eq3A_121 = arith.cmpi eq, %iota3A, %eq3A_120 : vector<256x1024xi32>
    %jit3A_122 = arith.constant 0xFF800000 : f32
    %broadcast_in_dim3A_123 = vector.broadcast %jit3A_122 : f32 to vector<256x1024xf32>
    %select_n3A_124 = arith.select %eq3A_121, %broadcast_in_dim3A_123, %select_n3A_98 : vector<256x1024xi1>, vector<256x1024xf32>
    %argmax3A_125 = tpu.reduce_index %select_n3A_124 {axis = 1 : i32, kind = #tpu.reduction_kind<arg_max>} : vector<256x1024xf32> -> vector<256xi32>
    %shift_right_logical3A_126 = arith.constant 6 : i32
    %shift_right_logical3A_127 = vector.broadcast %shift_right_logical3A_126 : i32 to vector<256xi32>
    %shift_right_logical3A_128 = arith.shrui %argmax3A_125, %shift_right_logical3A_127 : vector<256xi32>
    %and3A_129 = arith.constant 63 : i32
    %and3A_130 = vector.broadcast %and3A_129 : i32 to vector<256xi32>
    %and3A_131 = arith.andi %argmax3A_125, %and3A_130 : vector<256xi32>
    %broadcast_in_dim3A_132 = vector.shape_cast %shift_right_logical3A_128 : vector<256xi32> to vector<256x1xi32>
    %eq3A_133 = vector.broadcast %broadcast_in_dim3A_132 : vector<256x1xi32> to vector<256x16xi32>
    %eq3A_134 = arith.cmpi eq, %iota3A_5, %eq3A_133 : vector<256x16xi32>
    %jit3A_135 = arith.constant 0 : i32
    %broadcast_in_dim3A_136 = vector.broadcast %jit3A_135 : i32 to vector<256x16xi32>
    %select_n3A_137 = arith.select %eq3A_134, %get3A_4, %broadcast_in_dim3A_136 : vector<256x16xi1>, vector<256x16xi32>
    %reduce_sum3A_138 = arith.constant dense<0> : vector<256xi32>
    %reduce_sum3A_139 = vector.multi_reduction <add>, %select_n3A_137, %reduce_sum3A_138 [1] : vector<256x16xi32> to vector<256xi32>
    %mul3A_140 = arith.constant 64 : i32
    %mul3A_141 = vector.broadcast %mul3A_140 : i32 to vector<256xi32>
    %mul3A_142 = arith.muli %reduce_sum3A_139, %mul3A_141 : vector<256xi32>
    %add3A_143 = arith.addi %mul3A_142, %and3A_131 : vector<256xi32>
    %reshape3A_144 = vector.shape_cast %add3A_143 : vector<256xi32> to vector<256x1xi32>
    %broadcast_in_dim3A_145 = vector.shape_cast %argmax3A_125 : vector<256xi32> to vector<256x1xi32>
    %eq3A_146 = vector.broadcast %broadcast_in_dim3A_145 : vector<256x1xi32> to vector<256x1024xi32>
    %eq3A_147 = arith.cmpi eq, %iota3A, %eq3A_146 : vector<256x1024xi32>
    %jit3A_148 = arith.constant 0xFF800000 : f32
    %broadcast_in_dim3A_149 = vector.broadcast %jit3A_148 : f32 to vector<256x1024xf32>
    %select_n3A_150 = arith.select %eq3A_147, %broadcast_in_dim3A_149, %select_n3A_124 : vector<256x1024xi1>, vector<256x1024xf32>
    %argmax3A_151 = tpu.reduce_index %select_n3A_150 {axis = 1 : i32, kind = #tpu.reduction_kind<arg_max>} : vector<256x1024xf32> -> vector<256xi32>
    %shift_right_logical3A_152 = arith.constant 6 : i32
    %shift_right_logical3A_153 = vector.broadcast %shift_right_logical3A_152 : i32 to vector<256xi32>
    %shift_right_logical3A_154 = arith.shrui %argmax3A_151, %shift_right_logical3A_153 : vector<256xi32>
    %and3A_155 = arith.constant 63 : i32
    %and3A_156 = vector.broadcast %and3A_155 : i32 to vector<256xi32>
    %and3A_157 = arith.andi %argmax3A_151, %and3A_156 : vector<256xi32>
    %broadcast_in_dim3A_158 = vector.shape_cast %shift_right_logical3A_154 : vector<256xi32> to vector<256x1xi32>
    %eq3A_159 = vector.broadcast %broadcast_in_dim3A_158 : vector<256x1xi32> to vector<256x16xi32>
    %eq3A_160 = arith.cmpi eq, %iota3A_5, %eq3A_159 : vector<256x16xi32>
    %jit3A_161 = arith.constant 0 : i32
    %broadcast_in_dim3A_162 = vector.broadcast %jit3A_161 : i32 to vector<256x16xi32>
    %select_n3A_163 = arith.select %eq3A_160, %get3A_4, %broadcast_in_dim3A_162 : vector<256x16xi1>, vector<256x16xi32>
    %reduce_sum3A_164 = arith.constant dense<0> : vector<256xi32>
    %reduce_sum3A_165 = vector.multi_reduction <add>, %select_n3A_163, %reduce_sum3A_164 [1] : vector<256x16xi32> to vector<256xi32>
    %mul3A_166 = arith.constant 64 : i32
    %mul3A_167 = vector.broadcast %mul3A_166 : i32 to vector<256xi32>
    %mul3A_168 = arith.muli %reduce_sum3A_165, %mul3A_167 : vector<256xi32>
    %add3A_169 = arith.addi %mul3A_168, %and3A_157 : vector<256xi32>
    %reshape3A_170 = vector.shape_cast %add3A_169 : vector<256xi32> to vector<256x1xi32>
    %broadcast_in_dim3A_171 = vector.shape_cast %argmax3A_151 : vector<256xi32> to vector<256x1xi32>
    %eq3A_172 = vector.broadcast %broadcast_in_dim3A_171 : vector<256x1xi32> to vector<256x1024xi32>
    %eq3A_173 = arith.cmpi eq, %iota3A, %eq3A_172 : vector<256x1024xi32>
    %jit3A_174 = arith.constant 0xFF800000 : f32
    %broadcast_in_dim3A_175 = vector.broadcast %jit3A_174 : f32 to vector<256x1024xf32>
    %select_n3A_176 = arith.select %eq3A_173, %broadcast_in_dim3A_175, %select_n3A_150 : vector<256x1024xi1>, vector<256x1024xf32>
    %argmax3A_177 = tpu.reduce_index %select_n3A_176 {axis = 1 : i32, kind = #tpu.reduction_kind<arg_max>} : vector<256x1024xf32> -> vector<256xi32>
    %shift_right_logical3A_178 = arith.constant 6 : i32
    %shift_right_logical3A_179 = vector.broadcast %shift_right_logical3A_178 : i32 to vector<256xi32>
    %shift_right_logical3A_180 = arith.shrui %argmax3A_177, %shift_right_logical3A_179 : vector<256xi32>
    %and3A_181 = arith.constant 63 : i32
    %and3A_182 = vector.broadcast %and3A_181 : i32 to vector<256xi32>
    %and3A_183 = arith.andi %argmax3A_177, %and3A_182 : vector<256xi32>
    %broadcast_in_dim3A_184 = vector.shape_cast %shift_right_logical3A_180 : vector<256xi32> to vector<256x1xi32>
    %eq3A_185 = vector.broadcast %broadcast_in_dim3A_184 : vector<256x1xi32> to vector<256x16xi32>
    %eq3A_186 = arith.cmpi eq, %iota3A_5, %eq3A_185 : vector<256x16xi32>
    %jit3A_187 = arith.constant 0 : i32
    %broadcast_in_dim3A_188 = vector.broadcast %jit3A_187 : i32 to vector<256x16xi32>
    %select_n3A_189 = arith.select %eq3A_186, %get3A_4, %broadcast_in_dim3A_188 : vector<256x16xi1>, vector<256x16xi32>
    %reduce_sum3A_190 = arith.constant dense<0> : vector<256xi32>
    %reduce_sum3A_191 = vector.multi_reduction <add>, %select_n3A_189, %reduce_sum3A_190 [1] : vector<256x16xi32> to vector<256xi32>
    %mul3A_192 = arith.constant 64 : i32
    %mul3A_193 = vector.broadcast %mul3A_192 : i32 to vector<256xi32>
    %mul3A_194 = arith.muli %reduce_sum3A_191, %mul3A_193 : vector<256xi32>
    %add3A_195 = arith.addi %mul3A_194, %and3A_183 : vector<256xi32>
    %reshape3A_196 = vector.shape_cast %add3A_195 : vector<256xi32> to vector<256x1xi32>
    %broadcast_in_dim3A_197 = vector.shape_cast %argmax3A_177 : vector<256xi32> to vector<256x1xi32>
    %eq3A_198 = vector.broadcast %broadcast_in_dim3A_197 : vector<256x1xi32> to vector<256x1024xi32>
    %eq3A_199 = arith.cmpi eq, %iota3A, %eq3A_198 : vector<256x1024xi32>
    %jit3A_200 = arith.constant 0xFF800000 : f32
    %broadcast_in_dim3A_201 = vector.broadcast %jit3A_200 : f32 to vector<256x1024xf32>
    %select_n3A_202 = arith.select %eq3A_199, %broadcast_in_dim3A_201, %select_n3A_176 : vector<256x1024xi1>, vector<256x1024xf32>
    %argmax3A_203 = tpu.reduce_index %select_n3A_202 {axis = 1 : i32, kind = #tpu.reduction_kind<arg_max>} : vector<256x1024xf32> -> vector<256xi32>
    %shift_right_logical3A_204 = arith.constant 6 : i32
    %shift_right_logical3A_205 = vector.broadcast %shift_right_logical3A_204 : i32 to vector<256xi32>
    %shift_right_logical3A_206 = arith.shrui %argmax3A_203, %shift_right_logical3A_205 : vector<256xi32>
    %and3A_207 = arith.constant 63 : i32
    %and3A_208 = vector.broadcast %and3A_207 : i32 to vector<256xi32>
    %and3A_209 = arith.andi %argmax3A_203, %and3A_208 : vector<256xi32>
    %broadcast_in_dim3A_210 = vector.shape_cast %shift_right_logical3A_206 : vector<256xi32> to vector<256x1xi32>
    %eq3A_211 = vector.broadcast %broadcast_in_dim3A_210 : vector<256x1xi32> to vector<256x16xi32>
    %eq3A_212 = arith.cmpi eq, %iota3A_5, %eq3A_211 : vector<256x16xi32>
    %jit3A_213 = arith.constant 0 : i32
    %broadcast_in_dim3A_214 = vector.broadcast %jit3A_213 : i32 to vector<256x16xi32>
    %select_n3A_215 = arith.select %eq3A_212, %get3A_4, %broadcast_in_dim3A_214 : vector<256x16xi1>, vector<256x16xi32>
    %reduce_sum3A_216 = arith.constant dense<0> : vector<256xi32>
    %reduce_sum3A_217 = vector.multi_reduction <add>, %select_n3A_215, %reduce_sum3A_216 [1] : vector<256x16xi32> to vector<256xi32>
    %mul3A_218 = arith.constant 64 : i32
    %mul3A_219 = vector.broadcast %mul3A_218 : i32 to vector<256xi32>
    %mul3A_220 = arith.muli %reduce_sum3A_217, %mul3A_219 : vector<256xi32>
    %add3A_221 = arith.addi %mul3A_220, %and3A_209 : vector<256xi32>
    %reshape3A_222 = vector.shape_cast %add3A_221 : vector<256xi32> to vector<256x1xi32>
    %broadcast_in_dim3A_223 = vector.shape_cast %argmax3A_203 : vector<256xi32> to vector<256x1xi32>
    %eq3A_224 = vector.broadcast %broadcast_in_dim3A_223 : vector<256x1xi32> to vector<256x1024xi32>
    %eq3A_225 = arith.cmpi eq, %iota3A, %eq3A_224 : vector<256x1024xi32>
    %jit3A_226 = arith.constant 0xFF800000 : f32
    %broadcast_in_dim3A_227 = vector.broadcast %jit3A_226 : f32 to vector<256x1024xf32>
    %select_n3A_228 = arith.select %eq3A_225, %broadcast_in_dim3A_227, %select_n3A_202 : vector<256x1024xi1>, vector<256x1024xf32>
    %argmax3A_229 = tpu.reduce_index %select_n3A_228 {axis = 1 : i32, kind = #tpu.reduction_kind<arg_max>} : vector<256x1024xf32> -> vector<256xi32>
    %shift_right_logical3A_230 = arith.constant 6 : i32
    %shift_right_logical3A_231 = vector.broadcast %shift_right_logical3A_230 : i32 to vector<256xi32>
    %shift_right_logical3A_232 = arith.shrui %argmax3A_229, %shift_right_logical3A_231 : vector<256xi32>
    %and3A_233 = arith.constant 63 : i32
    %and3A_234 = vector.broadcast %and3A_233 : i32 to vector<256xi32>
    %and3A_235 = arith.andi %argmax3A_229, %and3A_234 : vector<256xi32>
    %broadcast_in_dim3A_236 = vector.shape_cast %shift_right_logical3A_232 : vector<256xi32> to vector<256x1xi32>
    %eq3A_237 = vector.broadcast %broadcast_in_dim3A_236 : vector<256x1xi32> to vector<256x16xi32>
    %eq3A_238 = arith.cmpi eq, %iota3A_5, %eq3A_237 : vector<256x16xi32>
    %jit3A_239 = arith.constant 0 : i32
    %broadcast_in_dim3A_240 = vector.broadcast %jit3A_239 : i32 to vector<256x16xi32>
    %select_n3A_241 = arith.select %eq3A_238, %get3A_4, %broadcast_in_dim3A_240 : vector<256x16xi1>, vector<256x16xi32>
    %reduce_sum3A_242 = arith.constant dense<0> : vector<256xi32>
    %reduce_sum3A_243 = vector.multi_reduction <add>, %select_n3A_241, %reduce_sum3A_242 [1] : vector<256x16xi32> to vector<256xi32>
    %mul3A_244 = arith.constant 64 : i32
    %mul3A_245 = vector.broadcast %mul3A_244 : i32 to vector<256xi32>
    %mul3A_246 = arith.muli %reduce_sum3A_243, %mul3A_245 : vector<256xi32>
    %add3A_247 = arith.addi %mul3A_246, %and3A_235 : vector<256xi32>
    %reshape3A_248 = vector.shape_cast %add3A_247 : vector<256xi32> to vector<256x1xi32>
    %broadcast_in_dim3A_249 = vector.shape_cast %argmax3A_229 : vector<256xi32> to vector<256x1xi32>
    %eq3A_250 = vector.broadcast %broadcast_in_dim3A_249 : vector<256x1xi32> to vector<256x1024xi32>
    %eq3A_251 = arith.cmpi eq, %iota3A, %eq3A_250 : vector<256x1024xi32>
    %jit3A_252 = arith.constant 0xFF800000 : f32
    %broadcast_in_dim3A_253 = vector.broadcast %jit3A_252 : f32 to vector<256x1024xf32>
    %select_n3A_254 = arith.select %eq3A_251, %broadcast_in_dim3A_253, %select_n3A_228 : vector<256x1024xi1>, vector<256x1024xf32>
    %argmax3A_255 = tpu.reduce_index %select_n3A_254 {axis = 1 : i32, kind = #tpu.reduction_kind<arg_max>} : vector<256x1024xf32> -> vector<256xi32>
    %shift_right_logical3A_256 = arith.constant 6 : i32
    %shift_right_logical3A_257 = vector.broadcast %shift_right_logical3A_256 : i32 to vector<256xi32>
    %shift_right_logical3A_258 = arith.shrui %argmax3A_255, %shift_right_logical3A_257 : vector<256xi32>
    %and3A_259 = arith.constant 63 : i32
    %and3A_260 = vector.broadcast %and3A_259 : i32 to vector<256xi32>
    %and3A_261 = arith.andi %argmax3A_255, %and3A_260 : vector<256xi32>
    %broadcast_in_dim3A_262 = vector.shape_cast %shift_right_logical3A_258 : vector<256xi32> to vector<256x1xi32>
    %eq3A_263 = vector.broadcast %broadcast_in_dim3A_262 : vector<256x1xi32> to vector<256x16xi32>
    %eq3A_264 = arith.cmpi eq, %iota3A_5, %eq3A_263 : vector<256x16xi32>
    %jit3A_265 = arith.constant 0 : i32
    %broadcast_in_dim3A_266 = vector.broadcast %jit3A_265 : i32 to vector<256x16xi32>
    %select_n3A_267 = arith.select %eq3A_264, %get3A_4, %broadcast_in_dim3A_266 : vector<256x16xi1>, vector<256x16xi32>
    %reduce_sum3A_268 = arith.constant dense<0> : vector<256xi32>
    %reduce_sum3A_269 = vector.multi_reduction <add>, %select_n3A_267, %reduce_sum3A_268 [1] : vector<256x16xi32> to vector<256xi32>
    %mul3A_270 = arith.constant 64 : i32
    %mul3A_271 = vector.broadcast %mul3A_270 : i32 to vector<256xi32>
    %mul3A_272 = arith.muli %reduce_sum3A_269, %mul3A_271 : vector<256xi32>
    %add3A_273 = arith.addi %mul3A_272, %and3A_261 : vector<256xi32>
    %reshape3A_274 = vector.shape_cast %add3A_273 : vector<256xi32> to vector<256x1xi32>
    %broadcast_in_dim3A_275 = vector.shape_cast %argmax3A_255 : vector<256xi32> to vector<256x1xi32>
    %eq3A_276 = vector.broadcast %broadcast_in_dim3A_275 : vector<256x1xi32> to vector<256x1024xi32>
    %eq3A_277 = arith.cmpi eq, %iota3A, %eq3A_276 : vector<256x1024xi32>
    %jit3A_278 = arith.constant 0xFF800000 : f32
    %broadcast_in_dim3A_279 = vector.broadcast %jit3A_278 : f32 to vector<256x1024xf32>
    %select_n3A_280 = arith.select %eq3A_277, %broadcast_in_dim3A_279, %select_n3A_254 : vector<256x1024xi1>, vector<256x1024xf32>
    %argmax3A_281 = tpu.reduce_index %select_n3A_280 {axis = 1 : i32, kind = #tpu.reduction_kind<arg_max>} : vector<256x1024xf32> -> vector<256xi32>
    %shift_right_logical3A_282 = arith.constant 6 : i32
    %shift_right_logical3A_283 = vector.broadcast %shift_right_logical3A_282 : i32 to vector<256xi32>
    %shift_right_logical3A_284 = arith.shrui %argmax3A_281, %shift_right_logical3A_283 : vector<256xi32>
    %and3A_285 = arith.constant 63 : i32
    %and3A_286 = vector.broadcast %and3A_285 : i32 to vector<256xi32>
    %and3A_287 = arith.andi %argmax3A_281, %and3A_286 : vector<256xi32>
    %broadcast_in_dim3A_288 = vector.shape_cast %shift_right_logical3A_284 : vector<256xi32> to vector<256x1xi32>
    %eq3A_289 = vector.broadcast %broadcast_in_dim3A_288 : vector<256x1xi32> to vector<256x16xi32>
    %eq3A_290 = arith.cmpi eq, %iota3A_5, %eq3A_289 : vector<256x16xi32>
    %jit3A_291 = arith.constant 0 : i32
    %broadcast_in_dim3A_292 = vector.broadcast %jit3A_291 : i32 to vector<256x16xi32>
    %select_n3A_293 = arith.select %eq3A_290, %get3A_4, %broadcast_in_dim3A_292 : vector<256x16xi1>, vector<256x16xi32>
    %reduce_sum3A_294 = arith.constant dense<0> : vector<256xi32>
    %reduce_sum3A_295 = vector.multi_reduction <add>, %select_n3A_293, %reduce_sum3A_294 [1] : vector<256x16xi32> to vector<256xi32>
    %mul3A_296 = arith.constant 64 : i32
    %mul3A_297 = vector.broadcast %mul3A_296 : i32 to vector<256xi32>
    %mul3A_298 = arith.muli %reduce_sum3A_295, %mul3A_297 : vector<256xi32>
    %add3A_299 = arith.addi %mul3A_298, %and3A_287 : vector<256xi32>
    %reshape3A_300 = vector.shape_cast %add3A_299 : vector<256xi32> to vector<256x1xi32>
    %broadcast_in_dim3A_301 = vector.shape_cast %argmax3A_281 : vector<256xi32> to vector<256x1xi32>
    %eq3A_302 = vector.broadcast %broadcast_in_dim3A_301 : vector<256x1xi32> to vector<256x1024xi32>
    %eq3A_303 = arith.cmpi eq, %iota3A, %eq3A_302 : vector<256x1024xi32>
    %jit3A_304 = arith.constant 0xFF800000 : f32
    %broadcast_in_dim3A_305 = vector.broadcast %jit3A_304 : f32 to vector<256x1024xf32>
    %select_n3A_306 = arith.select %eq3A_303, %broadcast_in_dim3A_305, %select_n3A_280 : vector<256x1024xi1>, vector<256x1024xf32>
    %argmax3A_307 = tpu.reduce_index %select_n3A_306 {axis = 1 : i32, kind = #tpu.reduction_kind<arg_max>} : vector<256x1024xf32> -> vector<256xi32>
    %shift_right_logical3A_308 = arith.constant 6 : i32
    %shift_right_logical3A_309 = vector.broadcast %shift_right_logical3A_308 : i32 to vector<256xi32>
    %shift_right_logical3A_310 = arith.shrui %argmax3A_307, %shift_right_logical3A_309 : vector<256xi32>
    %and3A_311 = arith.constant 63 : i32
    %and3A_312 = vector.broadcast %and3A_311 : i32 to vector<256xi32>
    %and3A_313 = arith.andi %argmax3A_307, %and3A_312 : vector<256xi32>
    %broadcast_in_dim3A_314 = vector.shape_cast %shift_right_logical3A_310 : vector<256xi32> to vector<256x1xi32>
    %eq3A_315 = vector.broadcast %broadcast_in_dim3A_314 : vector<256x1xi32> to vector<256x16xi32>
    %eq3A_316 = arith.cmpi eq, %iota3A_5, %eq3A_315 : vector<256x16xi32>
    %jit3A_317 = arith.constant 0 : i32
    %broadcast_in_dim3A_318 = vector.broadcast %jit3A_317 : i32 to vector<256x16xi32>
    %select_n3A_319 = arith.select %eq3A_316, %get3A_4, %broadcast_in_dim3A_318 : vector<256x16xi1>, vector<256x16xi32>
    %reduce_sum3A_320 = arith.constant dense<0> : vector<256xi32>
    %reduce_sum3A_321 = vector.multi_reduction <add>, %select_n3A_319, %reduce_sum3A_320 [1] : vector<256x16xi32> to vector<256xi32>
    %mul3A_322 = arith.constant 64 : i32
    %mul3A_323 = vector.broadcast %mul3A_322 : i32 to vector<256xi32>
    %mul3A_324 = arith.muli %reduce_sum3A_321, %mul3A_323 : vector<256xi32>
    %add3A_325 = arith.addi %mul3A_324, %and3A_313 : vector<256xi32>
    %reshape3A_326 = vector.shape_cast %add3A_325 : vector<256xi32> to vector<256x1xi32>
    %broadcast_in_dim3A_327 = vector.shape_cast %argmax3A_307 : vector<256xi32> to vector<256x1xi32>
    %eq3A_328 = vector.broadcast %broadcast_in_dim3A_327 : vector<256x1xi32> to vector<256x1024xi32>
    %eq3A_329 = arith.cmpi eq, %iota3A, %eq3A_328 : vector<256x1024xi32>
    %jit3A_330 = arith.constant 0xFF800000 : f32
    %broadcast_in_dim3A_331 = vector.broadcast %jit3A_330 : f32 to vector<256x1024xf32>
    %select_n3A_332 = arith.select %eq3A_329, %broadcast_in_dim3A_331, %select_n3A_306 : vector<256x1024xi1>, vector<256x1024xf32>
    %argmax3A_333 = tpu.reduce_index %select_n3A_332 {axis = 1 : i32, kind = #tpu.reduction_kind<arg_max>} : vector<256x1024xf32> -> vector<256xi32>
    %shift_right_logical3A_334 = arith.constant 6 : i32
    %shift_right_logical3A_335 = vector.broadcast %shift_right_logical3A_334 : i32 to vector<256xi32>
    %shift_right_logical3A_336 = arith.shrui %argmax3A_333, %shift_right_logical3A_335 : vector<256xi32>
    %and3A_337 = arith.constant 63 : i32
    %and3A_338 = vector.broadcast %and3A_337 : i32 to vector<256xi32>
    %and3A_339 = arith.andi %argmax3A_333, %and3A_338 : vector<256xi32>
    %broadcast_in_dim3A_340 = vector.shape_cast %shift_right_logical3A_336 : vector<256xi32> to vector<256x1xi32>
    %eq3A_341 = vector.broadcast %broadcast_in_dim3A_340 : vector<256x1xi32> to vector<256x16xi32>
    %eq3A_342 = arith.cmpi eq, %iota3A_5, %eq3A_341 : vector<256x16xi32>
    %jit3A_343 = arith.constant 0 : i32
    %broadcast_in_dim3A_344 = vector.broadcast %jit3A_343 : i32 to vector<256x16xi32>
    %select_n3A_345 = arith.select %eq3A_342, %get3A_4, %broadcast_in_dim3A_344 : vector<256x16xi1>, vector<256x16xi32>
    %reduce_sum3A_346 = arith.constant dense<0> : vector<256xi32>
    %reduce_sum3A_347 = vector.multi_reduction <add>, %select_n3A_345, %reduce_sum3A_346 [1] : vector<256x16xi32> to vector<256xi32>
    %mul3A_348 = arith.constant 64 : i32
    %mul3A_349 = vector.broadcast %mul3A_348 : i32 to vector<256xi32>
    %mul3A_350 = arith.muli %reduce_sum3A_347, %mul3A_349 : vector<256xi32>
    %add3A_351 = arith.addi %mul3A_350, %and3A_339 : vector<256xi32>
    %reshape3A_352 = vector.shape_cast %add3A_351 : vector<256xi32> to vector<256x1xi32>
    %broadcast_in_dim3A_353 = vector.shape_cast %argmax3A_333 : vector<256xi32> to vector<256x1xi32>
    %eq3A_354 = vector.broadcast %broadcast_in_dim3A_353 : vector<256x1xi32> to vector<256x1024xi32>
    %eq3A_355 = arith.cmpi eq, %iota3A, %eq3A_354 : vector<256x1024xi32>
    %jit3A_356 = arith.constant 0xFF800000 : f32
    %broadcast_in_dim3A_357 = vector.broadcast %jit3A_356 : f32 to vector<256x1024xf32>
    %select_n3A_358 = arith.select %eq3A_355, %broadcast_in_dim3A_357, %select_n3A_332 : vector<256x1024xi1>, vector<256x1024xf32>
    %argmax3A_359 = tpu.reduce_index %select_n3A_358 {axis = 1 : i32, kind = #tpu.reduction_kind<arg_max>} : vector<256x1024xf32> -> vector<256xi32>
    %shift_right_logical3A_360 = arith.constant 6 : i32
    %shift_right_logical3A_361 = vector.broadcast %shift_right_logical3A_360 : i32 to vector<256xi32>
    %shift_right_logical3A_362 = arith.shrui %argmax3A_359, %shift_right_logical3A_361 : vector<256xi32>
    %and3A_363 = arith.constant 63 : i32
    %and3A_364 = vector.broadcast %and3A_363 : i32 to vector<256xi32>
    %and3A_365 = arith.andi %argmax3A_359, %and3A_364 : vector<256xi32>
    %broadcast_in_dim3A_366 = vector.shape_cast %shift_right_logical3A_362 : vector<256xi32> to vector<256x1xi32>
    %eq3A_367 = vector.broadcast %broadcast_in_dim3A_366 : vector<256x1xi32> to vector<256x16xi32>
    %eq3A_368 = arith.cmpi eq, %iota3A_5, %eq3A_367 : vector<256x16xi32>
    %jit3A_369 = arith.constant 0 : i32
    %broadcast_in_dim3A_370 = vector.broadcast %jit3A_369 : i32 to vector<256x16xi32>
    %select_n3A_371 = arith.select %eq3A_368, %get3A_4, %broadcast_in_dim3A_370 : vector<256x16xi1>, vector<256x16xi32>
    %reduce_sum3A_372 = arith.constant dense<0> : vector<256xi32>
    %reduce_sum3A_373 = vector.multi_reduction <add>, %select_n3A_371, %reduce_sum3A_372 [1] : vector<256x16xi32> to vector<256xi32>
    %mul3A_374 = arith.constant 64 : i32
    %mul3A_375 = vector.broadcast %mul3A_374 : i32 to vector<256xi32>
    %mul3A_376 = arith.muli %reduce_sum3A_373, %mul3A_375 : vector<256xi32>
    %add3A_377 = arith.addi %mul3A_376, %and3A_365 : vector<256xi32>
    %reshape3A_378 = vector.shape_cast %add3A_377 : vector<256xi32> to vector<256x1xi32>
    %broadcast_in_dim3A_379 = vector.shape_cast %argmax3A_359 : vector<256xi32> to vector<256x1xi32>
    %eq3A_380 = vector.broadcast %broadcast_in_dim3A_379 : vector<256x1xi32> to vector<256x1024xi32>
    %eq3A_381 = arith.cmpi eq, %iota3A, %eq3A_380 : vector<256x1024xi32>
    %jit3A_382 = arith.constant 0xFF800000 : f32
    %broadcast_in_dim3A_383 = vector.broadcast %jit3A_382 : f32 to vector<256x1024xf32>
    %select_n3A_384 = arith.select %eq3A_381, %broadcast_in_dim3A_383, %select_n3A_358 : vector<256x1024xi1>, vector<256x1024xf32>
    %argmax3A_385 = tpu.reduce_index %select_n3A_384 {axis = 1 : i32, kind = #tpu.reduction_kind<arg_max>} : vector<256x1024xf32> -> vector<256xi32>
    %shift_right_logical3A_386 = arith.constant 6 : i32
    %shift_right_logical3A_387 = vector.broadcast %shift_right_logical3A_386 : i32 to vector<256xi32>
    %shift_right_logical3A_388 = arith.shrui %argmax3A_385, %shift_right_logical3A_387 : vector<256xi32>
    %and3A_389 = arith.constant 63 : i32
    %and3A_390 = vector.broadcast %and3A_389 : i32 to vector<256xi32>
    %and3A_391 = arith.andi %argmax3A_385, %and3A_390 : vector<256xi32>
    %broadcast_in_dim3A_392 = vector.shape_cast %shift_right_logical3A_388 : vector<256xi32> to vector<256x1xi32>
    %eq3A_393 = vector.broadcast %broadcast_in_dim3A_392 : vector<256x1xi32> to vector<256x16xi32>
    %eq3A_394 = arith.cmpi eq, %iota3A_5, %eq3A_393 : vector<256x16xi32>
    %jit3A_395 = arith.constant 0 : i32
    %broadcast_in_dim3A_396 = vector.broadcast %jit3A_395 : i32 to vector<256x16xi32>
    %select_n3A_397 = arith.select %eq3A_394, %get3A_4, %broadcast_in_dim3A_396 : vector<256x16xi1>, vector<256x16xi32>
    %reduce_sum3A_398 = arith.constant dense<0> : vector<256xi32>
    %reduce_sum3A_399 = vector.multi_reduction <add>, %select_n3A_397, %reduce_sum3A_398 [1] : vector<256x16xi32> to vector<256xi32>
    %mul3A_400 = arith.constant 64 : i32
    %mul3A_401 = vector.broadcast %mul3A_400 : i32 to vector<256xi32>
    %mul3A_402 = arith.muli %reduce_sum3A_399, %mul3A_401 : vector<256xi32>
    %add3A_403 = arith.addi %mul3A_402, %and3A_391 : vector<256xi32>
    %reshape3A_404 = vector.shape_cast %add3A_403 : vector<256xi32> to vector<256x1xi32>
    %concatenate3A = tpu.concatenate %reshape3A, %reshape3A_40, %reshape3A_66, %reshape3A_92, %reshape3A_118, %reshape3A_144, %reshape3A_170, %reshape3A_196, %reshape3A_222, %reshape3A_248, %reshape3A_274, %reshape3A_300, %reshape3A_326, %reshape3A_352, %reshape3A_378, %reshape3A_404 in 1 : vector<256x1xi32>, vector<256x1xi32>, vector<256x1xi32>, vector<256x1xi32>, vector<256x1xi32>, vector<256x1xi32>, vector<256x1xi32>, vector<256x1xi32>, vector<256x1xi32>, vector<256x1xi32>, vector<256x1xi32>, vector<256x1xi32>, vector<256x1xi32>, vector<256x1xi32>, vector<256x1xi32>, vector<256x1xi32> -> vector<256x16xi32>
    %swap3A = arith.constant 0 : index
    %swap3A_405 = arith.constant 0 : index
    %swap3A_406 = vector.load %arg3[%swap3A, %swap3A_405] : memref<256x16xi32, #tpu.memory_space<vmem>>, vector<256x16xi32>
    tpu.vector_store %arg3[%swap3A, %swap3A_405], %concatenate3A {strides = array<i32>} : memref<256x16xi32, #tpu.memory_space<vmem>>, vector<256x16xi32>,
    return
  }
  func.func @transform_0(%arg0: i32) -> (i32, i32) {
    %c0_i32 = arith.constant 0 : i32
    %c0_i32_0 = arith.constant 0 : i32
    return %arg0, %c0_i32 : i32, i32
  }
  func.func @transform_1(%arg0: i32) -> (i32, i32) {
    %c0_i32 = arith.constant 0 : i32
    %c0_i32_0 = arith.constant 0 : i32
    return %arg0, %c0_i32 : i32, i32
  }
  func.func @transform_2(%arg0: i32) -> (i32, i32) {
    %c0_i32 = arith.constant 0 : i32
    %c0_i32_0 = arith.constant 0 : i32
    return %arg0, %c0_i32 : i32, i32
  }
}

module attributes {stable_mosaic.version = 14 : i64} {
  func.func @_rel_body(%arg0: i32, %arg1: memref<256x8xf32, #tpu.memory_space<vmem>>, %arg2: memref<4096x32xf32, #tpu.memory_space<vmem>>, %arg3: memref<4096x8xf32, #tpu.memory_space<vmem>>, %arg4: memref<1x8xf32, #tpu.memory_space<vmem>>, %arg5: memref<8x8xf32, #tpu.memory_space<vmem>>) attributes {dimension_semantics = [#tpu.dimension_semantics<arbitrary>], iteration_bounds = array<i64: 40>, scalar_prefetch = 0 : i64, scratch_operands = 0 : i64, tpu.core_type = #tpu.core_type<tc>, window_params = [{transform_indices = @transform_0, window_bounds = array<i64: 256, 8>}, {transform_indices = @transform_1, window_bounds = array<i64: 4096, 32>}, {transform_indices = @transform_2, window_bounds = array<i64: 4096, 8>}, {pipeline_mode = #tpu.pipeline_mode<synchronous>, transform_indices = @transform_3, window_bounds = array<i64: 1, 8>}, {pipeline_mode = #tpu.pipeline_mode<synchronous>, transform_indices = @transform_4, window_bounds = array<i64: 8, 8>}]} {
    %get3A = arith.constant 0 : index
    %get3A_0 = arith.constant 0 : index
    %get3A_1 = vector.load %arg1[%get3A, %get3A_0] : memref<256x8xf32, #tpu.memory_space<vmem>>, vector<256x8xf32>
    %get3A_2 = arith.constant 0 : index
    %get3A_3 = arith.constant 0 : index
    %get3A_4 = vector.load %arg2[%get3A_2, %get3A_3] : memref<4096x32xf32, #tpu.memory_space<vmem>>, vector<4096x32xf32>
    %slice3A = vector.extract_strided_slice %get3A_4 {offsets = [0, 0], sizes = [4096, 8], strides = [1, 1]} : vector<4096x32xf32> to vector<4096x8xf32>
    %reshape3A = vector.shape_cast %get3A_1 : vector<256x8xf32> to vector<256x1x8xf32>
    %broadcast_in_dim3A = vector.shape_cast %reshape3A : vector<256x1x8xf32> to vector<256x1x8xf32>
    %broadcast_in_dim3A_5 = vector.broadcast %broadcast_in_dim3A : vector<256x1x8xf32> to vector<256x16x8xf32>
    %reshape3A_6 = vector.shape_cast %broadcast_in_dim3A_5 : vector<256x16x8xf32> to vector<4096x8xf32>
    %transpose3A = tpu.transpose %reshape3A_6, [1, 0] : vector<4096x8xf32> -> vector<8x4096xf32>
    %transpose3A_7 = tpu.transpose %slice3A, [1, 0] : vector<4096x8xf32> -> vector<8x4096xf32>
    %slice3A_8 = vector.extract_strided_slice %transpose3A {offsets = [0, 0], sizes = [1, 4096], strides = [1, 1]} : vector<8x4096xf32> to vector<1x4096xf32>
    %slice3A_9 = vector.extract_strided_slice %transpose3A {offsets = [1, 0], sizes = [1, 4096], strides = [1, 1]} : vector<8x4096xf32> to vector<1x4096xf32>
    %slice3A_10 = vector.extract_strided_slice %transpose3A {offsets = [2, 0], sizes = [1, 4096], strides = [1, 1]} : vector<8x4096xf32> to vector<1x4096xf32>
    %slice3A_11 = vector.extract_strided_slice %transpose3A {offsets = [3, 0], sizes = [1, 4096], strides = [1, 1]} : vector<8x4096xf32> to vector<1x4096xf32>
    %slice3A_12 = vector.extract_strided_slice %transpose3A {offsets = [4, 0], sizes = [1, 4096], strides = [1, 1]} : vector<8x4096xf32> to vector<1x4096xf32>
    %slice3A_13 = vector.extract_strided_slice %transpose3A {offsets = [5, 0], sizes = [1, 4096], strides = [1, 1]} : vector<8x4096xf32> to vector<1x4096xf32>
    %slice3A_14 = vector.extract_strided_slice %transpose3A_7 {offsets = [0, 0], sizes = [1, 4096], strides = [1, 1]} : vector<8x4096xf32> to vector<1x4096xf32>
    %slice3A_15 = vector.extract_strided_slice %transpose3A_7 {offsets = [1, 0], sizes = [1, 4096], strides = [1, 1]} : vector<8x4096xf32> to vector<1x4096xf32>
    %slice3A_16 = vector.extract_strided_slice %transpose3A_7 {offsets = [2, 0], sizes = [1, 4096], strides = [1, 1]} : vector<8x4096xf32> to vector<1x4096xf32>
    %slice3A_17 = vector.extract_strided_slice %transpose3A_7 {offsets = [3, 0], sizes = [1, 4096], strides = [1, 1]} : vector<8x4096xf32> to vector<1x4096xf32>
    %slice3A_18 = vector.extract_strided_slice %transpose3A_7 {offsets = [4, 0], sizes = [1, 4096], strides = [1, 1]} : vector<8x4096xf32> to vector<1x4096xf32>
    %slice3A_19 = vector.extract_strided_slice %transpose3A_7 {offsets = [5, 0], sizes = [1, 4096], strides = [1, 1]} : vector<8x4096xf32> to vector<1x4096xf32>
    %sub3A = arith.subf %slice3A_14, %slice3A_8 : vector<1x4096xf32>
    %sub3A_20 = arith.subf %slice3A_15, %slice3A_9 : vector<1x4096xf32>
    %sub3A_21 = arith.subf %slice3A_16, %slice3A_10 : vector<1x4096xf32>
    %mul3A = arith.mulf %sub3A, %sub3A : vector<1x4096xf32>
    %mul3A_22 = arith.mulf %sub3A_20, %sub3A_20 : vector<1x4096xf32>
    %add3A = arith.addf %mul3A, %mul3A_22 : vector<1x4096xf32>
    %mul3A_23 = arith.mulf %sub3A_21, %sub3A_21 : vector<1x4096xf32>
    %add3A_24 = arith.addf %add3A, %mul3A_23 : vector<1x4096xf32>
    %sqrt3A = math.sqrt %add3A_24 : vector<1x4096xf32>
    %mul3A_25 = arith.mulf %slice3A_11, %slice3A_11 : vector<1x4096xf32>
    %mul3A_26 = arith.mulf %slice3A_12, %slice3A_12 : vector<1x4096xf32>
    %add3A_27 = arith.addf %mul3A_25, %mul3A_26 : vector<1x4096xf32>
    %mul3A_28 = arith.mulf %slice3A_13, %slice3A_13 : vector<1x4096xf32>
    %add3A_29 = arith.addf %add3A_27, %mul3A_28 : vector<1x4096xf32>
    %sqrt3A_30 = math.sqrt %add3A_29 : vector<1x4096xf32>
    %mul3A_31 = arith.mulf %slice3A_17, %slice3A_17 : vector<1x4096xf32>
    %mul3A_32 = arith.mulf %slice3A_18, %slice3A_18 : vector<1x4096xf32>
    %add3A_33 = arith.addf %mul3A_31, %mul3A_32 : vector<1x4096xf32>
    %mul3A_34 = arith.mulf %slice3A_19, %slice3A_19 : vector<1x4096xf32>
    %add3A_35 = arith.addf %add3A_33, %mul3A_34 : vector<1x4096xf32>
    %sqrt3A_36 = math.sqrt %add3A_35 : vector<1x4096xf32>
    %mul3A_37 = arith.mulf %sub3A, %slice3A_11 : vector<1x4096xf32>
    %mul3A_38 = arith.mulf %sub3A_20, %slice3A_12 : vector<1x4096xf32>
    %add3A_39 = arith.addf %mul3A_37, %mul3A_38 : vector<1x4096xf32>
    %mul3A_40 = arith.mulf %sub3A_21, %slice3A_13 : vector<1x4096xf32>
    %add3A_41 = arith.addf %add3A_39, %mul3A_40 : vector<1x4096xf32>
    %mul3A_42 = arith.mulf %sqrt3A, %sqrt3A_30 : vector<1x4096xf32>
    %add3A_43 = arith.constant 1.000000e-10 : f32
    %add3A_44 = vector.broadcast %add3A_43 : f32 to vector<1x4096xf32>
    %add3A_45 = arith.addf %mul3A_42, %add3A_44 : vector<1x4096xf32>
    %div3A = arith.divf %add3A_41, %add3A_45 : vector<1x4096xf32>
    %mul3A_46 = arith.mulf %sub3A, %slice3A_17 : vector<1x4096xf32>
    %mul3A_47 = arith.mulf %sub3A_20, %slice3A_18 : vector<1x4096xf32>
    %add3A_48 = arith.addf %mul3A_46, %mul3A_47 : vector<1x4096xf32>
    %mul3A_49 = arith.mulf %sub3A_21, %slice3A_19 : vector<1x4096xf32>
    %add3A_50 = arith.addf %add3A_48, %mul3A_49 : vector<1x4096xf32>
    %mul3A_51 = arith.mulf %sqrt3A, %sqrt3A_36 : vector<1x4096xf32>
    %add3A_52 = arith.constant 1.000000e-10 : f32
    %add3A_53 = vector.broadcast %add3A_52 : f32 to vector<1x4096xf32>
    %add3A_54 = arith.addf %mul3A_51, %add3A_53 : vector<1x4096xf32>
    %div3A_55 = arith.divf %add3A_50, %add3A_54 : vector<1x4096xf32>
    %mul3A_56 = arith.mulf %slice3A_11, %slice3A_17 : vector<1x4096xf32>
    %mul3A_57 = arith.mulf %slice3A_12, %slice3A_18 : vector<1x4096xf32>
    %add3A_58 = arith.addf %mul3A_56, %mul3A_57 : vector<1x4096xf32>
    %mul3A_59 = arith.mulf %slice3A_13, %slice3A_19 : vector<1x4096xf32>
    %add3A_60 = arith.addf %add3A_58, %mul3A_59 : vector<1x4096xf32>
    %mul3A_61 = arith.mulf %sqrt3A_30, %sqrt3A_36 : vector<1x4096xf32>
    %add3A_62 = arith.constant 1.000000e-10 : f32
    %add3A_63 = vector.broadcast %add3A_62 : f32 to vector<1x4096xf32>
    %add3A_64 = arith.addf %mul3A_61, %add3A_63 : vector<1x4096xf32>
    %div3A_65 = arith.divf %add3A_60, %add3A_64 : vector<1x4096xf32>
    %mul3A_66 = arith.mulf %sub3A_20, %slice3A_13 : vector<1x4096xf32>
    %mul3A_67 = arith.mulf %sub3A_21, %slice3A_12 : vector<1x4096xf32>
    %sub3A_68 = arith.subf %mul3A_66, %mul3A_67 : vector<1x4096xf32>
    %mul3A_69 = arith.mulf %sub3A_21, %slice3A_11 : vector<1x4096xf32>
    %mul3A_70 = arith.mulf %sub3A, %slice3A_13 : vector<1x4096xf32>
    %sub3A_71 = arith.subf %mul3A_69, %mul3A_70 : vector<1x4096xf32>
    %mul3A_72 = arith.mulf %sub3A, %slice3A_12 : vector<1x4096xf32>
    %mul3A_73 = arith.mulf %sub3A_20, %slice3A_11 : vector<1x4096xf32>
    %sub3A_74 = arith.subf %mul3A_72, %mul3A_73 : vector<1x4096xf32>
    %mul3A_75 = arith.mulf %sub3A_71, %slice3A_13 : vector<1x4096xf32>
    %mul3A_76 = arith.mulf %sub3A_74, %slice3A_12 : vector<1x4096xf32>
    %sub3A_77 = arith.subf %mul3A_75, %mul3A_76 : vector<1x4096xf32>
    %mul3A_78 = arith.mulf %sub3A_74, %slice3A_11 : vector<1x4096xf32>
    %mul3A_79 = arith.mulf %sub3A_68, %slice3A_13 : vector<1x4096xf32>
    %sub3A_80 = arith.subf %mul3A_78, %mul3A_79 : vector<1x4096xf32>
    %mul3A_81 = arith.mulf %sub3A_68, %slice3A_12 : vector<1x4096xf32>
    %mul3A_82 = arith.mulf %sub3A_71, %slice3A_11 : vector<1x4096xf32>
    %sub3A_83 = arith.subf %mul3A_81, %mul3A_82 : vector<1x4096xf32>
    %mul3A_84 = arith.mulf %sub3A_20, %slice3A_19 : vector<1x4096xf32>
    %mul3A_85 = arith.mulf %sub3A_21, %slice3A_18 : vector<1x4096xf32>
    %sub3A_86 = arith.subf %mul3A_84, %mul3A_85 : vector<1x4096xf32>
    %mul3A_87 = arith.mulf %sub3A_21, %slice3A_17 : vector<1x4096xf32>
    %mul3A_88 = arith.mulf %sub3A, %slice3A_19 : vector<1x4096xf32>
    %sub3A_89 = arith.subf %mul3A_87, %mul3A_88 : vector<1x4096xf32>
    %mul3A_90 = arith.mulf %sub3A, %slice3A_18 : vector<1x4096xf32>
    %mul3A_91 = arith.mulf %sub3A_20, %slice3A_17 : vector<1x4096xf32>
    %sub3A_92 = arith.subf %mul3A_90, %mul3A_91 : vector<1x4096xf32>
    %mul3A_93 = arith.mulf %sub3A_89, %slice3A_19 : vector<1x4096xf32>
    %mul3A_94 = arith.mulf %sub3A_92, %slice3A_18 : vector<1x4096xf32>
    %sub3A_95 = arith.subf %mul3A_93, %mul3A_94 : vector<1x4096xf32>
    %mul3A_96 = arith.mulf %sub3A_92, %slice3A_17 : vector<1x4096xf32>
    %mul3A_97 = arith.mulf %sub3A_86, %slice3A_19 : vector<1x4096xf32>
    %sub3A_98 = arith.subf %mul3A_96, %mul3A_97 : vector<1x4096xf32>
    %mul3A_99 = arith.mulf %sub3A_86, %slice3A_18 : vector<1x4096xf32>
    %mul3A_100 = arith.mulf %sub3A_89, %slice3A_17 : vector<1x4096xf32>
    %sub3A_101 = arith.subf %mul3A_99, %mul3A_100 : vector<1x4096xf32>
    %mul3A_102 = arith.mulf %sub3A_68, %sub3A_68 : vector<1x4096xf32>
    %mul3A_103 = arith.mulf %sub3A_71, %sub3A_71 : vector<1x4096xf32>
    %add3A_104 = arith.addf %mul3A_102, %mul3A_103 : vector<1x4096xf32>
    %mul3A_105 = arith.mulf %sub3A_74, %sub3A_74 : vector<1x4096xf32>
    %add3A_106 = arith.addf %add3A_104, %mul3A_105 : vector<1x4096xf32>
    %sqrt3A_107 = math.sqrt %add3A_106 : vector<1x4096xf32>
    %mul3A_108 = arith.mulf %sub3A_77, %sub3A_77 : vector<1x4096xf32>
    %mul3A_109 = arith.mulf %sub3A_80, %sub3A_80 : vector<1x4096xf32>
    %add3A_110 = arith.addf %mul3A_108, %mul3A_109 : vector<1x4096xf32>
    %mul3A_111 = arith.mulf %sub3A_83, %sub3A_83 : vector<1x4096xf32>
    %add3A_112 = arith.addf %add3A_110, %mul3A_111 : vector<1x4096xf32>
    %sqrt3A_113 = math.sqrt %add3A_112 : vector<1x4096xf32>
    %mul3A_114 = arith.mulf %sub3A_86, %sub3A_86 : vector<1x4096xf32>
    %mul3A_115 = arith.mulf %sub3A_89, %sub3A_89 : vector<1x4096xf32>
    %add3A_116 = arith.addf %mul3A_114, %mul3A_115 : vector<1x4096xf32>
    %mul3A_117 = arith.mulf %sub3A_92, %sub3A_92 : vector<1x4096xf32>
    %add3A_118 = arith.addf %add3A_116, %mul3A_117 : vector<1x4096xf32>
    %sqrt3A_119 = math.sqrt %add3A_118 : vector<1x4096xf32>
    %mul3A_120 = arith.mulf %sub3A_95, %sub3A_95 : vector<1x4096xf32>
    %mul3A_121 = arith.mulf %sub3A_98, %sub3A_98 : vector<1x4096xf32>
    %add3A_122 = arith.addf %mul3A_120, %mul3A_121 : vector<1x4096xf32>
    %mul3A_123 = arith.mulf %sub3A_101, %sub3A_101 : vector<1x4096xf32>
    %add3A_124 = arith.addf %add3A_122, %mul3A_123 : vector<1x4096xf32>
    %sqrt3A_125 = math.sqrt %add3A_124 : vector<1x4096xf32>
    %mul3A_126 = arith.mulf %sub3A_68, %sub3A_86 : vector<1x4096xf32>
    %mul3A_127 = arith.mulf %sub3A_71, %sub3A_89 : vector<1x4096xf32>
    %add3A_128 = arith.addf %mul3A_126, %mul3A_127 : vector<1x4096xf32>
    %mul3A_129 = arith.mulf %sub3A_74, %sub3A_92 : vector<1x4096xf32>
    %add3A_130 = arith.addf %add3A_128, %mul3A_129 : vector<1x4096xf32>
    %mul3A_131 = arith.mulf %sqrt3A_107, %sqrt3A_119 : vector<1x4096xf32>
    %add3A_132 = arith.constant 1.000000e-10 : f32
    %add3A_133 = vector.broadcast %add3A_132 : f32 to vector<1x4096xf32>
    %add3A_134 = arith.addf %mul3A_131, %add3A_133 : vector<1x4096xf32>
    %div3A_135 = arith.divf %add3A_130, %add3A_134 : vector<1x4096xf32>
    %mul3A_136 = arith.mulf %sub3A_77, %sub3A_95 : vector<1x4096xf32>
    %mul3A_137 = arith.mulf %sub3A_80, %sub3A_98 : vector<1x4096xf32>
    %add3A_138 = arith.addf %mul3A_136, %mul3A_137 : vector<1x4096xf32>
    %mul3A_139 = arith.mulf %sub3A_83, %sub3A_101 : vector<1x4096xf32>
    %add3A_140 = arith.addf %add3A_138, %mul3A_139 : vector<1x4096xf32>
    %mul3A_141 = arith.mulf %sqrt3A_113, %sqrt3A_125 : vector<1x4096xf32>
    %add3A_142 = arith.constant 1.000000e-10 : f32
    %add3A_143 = vector.broadcast %add3A_142 : f32 to vector<1x4096xf32>
    %add3A_144 = arith.addf %mul3A_141, %add3A_143 : vector<1x4096xf32>
    %div3A_145 = arith.divf %add3A_140, %add3A_144 : vector<1x4096xf32>
    %mul3A_146 = arith.mulf %sub3A_68, %sub3A_95 : vector<1x4096xf32>
    %mul3A_147 = arith.mulf %sub3A_71, %sub3A_98 : vector<1x4096xf32>
    %add3A_148 = arith.addf %mul3A_146, %mul3A_147 : vector<1x4096xf32>
    %mul3A_149 = arith.mulf %sub3A_74, %sub3A_101 : vector<1x4096xf32>
    %add3A_150 = arith.addf %add3A_148, %mul3A_149 : vector<1x4096xf32>
    %mul3A_151 = arith.mulf %sqrt3A_107, %sqrt3A_125 : vector<1x4096xf32>
    %add3A_152 = arith.constant 1.000000e-10 : f32
    %add3A_153 = vector.broadcast %add3A_152 : f32 to vector<1x4096xf32>
    %add3A_154 = arith.addf %mul3A_151, %add3A_153 : vector<1x4096xf32>
    %div3A_155 = arith.divf %add3A_150, %add3A_154 : vector<1x4096xf32>
    %mul3A_156 = arith.mulf %sub3A_77, %sub3A_86 : vector<1x4096xf32>
    %mul3A_157 = arith.mulf %sub3A_80, %sub3A_89 : vector<1x4096xf32>
    %add3A_158 = arith.addf %mul3A_156, %mul3A_157 : vector<1x4096xf32>
    %mul3A_159 = arith.mulf %sub3A_83, %sub3A_92 : vector<1x4096xf32>
    %add3A_160 = arith.addf %add3A_158, %mul3A_159 : vector<1x4096xf32>
    %mul3A_161 = arith.mulf %sqrt3A_113, %sqrt3A_119 : vector<1x4096xf32>
    %add3A_162 = arith.constant 1.000000e-10 : f32
    %add3A_163 = vector.broadcast %add3A_162 : f32 to vector<1x4096xf32>
    %add3A_164 = arith.addf %mul3A_161, %add3A_163 : vector<1x4096xf32>
    %div3A_165 = arith.divf %add3A_160, %add3A_164 : vector<1x4096xf32>
    %concatenate3A = tpu.concatenate %sqrt3A, %div3A, %div3A_55, %div3A_65, %div3A_135, %div3A_145, %div3A_155, %div3A_165 in 0 : vector<1x4096xf32>, vector<1x4096xf32>, vector<1x4096xf32>, vector<1x4096xf32>, vector<1x4096xf32>, vector<1x4096xf32>, vector<1x4096xf32>, vector<1x4096xf32> -> vector<8x4096xf32>
    %transpose3A_166 = tpu.transpose %concatenate3A, [1, 0] : vector<8x4096xf32> -> vector<4096x8xf32>
    %swap3A = arith.constant 0 : index
    %swap3A_167 = arith.constant 0 : index
    %swap3A_168 = vector.load %arg3[%swap3A, %swap3A_167] : memref<4096x8xf32, #tpu.memory_space<vmem>>, vector<4096x8xf32>
    tpu.vector_store %arg3[%swap3A, %swap3A_167], %transpose3A_166 {strides = array<i32>} : memref<4096x8xf32, #tpu.memory_space<vmem>>, vector<4096x8xf32>,
    %iota3A = tpu.iota {dimensions = array<i32: 1>} : vector<1x4096xi32>
    %mul3A_169 = arith.constant 4096 : i32
    %mul3A_170 = arith.muli %arg0, %mul3A_169 : i32
    %add3A_171 = vector.broadcast %mul3A_170 : i32 to vector<1x4096xi32>
    %add3A_172 = arith.addi %iota3A, %add3A_171 : vector<1x4096xi32>
    %lt3A = arith.constant 160000 : i32
    %lt3A_173 = vector.broadcast %lt3A : i32 to vector<1x4096xi32>
    %lt3A_174 = arith.cmpi slt, %add3A_172, %lt3A_173 : vector<1x4096xi32>
    %convert_element_type3A = arith.extui %lt3A_174 : vector<1x4096xi1> to vector<1x4096xi32>
    %convert_element_type3A_175 = arith.sitofp %convert_element_type3A : vector<1x4096xi32> to vector<1x4096xf32>
    %mul3A_176 = vector.broadcast %convert_element_type3A_175 : vector<1x4096xf32> to vector<8x4096xf32>
    %mul3A_177 = arith.mulf %concatenate3A, %mul3A_176 : vector<8x4096xf32>
    %reduce_sum3A = arith.constant dense<0.000000e+00> : vector<8xf32>
    %reduce_sum3A_178 = vector.multi_reduction <add>, %mul3A_177, %reduce_sum3A [1] : vector<8x4096xf32> to vector<8xf32>
    %broadcast_in_dim3A_179 = vector.shape_cast %reduce_sum3A_178 : vector<8xf32> to vector<8x1xf32>
    %reshape3A_180 = vector.shape_cast %broadcast_in_dim3A_179 : vector<8x1xf32> to vector<1x8xf32>
    %dot_general3A = arith.constant dense<0.000000e+00> : vector<8x8xf32>
    %dot_general3A_181 = tpu.matmul %mul3A_177, %mul3A_177, %dot_general3A {dimension_numbers = #tpu.dot_dimension_numbers<[1], [1], [0], [0], [0, 0, 1, 0], [], []>, transpose_lhs_hint = false} : vector<8x4096xf32>, vector<8x4096xf32>, vector<8x8xf32> -> vector<8x8xf32>
    %eq3A = arith.constant 0 : i32
    %eq3A_182 = arith.cmpi eq, %arg0, %eq3A : i32
    %convert_element_type3A_183 = arith.extui %eq3A_182 : i1 to i32
    %cond3A = arith.constant 0 : i32
    %cond3A_184 = arith.cmpi ne, %convert_element_type3A_183, %cond3A : i32
    scf.if %cond3A_184 {
      %broadcast_in_dim3A_199 = arith.constant 0.000000e+00 : f32
      %broadcast_in_dim3A_200 = vector.broadcast %broadcast_in_dim3A_199 : f32 to vector<1x8xf32>
      %swap3A_201 = arith.constant 0 : index
      %swap3A_202 = arith.constant 0 : index
      %swap3A_203 = vector.load %arg4[%swap3A_201, %swap3A_202] : memref<1x8xf32, #tpu.memory_space<vmem>>, vector<1x8xf32>
      tpu.vector_store %arg4[%swap3A_201, %swap3A_202], %broadcast_in_dim3A_200 {strides = array<i32>} : memref<1x8xf32, #tpu.memory_space<vmem>>, vector<1x8xf32>,
      %broadcast_in_dim3A_204 = arith.constant 0.000000e+00 : f32
      %broadcast_in_dim3A_205 = vector.broadcast %broadcast_in_dim3A_204 : f32 to vector<8x8xf32>
      %swap3A_206 = arith.constant 0 : index
      %swap3A_207 = arith.constant 0 : index
      %swap3A_208 = vector.load %arg5[%swap3A_206, %swap3A_207] : memref<8x8xf32, #tpu.memory_space<vmem>>, vector<8x8xf32>
      tpu.vector_store %arg5[%swap3A_206, %swap3A_207], %broadcast_in_dim3A_205 {strides = array<i32>} : memref<8x8xf32, #tpu.memory_space<vmem>>, vector<8x8xf32>,
    } else {
    }
    %get3A_185 = arith.constant 0 : index
    %get3A_186 = arith.constant 0 : index
    %get3A_187 = vector.load %arg4[%get3A_185, %get3A_186] : memref<1x8xf32, #tpu.memory_space<vmem>>, vector<1x8xf32>
    %add3A_188 = arith.addf %get3A_187, %reshape3A_180 : vector<1x8xf32>
    %swap3A_189 = arith.constant 0 : index
    %swap3A_190 = arith.constant 0 : index
    %swap3A_191 = vector.load %arg4[%swap3A_189, %swap3A_190] : memref<1x8xf32, #tpu.memory_space<vmem>>, vector<1x8xf32>
    tpu.vector_store %arg4[%swap3A_189, %swap3A_190], %add3A_188 {strides = array<i32>} : memref<1x8xf32, #tpu.memory_space<vmem>>, vector<1x8xf32>,
    %get3A_192 = arith.constant 0 : index
    %get3A_193 = arith.constant 0 : index
    %get3A_194 = vector.load %arg5[%get3A_192, %get3A_193] : memref<8x8xf32, #tpu.memory_space<vmem>>, vector<8x8xf32>
    %add3A_195 = arith.addf %get3A_194, %dot_general3A_181 : vector<8x8xf32>
    %swap3A_196 = arith.constant 0 : index
    %swap3A_197 = arith.constant 0 : index
    %swap3A_198 = vector.load %arg5[%swap3A_196, %swap3A_197] : memref<8x8xf32, #tpu.memory_space<vmem>>, vector<8x8xf32>
    tpu.vector_store %arg5[%swap3A_196, %swap3A_197], %add3A_195 {strides = array<i32>} : memref<8x8xf32, #tpu.memory_space<vmem>>, vector<8x8xf32>,
    return
  }
  func.func @transform_0(%arg0: i32) -> (i32, i32) {
    %c0_i32 = arith.constant 0 : i32
    %c0_i32_0 = arith.constant 0 : i32
    return %arg0, %c0_i32 : i32, i32
  }
  func.func @transform_1(%arg0: i32) -> (i32, i32) {
    %c0_i32 = arith.constant 0 : i32
    %c0_i32_0 = arith.constant 0 : i32
    return %arg0, %c0_i32 : i32, i32
  }
  func.func @transform_2(%arg0: i32) -> (i32, i32) {
    %c0_i32 = arith.constant 0 : i32
    %c0_i32_0 = arith.constant 0 : i32
    return %arg0, %c0_i32 : i32, i32
  }
  func.func @transform_3(%arg0: i32) -> (i32, i32) {
    %c0_i32 = arith.constant 0 : i32
    %c0_i32_0 = arith.constant 0 : i32
    %c0_i32_1 = arith.constant 0 : i32
    return %c0_i32, %c0_i32_0 : i32, i32
  }
  func.func @transform_4(%arg0: i32) -> (i32, i32) {
    %c0_i32 = arith.constant 0 : i32
    %c0_i32_0 = arith.constant 0 : i32
    %c0_i32_1 = arith.constant 0 : i32
    return %c0_i32, %c0_i32_0 : i32, i32
  }
}

module attributes {stable_mosaic.version = 14 : i64} {
  func.func @_att_body(%arg0: i32, %arg1: memref<4096x8xf32, #tpu.memory_space<vmem>>, %arg2: memref<4096x32xf32, #tpu.memory_space<vmem>>, %arg3: memref<1x8xf32, #tpu.memory_space<vmem>>, %arg4: memref<8x8xf32, #tpu.memory_space<vmem>>, %arg5: memref<8x16xf32, #tpu.memory_space<vmem>>, %arg6: memref<1x16xf32, #tpu.memory_space<vmem>>, %arg7: memref<1x16xf32, #tpu.memory_space<vmem>>, %arg8: memref<1x16xf32, #tpu.memory_space<vmem>>, %arg9: memref<32x32xf32, #tpu.memory_space<vmem>>, %arg10: memref<256x32xf32, #tpu.memory_space<vmem>>) attributes {dimension_semantics = [#tpu.dimension_semantics<arbitrary>], iteration_bounds = array<i64: 40>, scalar_prefetch = 0 : i64, scratch_operands = 0 : i64, tpu.core_type = #tpu.core_type<tc>, window_params = [{transform_indices = @transform_0, window_bounds = array<i64: 4096, 8>}, {transform_indices = @transform_1, window_bounds = array<i64: 4096, 32>}, {pipeline_mode = #tpu.pipeline_mode<synchronous>, transform_indices = @transform_2, window_bounds = array<i64: 1, 8>}, {pipeline_mode = #tpu.pipeline_mode<synchronous>, transform_indices = @transform_3, window_bounds = array<i64: 8, 8>}, {pipeline_mode = #tpu.pipeline_mode<synchronous>, transform_indices = @transform_4, window_bounds = array<i64: 8, 16>}, {pipeline_mode = #tpu.pipeline_mode<synchronous>, transform_indices = @transform_5, window_bounds = array<i64: 1, 16>}, {pipeline_mode = #tpu.pipeline_mode<synchronous>, transform_indices = @transform_6, window_bounds = array<i64: 1, 16>}, {pipeline_mode = #tpu.pipeline_mode<synchronous>, transform_indices = @transform_7, window_bounds = array<i64: 1, 16>}, {pipeline_mode = #tpu.pipeline_mode<synchronous>, transform_indices = @transform_8, window_bounds = array<i64: 32, 32>}, {transform_indices = @transform_9, window_bounds = array<i64: 256, 32>}]} {
    %get3A = arith.constant 0 : index
    %get3A_0 = arith.constant 0 : index
    %get3A_1 = vector.load %arg1[%get3A, %get3A_0] : memref<4096x8xf32, #tpu.memory_space<vmem>>, vector<4096x8xf32>
    %get3A_2 = arith.constant 0 : index
    %get3A_3 = arith.constant 0 : index
    %get3A_4 = vector.load %arg2[%get3A_2, %get3A_3] : memref<4096x32xf32, #tpu.memory_space<vmem>>, vector<4096x32xf32>
    %slice3A = vector.extract_strided_slice %get3A_4 {offsets = [0, 8], sizes = [4096, 16], strides = [1, 1]} : vector<4096x32xf32> to vector<4096x16xf32>
    %get3A_5 = arith.constant 0 : index
    %get3A_6 = arith.constant 0 : index
    %get3A_7 = vector.load %arg5[%get3A_5, %get3A_6] : memref<8x16xf32, #tpu.memory_space<vmem>>, vector<8x16xf32>
    %get3A_8 = arith.constant 0 : index
    %get3A_9 = arith.constant 0 : index
    %get3A_10 = vector.load %arg6[%get3A_8, %get3A_9] : memref<1x16xf32, #tpu.memory_space<vmem>>, vector<1x16xf32>
    %get3A_11 = arith.constant 0 : index
    %get3A_12 = arith.constant 0 : index
    %get3A_13 = vector.load %arg3[%get3A_11, %get3A_12] : memref<1x8xf32, #tpu.memory_space<vmem>>, vector<1x8xf32>
    %div3A = arith.constant 1.600000e+05 : f32
    %div3A_14 = vector.broadcast %div3A : f32 to vector<1x8xf32>
    %div3A_15 = arith.divf %get3A_13, %div3A_14 : vector<1x8xf32>
    %get3A_16 = arith.constant 0 : index
    %get3A_17 = arith.constant 0 : index
    %get3A_18 = vector.load %arg4[%get3A_16, %get3A_17] : memref<8x8xf32, #tpu.memory_space<vmem>>, vector<8x8xf32>
    %div3A_19 = arith.constant 1.600000e+05 : f32
    %div3A_20 = vector.broadcast %div3A_19 : f32 to vector<8x8xf32>
    %div3A_21 = arith.divf %get3A_18, %div3A_20 : vector<8x8xf32>
    %dot_general3A = arith.constant dense<0.000000e+00> : vector<1x16xf32>
    %dot_general3A_22 = tpu.matmul %div3A_15, %get3A_7, %dot_general3A {dimension_numbers = #tpu.dot_dimension_numbers<[1], [0], [0], [1], [0, 0, 1, 1], [], []>, transpose_lhs_hint = false} : vector<1x8xf32>, vector<8x16xf32>, vector<1x16xf32> -> vector<1x16xf32>
    %dot_general3A_23 = arith.constant dense<0.000000e+00> : vector<8x16xf32>
    %dot_general3A_24 = tpu.matmul %div3A_21, %get3A_7, %dot_general3A_23 {dimension_numbers = #tpu.dot_dimension_numbers<[1], [0], [0], [1], [0, 0, 1, 1], [], []>, transpose_lhs_hint = false} : vector<8x8xf32>, vector<8x16xf32>, vector<8x16xf32> -> vector<8x16xf32>
    %mul3A = arith.mulf %get3A_7, %dot_general3A_24 : vector<8x16xf32>
    %reduce_sum3A = arith.constant dense<0.000000e+00> : vector<16xf32>
    %reduce_sum3A_25 = vector.multi_reduction <add>, %mul3A, %reduce_sum3A [0] : vector<8x16xf32> to vector<16xf32>
    %broadcast_in_dim3A = vector.shape_cast %reduce_sum3A_25 : vector<16xf32> to vector<1x16xf32>
    %mul3A_26 = arith.mulf %dot_general3A_22, %dot_general3A_22 : vector<1x16xf32>
    %sub3A = arith.subf %broadcast_in_dim3A, %mul3A_26 : vector<1x16xf32>
    %add3A = arith.addf %dot_general3A_22, %get3A_10 : vector<1x16xf32>
    %dot_general3A_27 = arith.constant dense<0.000000e+00> : vector<4096x16xf32>
    %dot_general3A_28 = tpu.matmul %get3A_1, %get3A_7, %dot_general3A_27 {dimension_numbers = #tpu.dot_dimension_numbers<[1], [0], [0], [1], [0, 0, 1, 1], [], []>, transpose_lhs_hint = false} : vector<4096x8xf32>, vector<8x16xf32>, vector<4096x16xf32> -> vector<4096x16xf32>
    %add3A_29 = vector.broadcast %get3A_10 : vector<1x16xf32> to vector<4096x16xf32>
    %add3A_30 = arith.addf %dot_general3A_28, %add3A_29 : vector<4096x16xf32>
    %sub3A_31 = vector.broadcast %add3A : vector<1x16xf32> to vector<4096x16xf32>
    %sub3A_32 = arith.subf %add3A_30, %sub3A_31 : vector<4096x16xf32>
    %add3A_33 = arith.constant 9.99999997E-7 : f32
    %add3A_34 = vector.broadcast %add3A_33 : f32 to vector<1x16xf32>
    %add3A_35 = arith.addf %sub3A, %add3A_34 : vector<1x16xf32>
    %sqrt3A = math.sqrt %add3A_35 : vector<1x16xf32>
    %div3A_36 = vector.broadcast %sqrt3A : vector<1x16xf32> to vector<4096x16xf32>
    %div3A_37 = arith.divf %sub3A_32, %div3A_36 : vector<4096x16xf32>
    %get3A_38 = arith.constant 0 : index
    %get3A_39 = arith.constant 0 : index
    %get3A_40 = vector.load %arg7[%get3A_38, %get3A_39] : memref<1x16xf32, #tpu.memory_space<vmem>>, vector<1x16xf32>
    %mul3A_41 = vector.broadcast %get3A_40 : vector<1x16xf32> to vector<4096x16xf32>
    %mul3A_42 = arith.mulf %div3A_37, %mul3A_41 : vector<4096x16xf32>
    %get3A_43 = arith.constant 0 : index
    %get3A_44 = arith.constant 0 : index
    %get3A_45 = vector.load %arg8[%get3A_43, %get3A_44] : memref<1x16xf32, #tpu.memory_space<vmem>>, vector<1x16xf32>
    %add3A_46 = vector.broadcast %get3A_45 : vector<1x16xf32> to vector<4096x16xf32>
    %add3A_47 = arith.addf %mul3A_42, %add3A_46 : vector<4096x16xf32>
    %gt3A = arith.constant 0.000000e+00 : f32
    %gt3A_48 = vector.broadcast %gt3A : f32 to vector<4096x16xf32>
    %gt3A_49 = arith.cmpf ogt, %add3A_47, %gt3A_48 : vector<4096x16xf32>
    %mul3A_50 = arith.constant 2.000000e-01 : f32
    %mul3A_51 = vector.broadcast %mul3A_50 : f32 to vector<4096x16xf32>
    %mul3A_52 = arith.mulf %mul3A_51, %add3A_47 : vector<4096x16xf32>
    %select_n3A = arith.select %gt3A_49, %add3A_47, %mul3A_52 : vector<4096x16xi1>, vector<4096x16xf32>
    %concatenate3A = tpu.concatenate %slice3A, %select_n3A in 1 : vector<4096x16xf32>, vector<4096x16xf32> -> vector<4096x32xf32>
    %get3A_53 = arith.constant 0 : index
    %get3A_54 = arith.constant 0 : index
    %get3A_55 = vector.load %arg9[%get3A_53, %get3A_54] : memref<32x32xf32, #tpu.memory_space<vmem>>, vector<32x32xf32>
    %dot_general3A_56 = arith.constant dense<0.000000e+00> : vector<4096x32xf32>
    %dot_general3A_57 = tpu.matmul %concatenate3A, %get3A_55, %dot_general3A_56 {dimension_numbers = #tpu.dot_dimension_numbers<[1], [0], [0], [1], [0, 0, 1, 1], [], []>, transpose_lhs_hint = false} : vector<4096x32xf32>, vector<32x32xf32>, vector<4096x32xf32> -> vector<4096x32xf32>
    %reshape3A = vector.shape_cast %dot_general3A_57 : vector<4096x32xf32> to vector<256x16x32xf32>
    %reduce_max3A = arith.constant dense<0xFF800000> : vector<256x32xf32>
    %reduce_max3A_58 = vector.multi_reduction <maximumf>, %reshape3A, %reduce_max3A [1] : vector<256x16x32xf32> to vector<256x32xf32>
    %broadcast_in_dim3A_59 = vector.shape_cast %reduce_max3A_58 : vector<256x32xf32> to vector<256x1x32xf32>
    %sub3A_60 = vector.broadcast %broadcast_in_dim3A_59 : vector<256x1x32xf32> to vector<256x16x32xf32>
    %sub3A_61 = arith.subf %reshape3A, %sub3A_60 : vector<256x16x32xf32>
    %exp3A = math.exp %sub3A_61 : vector<256x16x32xf32>
    %reduce_sum3A_62 = arith.constant dense<0.000000e+00> : vector<256x32xf32>
    %reduce_sum3A_63 = vector.multi_reduction <add>, %exp3A, %reduce_sum3A_62 [1] : vector<256x16x32xf32> to vector<256x32xf32>
    %broadcast_in_dim3A_64 = vector.shape_cast %reduce_sum3A_63 : vector<256x32xf32> to vector<256x1x32xf32>
    %add3A_65 = arith.constant 1.000000e-16 : f32
    %add3A_66 = vector.broadcast %add3A_65 : f32 to vector<256x1x32xf32>
    %add3A_67 = arith.addf %broadcast_in_dim3A_64, %add3A_66 : vector<256x1x32xf32>
    %div3A_68 = vector.broadcast %add3A_67 : vector<256x1x32xf32> to vector<256x16x32xf32>
    %div3A_69 = arith.divf %exp3A, %div3A_68 : vector<256x16x32xf32>
    %reshape3A_70 = vector.shape_cast %concatenate3A : vector<4096x32xf32> to vector<256x16x32xf32>
    %mul3A_71 = arith.mulf %div3A_69, %reshape3A_70 : vector<256x16x32xf32>
    %reduce_sum3A_72 = arith.constant dense<0.000000e+00> : vector<256x32xf32>
    %reduce_sum3A_73 = vector.multi_reduction <add>, %mul3A_71, %reduce_sum3A_72 [1] : vector<256x16x32xf32> to vector<256x32xf32>
    %swap3A = arith.constant 0 : index
    %swap3A_74 = arith.constant 0 : index
    %swap3A_75 = vector.load %arg10[%swap3A, %swap3A_74] : memref<256x32xf32, #tpu.memory_space<vmem>>, vector<256x32xf32>
    tpu.vector_store %arg10[%swap3A, %swap3A_74], %reduce_sum3A_73 {strides = array<i32>} : memref<256x32xf32, #tpu.memory_space<vmem>>, vector<256x32xf32>,
    return
  }
  func.func @transform_0(%arg0: i32) -> (i32, i32) {
    %c0_i32 = arith.constant 0 : i32
    %c0_i32_0 = arith.constant 0 : i32
    return %arg0, %c0_i32 : i32, i32
  }
  func.func @transform_1(%arg0: i32) -> (i32, i32) {
    %c0_i32 = arith.constant 0 : i32
    %c0_i32_0 = arith.constant 0 : i32
    return %arg0, %c0_i32 : i32, i32
  }
  func.func @transform_2(%arg0: i32) -> (i32, i32) {
    %c0_i32 = arith.constant 0 : i32
    %c0_i32_0 = arith.constant 0 : i32
    %c0_i32_1 = arith.constant 0 : i32
    return %c0_i32, %c0_i32_0 : i32, i32
  }
  func.func @transform_3(%arg0: i32) -> (i32, i32) {
    %c0_i32 = arith.constant 0 : i32
    %c0_i32_0 = arith.constant 0 : i32
    %c0_i32_1 = arith.constant 0 : i32
    return %c0_i32, %c0_i32_0 : i32, i32
  }
  func.func @transform_4(%arg0: i32) -> (i32, i32) {
    %c0_i32 = arith.constant 0 : i32
    %c0_i32_0 = arith.constant 0 : i32
    %c0_i32_1 = arith.constant 0 : i32
    return %c0_i32, %c0_i32_0 : i32, i32
  }
  func.func @transform_5(%arg0: i32) -> (i32, i32) {
    %c0_i32 = arith.constant 0 : i32
    %c0_i32_0 = arith.constant 0 : i32
    %c0_i32_1 = arith.constant 0 : i32
    return %c0_i32, %c0_i32_0 : i32, i32
  }
  func.func @transform_6(%arg0: i32) -> (i32, i32) {
    %c0_i32 = arith.constant 0 : i32
    %c0_i32_0 = arith.constant 0 : i32
    %c0_i32_1 = arith.constant 0 : i32
    return %c0_i32, %c0_i32_0 : i32, i32
  }
  func.func @transform_7(%arg0: i32) -> (i32, i32) {
    %c0_i32 = arith.constant 0 : i32
    %c0_i32_0 = arith.constant 0 : i32
    %c0_i32_1 = arith.constant 0 : i32
    return %c0_i32, %c0_i32_0 : i32, i32
  }
  func.func @transform_8(%arg0: i32) -> (i32, i32) {
    %c0_i32 = arith.constant 0 : i32
    %c0_i32_0 = arith.constant 0 : i32
    %c0_i32_1 = arith.constant 0 : i32
    return %c0_i32, %c0_i32_0 : i32, i32
  }
  func.func @transform_9(%arg0: i32) -> (i32, i32) {
    %c0_i32 = arith.constant 0 : i32
    %c0_i32_0 = arith.constant 0 : i32
    return %arg0, %c0_i32 : i32, i32
  }
}

module attributes {stable_mosaic.version = 14 : i64} {
  func.func @_post_body(%arg0: memref<10240x32xf32, #tpu.memory_space<vmem>>, %arg1: memref<32x32xf32, #tpu.memory_space<vmem>>, %arg2: memref<1x32xf32, #tpu.memory_space<vmem>>, %arg3: memref<1x32xf32, #tpu.memory_space<vmem>>, %arg4: memref<1x32xf32, #tpu.memory_space<vmem>>, %arg5: memref<10240x32xf32, #tpu.memory_space<vmem>>) attributes {dimension_semantics = [], scalar_prefetch = 0 : i64, scratch_operands = 0 : i64, tpu.core_type = #tpu.core_type<tc>} {
    %iota3A = tpu.iota {dimensions = array<i32: 0>} : vector<10240x1xi32>
    %lt3A = arith.constant 10000 : i32
    %lt3A_0 = vector.broadcast %lt3A : i32 to vector<10240x1xi32>
    %lt3A_1 = arith.cmpi slt, %iota3A, %lt3A_0 : vector<10240x1xi32>
    %convert_element_type3A = arith.extui %lt3A_1 : vector<10240x1xi1> to vector<10240x1xi32>
    %convert_element_type3A_2 = arith.sitofp %convert_element_type3A : vector<10240x1xi32> to vector<10240x1xf32>
    %get3A = arith.constant 0 : index
    %get3A_3 = arith.constant 0 : index
    %get3A_4 = vector.load %arg0[%get3A, %get3A_3] : memref<10240x32xf32, #tpu.memory_space<vmem>>, vector<10240x32xf32>
    %get3A_5 = arith.constant 0 : index
    %get3A_6 = arith.constant 0 : index
    %get3A_7 = vector.load %arg1[%get3A_5, %get3A_6] : memref<32x32xf32, #tpu.memory_space<vmem>>, vector<32x32xf32>
    %dot_general3A = arith.constant dense<0.000000e+00> : vector<10240x32xf32>
    %dot_general3A_8 = tpu.matmul %get3A_4, %get3A_7, %dot_general3A {dimension_numbers = #tpu.dot_dimension_numbers<[1], [0], [0], [1], [0, 0, 1, 1], [], []>, transpose_lhs_hint = false} : vector<10240x32xf32>, vector<32x32xf32>, vector<10240x32xf32> -> vector<10240x32xf32>
    %get3A_9 = arith.constant 0 : index
    %get3A_10 = arith.constant 0 : index
    %get3A_11 = vector.load %arg2[%get3A_9, %get3A_10] : memref<1x32xf32, #tpu.memory_space<vmem>>, vector<1x32xf32>
    %add3A = vector.broadcast %get3A_11 : vector<1x32xf32> to vector<10240x32xf32>
    %add3A_12 = arith.addf %dot_general3A_8, %add3A : vector<10240x32xf32>
    %get3A_13 = arith.constant 0 : index
    %get3A_14 = arith.constant 0 : index
    %get3A_15 = vector.load %arg3[%get3A_13, %get3A_14] : memref<1x32xf32, #tpu.memory_space<vmem>>, vector<1x32xf32>
    %get3A_16 = arith.constant 0 : index
    %get3A_17 = arith.constant 0 : index
    %get3A_18 = vector.load %arg4[%get3A_16, %get3A_17] : memref<1x32xf32, #tpu.memory_space<vmem>>, vector<1x32xf32>
    %mul3A = vector.broadcast %convert_element_type3A_2 : vector<10240x1xf32> to vector<10240x32xf32>
    %mul3A_19 = arith.mulf %add3A_12, %mul3A : vector<10240x32xf32>
    %reduce_sum3A = arith.constant dense<0.000000e+00> : vector<32xf32>
    %reduce_sum3A_20 = vector.multi_reduction <add>, %mul3A_19, %reduce_sum3A [0] : vector<10240x32xf32> to vector<32xf32>
    %broadcast_in_dim3A = vector.shape_cast %reduce_sum3A_20 : vector<32xf32> to vector<1x32xf32>
    %div3A = arith.constant 1.000000e+04 : f32
    %div3A_21 = vector.broadcast %div3A : f32 to vector<1x32xf32>
    %div3A_22 = arith.divf %broadcast_in_dim3A, %div3A_21 : vector<1x32xf32>
    %sub3A = vector.broadcast %div3A_22 : vector<1x32xf32> to vector<10240x32xf32>
    %sub3A_23 = arith.subf %add3A_12, %sub3A : vector<10240x32xf32>
    %mul3A_24 = vector.broadcast %convert_element_type3A_2 : vector<10240x1xf32> to vector<10240x32xf32>
    %mul3A_25 = arith.mulf %sub3A_23, %mul3A_24 : vector<10240x32xf32>
    %mul3A_26 = arith.mulf %mul3A_25, %mul3A_25 : vector<10240x32xf32>
    %reduce_sum3A_27 = arith.constant dense<0.000000e+00> : vector<32xf32>
    %reduce_sum3A_28 = vector.multi_reduction <add>, %mul3A_26, %reduce_sum3A_27 [0] : vector<10240x32xf32> to vector<32xf32>
    %broadcast_in_dim3A_29 = vector.shape_cast %reduce_sum3A_28 : vector<32xf32> to vector<1x32xf32>
    %div3A_30 = arith.constant 1.000000e+04 : f32
    %div3A_31 = vector.broadcast %div3A_30 : f32 to vector<1x32xf32>
    %div3A_32 = arith.divf %broadcast_in_dim3A_29, %div3A_31 : vector<1x32xf32>
    %sub3A_33 = vector.broadcast %div3A_22 : vector<1x32xf32> to vector<10240x32xf32>
    %sub3A_34 = arith.subf %add3A_12, %sub3A_33 : vector<10240x32xf32>
    %add3A_35 = arith.constant 9.99999997E-7 : f32
    %add3A_36 = vector.broadcast %add3A_35 : f32 to vector<1x32xf32>
    %add3A_37 = arith.addf %div3A_32, %add3A_36 : vector<1x32xf32>
    %sqrt3A = math.sqrt %add3A_37 : vector<1x32xf32>
    %div3A_38 = vector.broadcast %sqrt3A : vector<1x32xf32> to vector<10240x32xf32>
    %div3A_39 = arith.divf %sub3A_34, %div3A_38 : vector<10240x32xf32>
    %mul3A_40 = vector.broadcast %get3A_15 : vector<1x32xf32> to vector<10240x32xf32>
    %mul3A_41 = arith.mulf %div3A_39, %mul3A_40 : vector<10240x32xf32>
    %add3A_42 = vector.broadcast %get3A_18 : vector<1x32xf32> to vector<10240x32xf32>
    %add3A_43 = arith.addf %mul3A_41, %add3A_42 : vector<10240x32xf32>
    %gt3A = arith.constant 0.000000e+00 : f32
    %gt3A_44 = vector.broadcast %gt3A : f32 to vector<10240x32xf32>
    %gt3A_45 = arith.cmpf ogt, %add3A_43, %gt3A_44 : vector<10240x32xf32>
    %mul3A_46 = arith.constant 2.000000e-01 : f32
    %mul3A_47 = vector.broadcast %mul3A_46 : f32 to vector<10240x32xf32>
    %mul3A_48 = arith.mulf %mul3A_47, %add3A_43 : vector<10240x32xf32>
    %select_n3A = arith.select %gt3A_45, %add3A_43, %mul3A_48 : vector<10240x32xi1>, vector<10240x32xf32>
    %swap3A = arith.constant 0 : index
    %swap3A_49 = arith.constant 0 : index
    %swap3A_50 = vector.load %arg5[%swap3A, %swap3A_49] : memref<10240x32xf32, #tpu.memory_space<vmem>>, vector<10240x32xf32>
    tpu.vector_store %arg5[%swap3A, %swap3A_49], %select_n3A {strides = array<i32>} : memref<10240x32xf32, #tpu.memory_space<vmem>>, vector<10240x32xf32>,
    return
  }
}

module attributes {stable_mosaic.version = 14 : i64} {
  func.func @_att_body(%arg0: i32, %arg1: memref<4096x8xf32, #tpu.memory_space<vmem>>, %arg2: memref<4096x32xf32, #tpu.memory_space<vmem>>, %arg3: memref<1x8xf32, #tpu.memory_space<vmem>>, %arg4: memref<8x8xf32, #tpu.memory_space<vmem>>, %arg5: memref<8x32xf32, #tpu.memory_space<vmem>>, %arg6: memref<1x32xf32, #tpu.memory_space<vmem>>, %arg7: memref<1x32xf32, #tpu.memory_space<vmem>>, %arg8: memref<1x32xf32, #tpu.memory_space<vmem>>, %arg9: memref<64x64xf32, #tpu.memory_space<vmem>>, %arg10: memref<256x64xf32, #tpu.memory_space<vmem>>) attributes {dimension_semantics = [#tpu.dimension_semantics<arbitrary>], iteration_bounds = array<i64: 40>, scalar_prefetch = 0 : i64, scratch_operands = 0 : i64, tpu.core_type = #tpu.core_type<tc>, window_params = [{transform_indices = @transform_0, window_bounds = array<i64: 4096, 8>}, {transform_indices = @transform_1, window_bounds = array<i64: 4096, 32>}, {pipeline_mode = #tpu.pipeline_mode<synchronous>, transform_indices = @transform_2, window_bounds = array<i64: 1, 8>}, {pipeline_mode = #tpu.pipeline_mode<synchronous>, transform_indices = @transform_3, window_bounds = array<i64: 8, 8>}, {pipeline_mode = #tpu.pipeline_mode<synchronous>, transform_indices = @transform_4, window_bounds = array<i64: 8, 32>}, {pipeline_mode = #tpu.pipeline_mode<synchronous>, transform_indices = @transform_5, window_bounds = array<i64: 1, 32>}, {pipeline_mode = #tpu.pipeline_mode<synchronous>, transform_indices = @transform_6, window_bounds = array<i64: 1, 32>}, {pipeline_mode = #tpu.pipeline_mode<synchronous>, transform_indices = @transform_7, window_bounds = array<i64: 1, 32>}, {pipeline_mode = #tpu.pipeline_mode<synchronous>, transform_indices = @transform_8, window_bounds = array<i64: 64, 64>}, {transform_indices = @transform_9, window_bounds = array<i64: 256, 64>}]} {
    %get3A = arith.constant 0 : index
    %get3A_0 = arith.constant 0 : index
    %get3A_1 = vector.load %arg1[%get3A, %get3A_0] : memref<4096x8xf32, #tpu.memory_space<vmem>>, vector<4096x8xf32>
    %get3A_2 = arith.constant 0 : index
    %get3A_3 = arith.constant 0 : index
    %get3A_4 = vector.load %arg2[%get3A_2, %get3A_3] : memref<4096x32xf32, #tpu.memory_space<vmem>>, vector<4096x32xf32>
    %get3A_5 = arith.constant 0 : index
    %get3A_6 = arith.constant 0 : index
    %get3A_7 = vector.load %arg5[%get3A_5, %get3A_6] : memref<8x32xf32, #tpu.memory_space<vmem>>, vector<8x32xf32>
    %get3A_8 = arith.constant 0 : index
    %get3A_9 = arith.constant 0 : index
    %get3A_10 = vector.load %arg6[%get3A_8, %get3A_9] : memref<1x32xf32, #tpu.memory_space<vmem>>, vector<1x32xf32>
    %get3A_11 = arith.constant 0 : index
    %get3A_12 = arith.constant 0 : index
    %get3A_13 = vector.load %arg3[%get3A_11, %get3A_12] : memref<1x8xf32, #tpu.memory_space<vmem>>, vector<1x8xf32>
    %div3A = arith.constant 1.600000e+05 : f32
    %div3A_14 = vector.broadcast %div3A : f32 to vector<1x8xf32>
    %div3A_15 = arith.divf %get3A_13, %div3A_14 : vector<1x8xf32>
    %get3A_16 = arith.constant 0 : index
    %get3A_17 = arith.constant 0 : index
    %get3A_18 = vector.load %arg4[%get3A_16, %get3A_17] : memref<8x8xf32, #tpu.memory_space<vmem>>, vector<8x8xf32>
    %div3A_19 = arith.constant 1.600000e+05 : f32
    %div3A_20 = vector.broadcast %div3A_19 : f32 to vector<8x8xf32>
    %div3A_21 = arith.divf %get3A_18, %div3A_20 : vector<8x8xf32>
    %dot_general3A = arith.constant dense<0.000000e+00> : vector<1x32xf32>
    %dot_general3A_22 = tpu.matmul %div3A_15, %get3A_7, %dot_general3A {dimension_numbers = #tpu.dot_dimension_numbers<[1], [0], [0], [1], [0, 0, 1, 1], [], []>, transpose_lhs_hint = false} : vector<1x8xf32>, vector<8x32xf32>, vector<1x32xf32> -> vector<1x32xf32>
    %dot_general3A_23 = arith.constant dense<0.000000e+00> : vector<8x32xf32>
    %dot_general3A_24 = tpu.matmul %div3A_21, %get3A_7, %dot_general3A_23 {dimension_numbers = #tpu.dot_dimension_numbers<[1], [0], [0], [1], [0, 0, 1, 1], [], []>, transpose_lhs_hint = false} : vector<8x8xf32>, vector<8x32xf32>, vector<8x32xf32> -> vector<8x32xf32>
    %mul3A = arith.mulf %get3A_7, %dot_general3A_24 : vector<8x32xf32>
    %reduce_sum3A = arith.constant dense<0.000000e+00> : vector<32xf32>
    %reduce_sum3A_25 = vector.multi_reduction <add>, %mul3A, %reduce_sum3A [0] : vector<8x32xf32> to vector<32xf32>
    %broadcast_in_dim3A = vector.shape_cast %reduce_sum3A_25 : vector<32xf32> to vector<1x32xf32>
    %mul3A_26 = arith.mulf %dot_general3A_22, %dot_general3A_22 : vector<1x32xf32>
    %sub3A = arith.subf %broadcast_in_dim3A, %mul3A_26 : vector<1x32xf32>
    %add3A = arith.addf %dot_general3A_22, %get3A_10 : vector<1x32xf32>
    %dot_general3A_27 = arith.constant dense<0.000000e+00> : vector<4096x32xf32>
    %dot_general3A_28 = tpu.matmul %get3A_1, %get3A_7, %dot_general3A_27 {dimension_numbers = #tpu.dot_dimension_numbers<[1], [0], [0], [1], [0, 0, 1, 1], [], []>, transpose_lhs_hint = false} : vector<4096x8xf32>, vector<8x32xf32>, vector<4096x32xf32> -> vector<4096x32xf32>
    %add3A_29 = vector.broadcast %get3A_10 : vector<1x32xf32> to vector<4096x32xf32>
    %add3A_30 = arith.addf %dot_general3A_28, %add3A_29 : vector<4096x32xf32>
    %sub3A_31 = vector.broadcast %add3A : vector<1x32xf32> to vector<4096x32xf32>
    %sub3A_32 = arith.subf %add3A_30, %sub3A_31 : vector<4096x32xf32>
    %add3A_33 = arith.constant 9.99999997E-7 : f32
    %add3A_34 = vector.broadcast %add3A_33 : f32 to vector<1x32xf32>
    %add3A_35 = arith.addf %sub3A, %add3A_34 : vector<1x32xf32>
    %sqrt3A = math.sqrt %add3A_35 : vector<1x32xf32>
    %div3A_36 = vector.broadcast %sqrt3A : vector<1x32xf32> to vector<4096x32xf32>
    %div3A_37 = arith.divf %sub3A_32, %div3A_36 : vector<4096x32xf32>
    %get3A_38 = arith.constant 0 : index
    %get3A_39 = arith.constant 0 : index
    %get3A_40 = vector.load %arg7[%get3A_38, %get3A_39] : memref<1x32xf32, #tpu.memory_space<vmem>>, vector<1x32xf32>
    %mul3A_41 = vector.broadcast %get3A_40 : vector<1x32xf32> to vector<4096x32xf32>
    %mul3A_42 = arith.mulf %div3A_37, %mul3A_41 : vector<4096x32xf32>
    %get3A_43 = arith.constant 0 : index
    %get3A_44 = arith.constant 0 : index
    %get3A_45 = vector.load %arg8[%get3A_43, %get3A_44] : memref<1x32xf32, #tpu.memory_space<vmem>>, vector<1x32xf32>
    %add3A_46 = vector.broadcast %get3A_45 : vector<1x32xf32> to vector<4096x32xf32>
    %add3A_47 = arith.addf %mul3A_42, %add3A_46 : vector<4096x32xf32>
    %gt3A = arith.constant 0.000000e+00 : f32
    %gt3A_48 = vector.broadcast %gt3A : f32 to vector<4096x32xf32>
    %gt3A_49 = arith.cmpf ogt, %add3A_47, %gt3A_48 : vector<4096x32xf32>
    %mul3A_50 = arith.constant 2.000000e-01 : f32
    %mul3A_51 = vector.broadcast %mul3A_50 : f32 to vector<4096x32xf32>
    %mul3A_52 = arith.mulf %mul3A_51, %add3A_47 : vector<4096x32xf32>
    %select_n3A = arith.select %gt3A_49, %add3A_47, %mul3A_52 : vector<4096x32xi1>, vector<4096x32xf32>
    %concatenate3A = tpu.concatenate %get3A_4, %select_n3A in 1 : vector<4096x32xf32>, vector<4096x32xf32> -> vector<4096x64xf32>
    %get3A_53 = arith.constant 0 : index
    %get3A_54 = arith.constant 0 : index
    %get3A_55 = vector.load %arg9[%get3A_53, %get3A_54] : memref<64x64xf32, #tpu.memory_space<vmem>>, vector<64x64xf32>
    %dot_general3A_56 = arith.constant dense<0.000000e+00> : vector<4096x64xf32>
    %dot_general3A_57 = tpu.matmul %concatenate3A, %get3A_55, %dot_general3A_56 {dimension_numbers = #tpu.dot_dimension_numbers<[1], [0], [0], [1], [0, 0, 1, 1], [], []>, transpose_lhs_hint = false} : vector<4096x64xf32>, vector<64x64xf32>, vector<4096x64xf32> -> vector<4096x64xf32>
    %reshape3A = vector.shape_cast %dot_general3A_57 : vector<4096x64xf32> to vector<256x16x64xf32>
    %reduce_max3A = arith.constant dense<0xFF800000> : vector<256x64xf32>
    %reduce_max3A_58 = vector.multi_reduction <maximumf>, %reshape3A, %reduce_max3A [1] : vector<256x16x64xf32> to vector<256x64xf32>
    %broadcast_in_dim3A_59 = vector.shape_cast %reduce_max3A_58 : vector<256x64xf32> to vector<256x1x64xf32>
    %sub3A_60 = vector.broadcast %broadcast_in_dim3A_59 : vector<256x1x64xf32> to vector<256x16x64xf32>
    %sub3A_61 = arith.subf %reshape3A, %sub3A_60 : vector<256x16x64xf32>
    %exp3A = math.exp %sub3A_61 : vector<256x16x64xf32>
    %reduce_sum3A_62 = arith.constant dense<0.000000e+00> : vector<256x64xf32>
    %reduce_sum3A_63 = vector.multi_reduction <add>, %exp3A, %reduce_sum3A_62 [1] : vector<256x16x64xf32> to vector<256x64xf32>
    %broadcast_in_dim3A_64 = vector.shape_cast %reduce_sum3A_63 : vector<256x64xf32> to vector<256x1x64xf32>
    %add3A_65 = arith.constant 1.000000e-16 : f32
    %add3A_66 = vector.broadcast %add3A_65 : f32 to vector<256x1x64xf32>
    %add3A_67 = arith.addf %broadcast_in_dim3A_64, %add3A_66 : vector<256x1x64xf32>
    %div3A_68 = vector.broadcast %add3A_67 : vector<256x1x64xf32> to vector<256x16x64xf32>
    %div3A_69 = arith.divf %exp3A, %div3A_68 : vector<256x16x64xf32>
    %reshape3A_70 = vector.shape_cast %concatenate3A : vector<4096x64xf32> to vector<256x16x64xf32>
    %mul3A_71 = arith.mulf %div3A_69, %reshape3A_70 : vector<256x16x64xf32>
    %reduce_sum3A_72 = arith.constant dense<0.000000e+00> : vector<256x64xf32>
    %reduce_sum3A_73 = vector.multi_reduction <add>, %mul3A_71, %reduce_sum3A_72 [1] : vector<256x16x64xf32> to vector<256x64xf32>
    %swap3A = arith.constant 0 : index
    %swap3A_74 = arith.constant 0 : index
    %swap3A_75 = vector.load %arg10[%swap3A, %swap3A_74] : memref<256x64xf32, #tpu.memory_space<vmem>>, vector<256x64xf32>
    tpu.vector_store %arg10[%swap3A, %swap3A_74], %reduce_sum3A_73 {strides = array<i32>} : memref<256x64xf32, #tpu.memory_space<vmem>>, vector<256x64xf32>,
    return
  }
  func.func @transform_0(%arg0: i32) -> (i32, i32) {
    %c0_i32 = arith.constant 0 : i32
    %c0_i32_0 = arith.constant 0 : i32
    return %arg0, %c0_i32 : i32, i32
  }
  func.func @transform_1(%arg0: i32) -> (i32, i32) {
    %c0_i32 = arith.constant 0 : i32
    %c0_i32_0 = arith.constant 0 : i32
    return %arg0, %c0_i32 : i32, i32
  }
  func.func @transform_2(%arg0: i32) -> (i32, i32) {
    %c0_i32 = arith.constant 0 : i32
    %c0_i32_0 = arith.constant 0 : i32
    %c0_i32_1 = arith.constant 0 : i32
    return %c0_i32, %c0_i32_0 : i32, i32
  }
  func.func @transform_3(%arg0: i32) -> (i32, i32) {
    %c0_i32 = arith.constant 0 : i32
    %c0_i32_0 = arith.constant 0 : i32
    %c0_i32_1 = arith.constant 0 : i32
    return %c0_i32, %c0_i32_0 : i32, i32
  }
  func.func @transform_4(%arg0: i32) -> (i32, i32) {
    %c0_i32 = arith.constant 0 : i32
    %c0_i32_0 = arith.constant 0 : i32
    %c0_i32_1 = arith.constant 0 : i32
    return %c0_i32, %c0_i32_0 : i32, i32
  }
  func.func @transform_5(%arg0: i32) -> (i32, i32) {
    %c0_i32 = arith.constant 0 : i32
    %c0_i32_0 = arith.constant 0 : i32
    %c0_i32_1 = arith.constant 0 : i32
    return %c0_i32, %c0_i32_0 : i32, i32
  }
  func.func @transform_6(%arg0: i32) -> (i32, i32) {
    %c0_i32 = arith.constant 0 : i32
    %c0_i32_0 = arith.constant 0 : i32
    %c0_i32_1 = arith.constant 0 : i32
    return %c0_i32, %c0_i32_0 : i32, i32
  }
  func.func @transform_7(%arg0: i32) -> (i32, i32) {
    %c0_i32 = arith.constant 0 : i32
    %c0_i32_0 = arith.constant 0 : i32
    %c0_i32_1 = arith.constant 0 : i32
    return %c0_i32, %c0_i32_0 : i32, i32
  }
  func.func @transform_8(%arg0: i32) -> (i32, i32) {
    %c0_i32 = arith.constant 0 : i32
    %c0_i32_0 = arith.constant 0 : i32
    %c0_i32_1 = arith.constant 0 : i32
    return %c0_i32, %c0_i32_0 : i32, i32
  }
  func.func @transform_9(%arg0: i32) -> (i32, i32) {
    %c0_i32 = arith.constant 0 : i32
    %c0_i32_0 = arith.constant 0 : i32
    return %arg0, %c0_i32 : i32, i32
  }
}

module attributes {stable_mosaic.version = 14 : i64} {
  func.func @_post_body(%arg0: memref<10240x64xf32, #tpu.memory_space<vmem>>, %arg1: memref<64x64xf32, #tpu.memory_space<vmem>>, %arg2: memref<1x64xf32, #tpu.memory_space<vmem>>, %arg3: memref<1x64xf32, #tpu.memory_space<vmem>>, %arg4: memref<1x64xf32, #tpu.memory_space<vmem>>, %arg5: memref<10240x64xf32, #tpu.memory_space<vmem>>) attributes {dimension_semantics = [], scalar_prefetch = 0 : i64, scratch_operands = 0 : i64, tpu.core_type = #tpu.core_type<tc>} {
    %iota3A = tpu.iota {dimensions = array<i32: 0>} : vector<10240x1xi32>
    %lt3A = arith.constant 10000 : i32
    %lt3A_0 = vector.broadcast %lt3A : i32 to vector<10240x1xi32>
    %lt3A_1 = arith.cmpi slt, %iota3A, %lt3A_0 : vector<10240x1xi32>
    %convert_element_type3A = arith.extui %lt3A_1 : vector<10240x1xi1> to vector<10240x1xi32>
    %convert_element_type3A_2 = arith.sitofp %convert_element_type3A : vector<10240x1xi32> to vector<10240x1xf32>
    %get3A = arith.constant 0 : index
    %get3A_3 = arith.constant 0 : index
    %get3A_4 = vector.load %arg0[%get3A, %get3A_3] : memref<10240x64xf32, #tpu.memory_space<vmem>>, vector<10240x64xf32>
    %get3A_5 = arith.constant 0 : index
    %get3A_6 = arith.constant 0 : index
    %get3A_7 = vector.load %arg1[%get3A_5, %get3A_6] : memref<64x64xf32, #tpu.memory_space<vmem>>, vector<64x64xf32>
    %dot_general3A = arith.constant dense<0.000000e+00> : vector<10240x64xf32>
    %dot_general3A_8 = tpu.matmul %get3A_4, %get3A_7, %dot_general3A {dimension_numbers = #tpu.dot_dimension_numbers<[1], [0], [0], [1], [0, 0, 1, 1], [], []>, transpose_lhs_hint = false} : vector<10240x64xf32>, vector<64x64xf32>, vector<10240x64xf32> -> vector<10240x64xf32>
    %get3A_9 = arith.constant 0 : index
    %get3A_10 = arith.constant 0 : index
    %get3A_11 = vector.load %arg2[%get3A_9, %get3A_10] : memref<1x64xf32, #tpu.memory_space<vmem>>, vector<1x64xf32>
    %add3A = vector.broadcast %get3A_11 : vector<1x64xf32> to vector<10240x64xf32>
    %add3A_12 = arith.addf %dot_general3A_8, %add3A : vector<10240x64xf32>
    %get3A_13 = arith.constant 0 : index
    %get3A_14 = arith.constant 0 : index
    %get3A_15 = vector.load %arg3[%get3A_13, %get3A_14] : memref<1x64xf32, #tpu.memory_space<vmem>>, vector<1x64xf32>
    %get3A_16 = arith.constant 0 : index
    %get3A_17 = arith.constant 0 : index
    %get3A_18 = vector.load %arg4[%get3A_16, %get3A_17] : memref<1x64xf32, #tpu.memory_space<vmem>>, vector<1x64xf32>
    %mul3A = vector.broadcast %convert_element_type3A_2 : vector<10240x1xf32> to vector<10240x64xf32>
    %mul3A_19 = arith.mulf %add3A_12, %mul3A : vector<10240x64xf32>
    %reduce_sum3A = arith.constant dense<0.000000e+00> : vector<64xf32>
    %reduce_sum3A_20 = vector.multi_reduction <add>, %mul3A_19, %reduce_sum3A [0] : vector<10240x64xf32> to vector<64xf32>
    %broadcast_in_dim3A = vector.shape_cast %reduce_sum3A_20 : vector<64xf32> to vector<1x64xf32>
    %div3A = arith.constant 1.000000e+04 : f32
    %div3A_21 = vector.broadcast %div3A : f32 to vector<1x64xf32>
    %div3A_22 = arith.divf %broadcast_in_dim3A, %div3A_21 : vector<1x64xf32>
    %sub3A = vector.broadcast %div3A_22 : vector<1x64xf32> to vector<10240x64xf32>
    %sub3A_23 = arith.subf %add3A_12, %sub3A : vector<10240x64xf32>
    %mul3A_24 = vector.broadcast %convert_element_type3A_2 : vector<10240x1xf32> to vector<10240x64xf32>
    %mul3A_25 = arith.mulf %sub3A_23, %mul3A_24 : vector<10240x64xf32>
    %mul3A_26 = arith.mulf %mul3A_25, %mul3A_25 : vector<10240x64xf32>
    %reduce_sum3A_27 = arith.constant dense<0.000000e+00> : vector<64xf32>
    %reduce_sum3A_28 = vector.multi_reduction <add>, %mul3A_26, %reduce_sum3A_27 [0] : vector<10240x64xf32> to vector<64xf32>
    %broadcast_in_dim3A_29 = vector.shape_cast %reduce_sum3A_28 : vector<64xf32> to vector<1x64xf32>
    %div3A_30 = arith.constant 1.000000e+04 : f32
    %div3A_31 = vector.broadcast %div3A_30 : f32 to vector<1x64xf32>
    %div3A_32 = arith.divf %broadcast_in_dim3A_29, %div3A_31 : vector<1x64xf32>
    %sub3A_33 = vector.broadcast %div3A_22 : vector<1x64xf32> to vector<10240x64xf32>
    %sub3A_34 = arith.subf %add3A_12, %sub3A_33 : vector<10240x64xf32>
    %add3A_35 = arith.constant 9.99999997E-7 : f32
    %add3A_36 = vector.broadcast %add3A_35 : f32 to vector<1x64xf32>
    %add3A_37 = arith.addf %div3A_32, %add3A_36 : vector<1x64xf32>
    %sqrt3A = math.sqrt %add3A_37 : vector<1x64xf32>
    %div3A_38 = vector.broadcast %sqrt3A : vector<1x64xf32> to vector<10240x64xf32>
    %div3A_39 = arith.divf %sub3A_34, %div3A_38 : vector<10240x64xf32>
    %mul3A_40 = vector.broadcast %get3A_15 : vector<1x64xf32> to vector<10240x64xf32>
    %mul3A_41 = arith.mulf %div3A_39, %mul3A_40 : vector<10240x64xf32>
    %add3A_42 = vector.broadcast %get3A_18 : vector<1x64xf32> to vector<10240x64xf32>
    %add3A_43 = arith.addf %mul3A_41, %add3A_42 : vector<10240x64xf32>
    %gt3A = arith.constant 0.000000e+00 : f32
    %gt3A_44 = vector.broadcast %gt3A : f32 to vector<10240x64xf32>
    %gt3A_45 = arith.cmpf ogt, %add3A_43, %gt3A_44 : vector<10240x64xf32>
    %mul3A_46 = arith.constant 2.000000e-01 : f32
    %mul3A_47 = vector.broadcast %mul3A_46 : f32 to vector<10240x64xf32>
    %mul3A_48 = arith.mulf %mul3A_47, %add3A_43 : vector<10240x64xf32>
    %select_n3A = arith.select %gt3A_45, %add3A_43, %mul3A_48 : vector<10240x64xi1>, vector<10240x64xf32>
    %swap3A = arith.constant 0 : index
    %swap3A_49 = arith.constant 0 : index
    %swap3A_50 = vector.load %arg5[%swap3A, %swap3A_49] : memref<10240x64xf32, #tpu.memory_space<vmem>>, vector<10240x64xf32>
    tpu.vector_store %arg5[%swap3A, %swap3A_49], %select_n3A {strides = array<i32>} : memref<10240x64xf32, #tpu.memory_space<vmem>>, vector<10240x64xf32>,
    return
  }
}

module attributes {stable_mosaic.version = 14 : i64} {
  func.func @_final_body(%arg0: memref<10240x64xf32, #tpu.memory_space<vmem>>, %arg1: memref<10240x128xf32, #tpu.memory_space<vmem>>, %arg2: memref<64x128xf32, #tpu.memory_space<vmem>>, %arg3: memref<1x128xf32, #tpu.memory_space<vmem>>, %arg4: memref<1x128xf32, #tpu.memory_space<vmem>>, %arg5: memref<1x128xf32, #tpu.memory_space<vmem>>, %arg6: memref<10240x128xf32, #tpu.memory_space<vmem>>) attributes {dimension_semantics = [], scalar_prefetch = 0 : i64, scratch_operands = 0 : i64, tpu.core_type = #tpu.core_type<tc>} {
    %iota3A = tpu.iota {dimensions = array<i32: 0>} : vector<10240x1xi32>
    %lt3A = arith.constant 10000 : i32
    %lt3A_0 = vector.broadcast %lt3A : i32 to vector<10240x1xi32>
    %lt3A_1 = arith.cmpi slt, %iota3A, %lt3A_0 : vector<10240x1xi32>
    %convert_element_type3A = arith.extui %lt3A_1 : vector<10240x1xi1> to vector<10240x1xi32>
    %convert_element_type3A_2 = arith.sitofp %convert_element_type3A : vector<10240x1xi32> to vector<10240x1xf32>
    %get3A = arith.constant 0 : index
    %get3A_3 = arith.constant 0 : index
    %get3A_4 = vector.load %arg0[%get3A, %get3A_3] : memref<10240x64xf32, #tpu.memory_space<vmem>>, vector<10240x64xf32>
    %get3A_5 = arith.constant 0 : index
    %get3A_6 = arith.constant 0 : index
    %get3A_7 = vector.load %arg2[%get3A_5, %get3A_6] : memref<64x128xf32, #tpu.memory_space<vmem>>, vector<64x128xf32>
    %dot_general3A = arith.constant dense<0.000000e+00> : vector<10240x128xf32>
    %dot_general3A_8 = tpu.matmul %get3A_4, %get3A_7, %dot_general3A {dimension_numbers = #tpu.dot_dimension_numbers<[1], [0], [0], [1], [0, 0, 1, 1], [], []>, transpose_lhs_hint = false} : vector<10240x64xf32>, vector<64x128xf32>, vector<10240x128xf32> -> vector<10240x128xf32>
    %get3A_9 = arith.constant 0 : index
    %get3A_10 = arith.constant 0 : index
    %get3A_11 = vector.load %arg3[%get3A_9, %get3A_10] : memref<1x128xf32, #tpu.memory_space<vmem>>, vector<1x128xf32>
    %add3A = vector.broadcast %get3A_11 : vector<1x128xf32> to vector<10240x128xf32>
    %add3A_12 = arith.addf %dot_general3A_8, %add3A : vector<10240x128xf32>
    %get3A_13 = arith.constant 0 : index
    %get3A_14 = arith.constant 0 : index
    %get3A_15 = vector.load %arg4[%get3A_13, %get3A_14] : memref<1x128xf32, #tpu.memory_space<vmem>>, vector<1x128xf32>
    %get3A_16 = arith.constant 0 : index
    %get3A_17 = arith.constant 0 : index
    %get3A_18 = vector.load %arg5[%get3A_16, %get3A_17] : memref<1x128xf32, #tpu.memory_space<vmem>>, vector<1x128xf32>
    %mul3A = vector.broadcast %convert_element_type3A_2 : vector<10240x1xf32> to vector<10240x128xf32>
    %mul3A_19 = arith.mulf %add3A_12, %mul3A : vector<10240x128xf32>
    %reduce_sum3A = arith.constant dense<0.000000e+00> : vector<128xf32>
    %reduce_sum3A_20 = vector.multi_reduction <add>, %mul3A_19, %reduce_sum3A [0] : vector<10240x128xf32> to vector<128xf32>
    %broadcast_in_dim3A = vector.shape_cast %reduce_sum3A_20 : vector<128xf32> to vector<1x128xf32>
    %div3A = arith.constant 1.000000e+04 : f32
    %div3A_21 = vector.broadcast %div3A : f32 to vector<1x128xf32>
    %div3A_22 = arith.divf %broadcast_in_dim3A, %div3A_21 : vector<1x128xf32>
    %sub3A = vector.broadcast %div3A_22 : vector<1x128xf32> to vector<10240x128xf32>
    %sub3A_23 = arith.subf %add3A_12, %sub3A : vector<10240x128xf32>
    %mul3A_24 = vector.broadcast %convert_element_type3A_2 : vector<10240x1xf32> to vector<10240x128xf32>
    %mul3A_25 = arith.mulf %sub3A_23, %mul3A_24 : vector<10240x128xf32>
    %mul3A_26 = arith.mulf %mul3A_25, %mul3A_25 : vector<10240x128xf32>
    %reduce_sum3A_27 = arith.constant dense<0.000000e+00> : vector<128xf32>
    %reduce_sum3A_28 = vector.multi_reduction <add>, %mul3A_26, %reduce_sum3A_27 [0] : vector<10240x128xf32> to vector<128xf32>
    %broadcast_in_dim3A_29 = vector.shape_cast %reduce_sum3A_28 : vector<128xf32> to vector<1x128xf32>
    %div3A_30 = arith.constant 1.000000e+04 : f32
    %div3A_31 = vector.broadcast %div3A_30 : f32 to vector<1x128xf32>
    %div3A_32 = arith.divf %broadcast_in_dim3A_29, %div3A_31 : vector<1x128xf32>
    %sub3A_33 = vector.broadcast %div3A_22 : vector<1x128xf32> to vector<10240x128xf32>
    %sub3A_34 = arith.subf %add3A_12, %sub3A_33 : vector<10240x128xf32>
    %add3A_35 = arith.constant 9.99999997E-7 : f32
    %add3A_36 = vector.broadcast %add3A_35 : f32 to vector<1x128xf32>
    %add3A_37 = arith.addf %div3A_32, %add3A_36 : vector<1x128xf32>
    %sqrt3A = math.sqrt %add3A_37 : vector<1x128xf32>
    %div3A_38 = vector.broadcast %sqrt3A : vector<1x128xf32> to vector<10240x128xf32>
    %div3A_39 = arith.divf %sub3A_34, %div3A_38 : vector<10240x128xf32>
    %mul3A_40 = vector.broadcast %get3A_15 : vector<1x128xf32> to vector<10240x128xf32>
    %mul3A_41 = arith.mulf %div3A_39, %mul3A_40 : vector<10240x128xf32>
    %add3A_42 = vector.broadcast %get3A_18 : vector<1x128xf32> to vector<10240x128xf32>
    %add3A_43 = arith.addf %mul3A_41, %add3A_42 : vector<10240x128xf32>
    %get3A_44 = arith.constant 0 : index
    %get3A_45 = arith.constant 0 : index
    %get3A_46 = vector.load %arg1[%get3A_44, %get3A_45] : memref<10240x128xf32, #tpu.memory_space<vmem>>, vector<10240x128xf32>
    %add3A_47 = arith.addf %add3A_43, %get3A_46 : vector<10240x128xf32>
    %gt3A = arith.constant 0.000000e+00 : f32
    %gt3A_48 = vector.broadcast %gt3A : f32 to vector<10240x128xf32>
    %gt3A_49 = arith.cmpf ogt, %add3A_47, %gt3A_48 : vector<10240x128xf32>
    %mul3A_50 = arith.constant 2.000000e-01 : f32
    %mul3A_51 = vector.broadcast %mul3A_50 : f32 to vector<10240x128xf32>
    %mul3A_52 = arith.mulf %mul3A_51, %add3A_47 : vector<10240x128xf32>
    %select_n3A = arith.select %gt3A_49, %add3A_47, %mul3A_52 : vector<10240x128xi1>, vector<10240x128xf32>
    %swap3A = arith.constant 0 : index
    %swap3A_53 = arith.constant 0 : index
    %swap3A_54 = vector.load %arg6[%swap3A, %swap3A_53] : memref<10240x128xf32, #tpu.memory_space<vmem>>, vector<10240x128xf32>
    tpu.vector_store %arg6[%swap3A, %swap3A_53], %select_n3A {strides = array<i32>} : memref<10240x128xf32, #tpu.memory_space<vmem>>, vector<10240x128xf32>,
    return
  }
}

</mosaic_0001>

<sc_bundles>
// kernel: kernel.14.cloned.1.call-start
scs
__scs_entry_jumppad:
0x0: {  	(pc) =	sbr.rel $0x88, $3  }
0x1: {  	(tag) =	ssettag $0x0;
	lr =	simm.s32 $0x1  }
0x2: {  	[smem:$0x3F7F] =	sst lr;
	_ =	strace $0xD0000000  }
0x3: {  	_ = 	snop  }
0x4: {  	_ = 	snop  }
0x5: {  	_ = 	snop  }
0x6: {  	_ = 	snop  }
0x7: {  	_ = 	snop  }
__scs_overlays_trampoline_lowered:
0x8: {  	[smem:$0x3F8E] =	sst s0  }
0x9: {  	[smem:$0x3F8F] =	sst s1  }
0xa: {  	[smem:$0x3F90] =	sst s2  }
0xb: {  	[smem:$0x3F91] =	sst s3  }
0xc: {  	[smem:$0x3F92] =	sst s4  }
0xd: {  	[smem:$0x3F93] =	sst s5  }
0xe: {  	[smem:$0x3F94] =	sst s6  }
0xf: {  	[smem:$0x3F95] =	sst s7  }
0x10: {  	[smem:$0x3F96] =	sst s8  }
0x11: {  	[smem:$0x3F97] =	sst s9;
	s0 =	simm.s32 @!p0 $0x0  }
0x12: {  	s1 =	sld [smem:$0x3F7D];
	s0 =	simm.s32 @p0 $0x1  }
0x13: {  	[smem:$0x3F98] =	sst s0;
	s0 =	simm.s32 @!p1 $0x0  }
0x14: {  	s2 =	sld [smem:$0x3F7C];
	s0 =	simm.s32 @p1 $0x1  }
0x15: {  	[smem:$0x3F99] =	sst s0;
	s0 =	simm.s32 @!p2 $0x0  }
0x16: {  	s3 =	sld [smem:$0x3FDB];
	s0 =	simm.s32 @p2 $0x1  }
0x17: {  	s4 =	simm.s32 $0x1BF5;
	[smem:$0x3F9B] =	sst s0  }
0x18: {  	s0 =	sld [smem:$0x3F7E];
	_ =	swait.ge [sflag:s4], $0x0  }
0x19: {  	s7 =	sld [smem:$0x3F7F]  }
0x1a: {  	s8 =	sadd.s32 $0xFFFFE003, lr  }
0x1b: {  	s9 =	sadd.s32 $0xFFFFFEF7, lr;
	s5 =	simm.s32 $0xFFFFFFFF;
	p2 =	slt.u32 s8, $0xFFFFF086  }
0x1c: {  	p1 =	slt.u32 s9, $0xF7A;
	s5 =	simm.s32 @!p2 $0x0  }
0x1d: {  	s5 =	simm.s32 @p1 $0x1;
	p0 =	seq.s32 s7, s2  }
0x1e: {  	s7 =	smul.u32 @!p0 $0xF7A, s2;
	p2 =	seq.s32 @!p0 s5, $0x0  }
0x1f: {  	s9 =	smul.u32 $0xF7A, s1;
	s8 =	simm.s32 @!p0 $0x1BF5;
	p2 =	por !p2, p0  }
0x20: {  	[sflag:s8] =	ssyncset.s32 @!p0 $0xFFFFF086;
	s6 =	sadd.s32 @!p0 s3, s7;
	s7 =	simm.s32 @!p0 $0x108  }
0x21: {  	s3 =	sadd.s32 s3, s9;
	s6 =	sadd.s32 @!p0 $0x88, s6;
	s7 =	simm.s32 @p2 $0x1082  }
0x22: {  	[simem:s7], [sflag:s8] =	dma.local @!p0 [hbm:s6], $0xF7A  }
0x23: {  	s9 =	sor.u32 $0xD0000000, s2;
	s6 =	simm.s32 $0x108;
	_ =	swait.ge @!p0 [sflag:s8], $0x0  }
0x24: {  	s3 =	sadd.s32 $0x88, s3;
	s6 =	simm.s32 @!p1 $0x1082;
	[sflag:s4] =	ssyncset.s32 $0xFFFFF086  }
0x25: {  	[simem:s6], [sflag:s4] =	dma.local [hbm:s3], $0xF7A  }
0x26: {  	[smem:$0x3F7F] =	sst s1;
	(tag) =	ssettag s2;
	_ =	strace s9  }
0x27: {  	s1 =	sld [smem:$0x3F8F]  }
0x28: {  	s2 =	sld [smem:$0x3F90]  }
0x29: {  	s4 =	sld [smem:$0x3F92]  }
0x2a: {  	p0 =	seq.s32 s5, $0x0;
	s5 =	sld [smem:$0x3F93]  }
0x2b: {  	s6 =	sld [smem:$0x3F94]  }
0x2c: {  	s7 =	sld [smem:$0x3F95]  }
0x2d: {  	s3 =	simm.s32 $0x108;
	s8 =	sld [smem:$0x3F96]  }
0x2e: {  	s3 =	simm.s32 @!p0 $0x1082;
	s9 =	sld [smem:$0x3F97]  }
0x2f: {  	lr =	sadd.s32 s0, s3;
	s0 =	sld [smem:$0x3F8E]  }
0x30: {  	s3 =	sld [smem:$0x3F91]  }
0x31: {  	[smem:$0x3F9A] =	sst s10  }
0x32: {  	s10 =	sld [smem:$0x3F98];
	_ =	sdelay $0x3  }
0x33: {  	p0 =	seq.s32 s10, $0x1;
	s10 =	sld [smem:$0x3F9A];
	_ =	sdelay $0x3  }
0x34: {  	[smem:$0x3F9A] =	sst s10  }
0x35: {  	s10 =	sld [smem:$0x3F99];
	_ =	sdelay $0x3  }
0x36: {  	p1 =	seq.s32 s10, $0x1;
	s10 =	sld [smem:$0x3F9A];
	_ =	sdelay $0x3  }
0x37: {  	[smem:$0x3F9A] =	sst s10  }
0x38: {  	s10 =	sld [smem:$0x3F9B]  }
0x39: {  	_ = 	snop;
	(pc) =	sbr.ind lr, $3  }
0x3a: {  	_ = 	snop  }
0x3b: {  	_ = 	snop  }
0x3c: {  	p2 =	seq.s32 s10, $0x1;
	s10 =	sld [smem:$0x3F9A]  }
0x3d: {  	_ =	shalt  }
0x3e: {  	_ =	shalt  }
0x3f: {  	_ =	shalt  }
0x40: {  	_ =	shalt  }
0x41: {  	_ =	shalt  }
0x42: {  	_ =	shalt  }
0x43: {  	_ =	shalt  }
0x44: {  	_ =	shalt  }
0x45: {  	_ =	shalt  }
0x46: {  	_ =	shalt  }
0x47: {  	_ =	shalt  }
0x48: {  	_ =	shalt  }
0x49: {  	_ =	shalt  }
0x4a: {  	_ =	shalt  }
0x4b: {  	_ =	shalt  }
0x4c: {  	_ =	shalt  }
0x4d: {  	_ =	shalt  }
0x4e: {  	_ =	shalt  }
0x4f: {  	_ =	shalt  }
0x50: {  	_ =	shalt  }
0x51: {  	_ =	shalt  }
0x52: {  	_ =	shalt  }
0x53: {  	_ =	shalt  }
0x54: {  	_ =	shalt  }
0x55: {  	_ =	shalt  }
0x56: {  	_ =	shalt  }
0x57: {  	_ =	shalt  }
0x58: {  	_ =	shalt  }
0x59: {  	_ =	shalt  }
0x5a: {  	_ =	shalt  }
0x5b: {  	_ =	shalt  }
0x5c: {  	_ =	shalt  }
0x5d: {  	_ =	shalt  }
0x5e: {  	_ =	shalt  }
0x5f: {  	_ =	shalt  }
0x60: {  	_ =	shalt  }
0x61: {  	_ =	shalt  }
0x62: {  	_ =	shalt  }
0x63: {  	_ =	shalt  }
0x64: {  	_ =	shalt  }
0x65: {  	_ =	shalt  }
0x66: {  	_ =	shalt  }
0x67: {  	_ =	shalt  }
0x68: {  	_ =	shalt  }
0x69: {  	_ =	shalt  }
0x6a: {  	_ =	shalt  }
0x6b: {  	_ =	shalt  }
0x6c: {  	_ =	shalt  }
0x6d: {  	_ =	shalt  }
0x6e: {  	_ =	shalt  }
0x6f: {  	_ =	shalt  }
0x70: {  	_ =	shalt  }
0x71: {  	_ =	shalt  }
0x72: {  	_ =	shalt  }
0x73: {  	_ =	shalt  }
0x74: {  	_ =	shalt  }
0x75: {  	_ =	shalt  }
0x76: {  	_ =	shalt  }
0x77: {  	_ =	shalt  }
0x78: {  	_ =	shalt  }
0x79: {  	_ =	shalt  }
0x7a: {  	_ =	shalt  }
0x7b: {  	_ =	shalt  }
0x7c: {  	_ =	shalt  }
0x7d: {  	_ =	shalt  }
0x7e: {  	_ =	shalt  }
0x7f: {  	_ =	shalt  }
0x80: {  	_ =	shalt  }
0x81: {  	_ =	shalt  }
0x82: {  	_ =	shalt  }
0x83: {  	_ =	shalt  }
0x84: {  	_ =	shalt  }
0x85: {  	_ =	shalt  }
0x86: {  	_ =	shalt  }
0x87: {  	_ =	shalt  }
.Lfunc_end0:
.L_simem_size_0:
called_computation.1_lowered:
.L_overlay_start_0:
0x88: {  	s2 =	sld [smem:$0x3FD9]  }
0x89: {  	s3 =	sld [smem:$0x3FFE];
	_ =	sdelay $0x1  }
0x8a: {  	s1 =	srdreg.scid  }
0x8b: {  	s0 =	sand.u32 $0x1, s1  }
0x8c: {  	s16 =	sshll.u32 s0, $0xA;
	s2 =	sadd.s32 s3, s2  }
0x8d: {  	s2 =	sadd.s32 s2, s16  }
0x8e: {  	[smem:$0x3FA6] =	sst s2  }
0x8f: {  	_ = 	snop  }
0x90: {  	(tm) =	ssettm $0x1  }
0x91: {  	s17 =	sld [smem:$0x3FFB];
	_ =	sdelay $0x3  }
0x92: {  	_ =	strace s17  }
0x93: {  	s2 =	sld [smem:$0x3FFC];
	_ =	sdelay $0x3  }
0x94: {  	_ =	strace s2  }
0x95: {  	s2 =	sld [smem:$0x3FFD];
	_ =	sdelay $0x3  }
0x96: {  	_ =	strace s2  }
0x97: {  	_ =	strace $0x8FFFFFFF  }
0x98: {  	s18 =	sld [smem:$0x3FDB];
	_ =	sdelay $0x1  }
0x99: {  	s19 =	simm.s32 $_scs_section_size  }
0x9a: {  	s4 =	simm.s32 $_size__tile_overlayer_lowered;
	s5 =	simm.s32 $_tile_overlayer_lowered  }
0x9b: {  	s22 =	simm.s32 $0x1BFF;
	s21 =	sshll.u32 s5, $0x1;
	s2 =	sadd.s32 s19, s18  }
0x9c: {  	s6 =	simm.s32 $0x0;
	s20 =	sshll.u32 s4, $0x1;
	s4 =	sadd.s32 s21, s2  }
0x9d: {  	[timem:s6], [sflag:s22] =	dma.local [hbm:s4], s20  }
0x9e: {  	_ =	swait.ge [sflag:s22], s20  }
0x9f: {  	s3 =	ssub.s32 $0x0, s20;
	[sflag:s22] =	ssyncset.done $0x0  }
0xa0: {  	[sflag:s22] =	ssyncadd.s32 s3;
	_ =	sdelay $0x1  }
0xa1: {  	s23 =	simm.s32 $0x1B8B  }
0xa2: {  	_ =	swait.ge [sflag:s23], $0x1  }
0xa3: {  	[sflag:s23] =	ssyncset.done $0x0  }
0xa4: {  	s25 =	simm.s32 $0x1B8E;
	s24 =	sld [smem:$0x3FFE];
	[sflag:s23] =	ssyncadd.s32 $0xFFFFFFFF  }
0xa5: {  	s26 =	simm.s32 $execute0_lowered;
	[smem:$0x3FD2] =	sst s25  }
0xa6: {  	s4 =	sshll.u32 s26, $0x1;
	_ =	strace $0x80000049;
	[dreg:$0x1] =	wrdreg $0xFFFFFFFF  }
0xa7: {  	s28 =	simm.s32 $_size_execute0_lowered;
	s2 =	sadd.s32 s2, s4;
	[dreg:$0x0] =	wrdreg $0x0  }
0xa8: {  	s4 =	sshll.u32 s28, $0x1;
	[dreg:$0x2] =	wrdreg s2  }
0xa9: {  	[dreg:$0x3] =	wrdreg s4  }
0xaa: {  	[dreg:$0x4] =	wrdreg $0xC0  }
0xab: {  	_ =	task [dreg:s6], $0x5FFFF  }
0xac: {  	[dreg:$0x1] =	wrdreg $0xFFFFFFFF  }
0xad: {  	[dreg:$0x0] =	wrdreg $0x60  }
0xae: {  	[dreg:$0x2] =	wrdreg s24  }
0xaf: {  	[dreg:$0x3] =	wrdreg $0x9  }
0xb0: {  	_ =	task.clear_ibuf [dreg:s6], $0x4FFFF;
	_ =	strace $0x90000049  }
0xb1: {  	s29 =	simm.s32 $0x9;
	_ =	strace $0x8000004B  }
0xb2: {  	_ =	swait.ge [sflag:s29], $0x1  }
0xb3: {  	[sflag:s29] =	ssyncadd.s32 $0xFFFFFFFF  }
0xb4: {  	_ =	strace $0x9000004B  }
0xb5: {  	_ =	sfence  }
0xb6: {  	s30 =	sld [smem:$0x0];
	_ =	sdelay $0x2  }
0xb7: {  	s31 =	sshll.u32 s1, $0xD;
	s1 =	sshrl.u32 s1, $0x2  }
0xb8: {  	s3 =	sand.u32 $0x4000, s31;
	s1 =	sadd.s32 s1, s30  }
0xb9: {  	s0 =	sor.u32 s3, s0;
	s1 =	sshll.u32 s1, $0x11  }
0xba: {  	s0 =	sor.u32 s1, s0  }
0xbb: {  	s0 =	sadd.s32 $0x8F2B, s0  }
0xbc: {  	[sflag:s0] =	ssyncadd.remote.s32 $0x1  }
0xbd: {  	_ =	sfence.sel $0xFFFF  }
0xbe: {  	[dreg:$0x0] =	wrdreg $0xFFFFFFFF;
	(pc) =	sbr.abs _section_cstart, $3  }
0xbf: {  	[dreg:$0x1] =	wrdreg $0xFFFFFFFF  }
0xc0: {  	_ =	task.clear_ibuf [dreg:s6], $0x2FFFF;
	_ =	strace $0x9FFFFFFF  }
0xc1: {  	(tm) =	ssettm $0x7FFFFFFF  }
tec
execute0_lowered:
.L_overlay_start_1:
0x0: {  	(tag) =	ssettag $0x1  }
0x1: {  	s1 =	srdreg.scid;
	s0 =	stileid.u32  }
0x2: {  	s14 =	sand.u32 $0x1, s1;
	s28 =	sshll.u32 s0, $0x1  }
0x3: {  	s8 =	sor.u32 s14, s28  }
0x4: {  	s9 =	rddreg [dreg:$0x0];
	s13 =	smul.u32 $0x1400, s8  }
0x5: {  	s2 =	simm.s32 $0x0;
	s1 =	rddreg [dreg:$0x1]  }
0x6: {  	[smem:$0x7FF] =	sst s2;
	s15 =	sadd.s32 $0x7400, s9;
	s3 =	sshrl.u32 s13, $0x3  }
0x7: {  	_ =	strace $0x8000004A;
	s4 =	sadd.s32 s15, s3;
	s3 =	simm.s32 $0x2  }
0x8: {  	[tilespmem:s2], [sflag:$0x2] =	stream.linear.gather [hbm4b:s4+s2], $0x500, $0x38;
	[tilespmem:$0x14500] =	vst v63  }
0x9: {  	_ =	swait.ge [sflag:s3], $0x500  }
0xa: {  	s6 =	simm.s32 $0x500;
	[sflag:s3] =	ssyncset.done $0x0  }
0xb: {  	s7 =	simm.s32 $0x1;
	s5 =	sadd.s32 $0xCFF400, s9;
	[sflag:s3] =	ssyncadd.s32 $0xFFFFFB00  }
0xc: {  	[tilespmem:s6], [sflag:$0x1] =	stream.indirect.gather [hbm4b:s5+s6], $0x40, s2, s6, $0xb8;
	[tilespmem:$0x14500] =	vst v63  }
0xd: {  	s8 =	smul.u32 $0xA000, s8;
	_ =	swait.ge [sflag:s7], $0x14000  }
0xe: {  	s16 =	sadd.s32 $0xC400, s9;
	[sflag:s7] =	ssyncset.done $0x0  }
0xf: {  	s8 =	sadd.s32 s16, s8;
	[sflag:s7] =	ssyncadd.s32 $0xFFFEC000  }
0x10: {  	[hbm4b:s8+s2] =	stream.linear.scatter [tilespmem:s6], [sflag:$0x2], $0x14000, $0x38;
	[tilespmem:$0x14500] =	vst v63  }
0x11: {  	s10 =	sadd.s32 $0x500, s13;
	_ =	swait.ge [sflag:s3], $0x14000  }
0x12: {  	s29 =	sshrl.u32 s10, $0x3;
	[sflag:s3] =	ssyncset.done $0x0  }
0x13: {  	s9 =	sadd.s32 s15, s29;
	[sflag:s3] =	ssyncadd.s32 $0xFFFEC000  }
0x14: {  	[tilespmem:s2], [sflag:$0x2] =	stream.linear.gather [hbm4b:s9+s2], $0x500, $0x38;
	[tilespmem:$0x14500] =	vst v63  }
0x15: {  	_ =	swait.ge [sflag:s3], $0x500  }
0x16: {  	[sflag:s3] =	ssyncset.done $0x0  }
0x17: {  	[sflag:s3] =	ssyncadd.s32 $0xFFFFFB00  }
0x18: {  	[tilespmem:s6], [sflag:$0x1] =	stream.indirect.gather [hbm4b:s5+s6], $0x40, s2, s6, $0xb8;
	[tilespmem:$0x14500] =	vst v63  }
0x19: {  	_ =	swait.ge [sflag:s7], $0x14000  }
0x1a: {  	s10 =	sshll.u32 s10, $0x3;
	[sflag:s7] =	ssyncset.done $0x0  }
0x1b: {  	s10 =	sadd.s32 s16, s10;
	[sflag:s7] =	ssyncadd.s32 $0xFFFEC000  }
0x1c: {  	[hbm4b:s10+s2] =	stream.linear.scatter [tilespmem:s6], [sflag:$0x2], $0x14000, $0x38;
	[tilespmem:$0x14500] =	vst v63  }
0x1d: {  	s12 =	sadd.s32 $0xA00, s13;
	_ =	swait.ge [sflag:s3], $0x14000  }
0x1e: {  	s11 =	sshrl.u32 s12, $0x3;
	[sflag:s3] =	ssyncset.done $0x0  }
0x1f: {  	s11 =	sadd.s32 s15, s11;
	[sflag:s3] =	ssyncadd.s32 $0xFFFEC000  }
0x20: {  	[tilespmem:s2], [sflag:$0x2] =	stream.linear.gather [hbm4b:s11+s2], $0x500, $0x38;
	[tilespmem:$0x14500] =	vst v63  }
0x21: {  	_ =	swait.ge [sflag:s3], $0x500  }
0x22: {  	[sflag:s3] =	ssyncset.done $0x0  }
0x23: {  	[sflag:s3] =	ssyncadd.s32 $0xFFFFFB00  }
0x24: {  	[tilespmem:s6], [sflag:$0x1] =	stream.indirect.gather [hbm4b:s5+s6], $0x40, s2, s6, $0xb8;
	[tilespmem:$0x14500] =	vst v63  }
0x25: {  	_ =	swait.ge [sflag:s7], $0x14000  }
0x26: {  	s12 =	sshll.u32 s12, $0x3;
	[sflag:s7] =	ssyncset.done $0x0  }
0x27: {  	s12 =	sadd.s32 s16, s12;
	[sflag:s7] =	ssyncadd.s32 $0xFFFEC000  }
0x28: {  	[hbm4b:s12+s2] =	stream.linear.scatter [tilespmem:s6], [sflag:$0x2], $0x14000, $0x38;
	[tilespmem:$0x14500] =	vst v63  }
0x29: {  	s17 =	sadd.s32 $0xF00, s13;
	_ =	swait.ge [sflag:s3], $0x14000  }
0x2a: {  	s13 =	sshrl.u32 s17, $0x3;
	[sflag:s3] =	ssyncset.done $0x0  }
0x2b: {  	s14 =	ssub.s32 $0x2, s14;
	s13 =	sadd.s32 s15, s13;
	[sflag:s3] =	ssyncadd.s32 $0xFFFEC000  }
0x2c: {  	[tilespmem:s2], [sflag:$0x2] =	stream.linear.gather [hbm4b:s13+s2], $0x500, $0x38;
	[tilespmem:$0x14500] =	vst v63  }
0x2d: {  	s30 =	sshrl.u32 s14, $0x1;
	_ =	swait.ge [sflag:s3], $0x500  }
0x2e: {  	s15 =	ssub.s32 s14, s30;
	[sflag:s3] =	ssyncset.done $0x0  }
0x2f: {  	s15 =	smax.u32 s15, $0x1;
	[sflag:s3] =	ssyncadd.s32 $0xFFFFFB00  }
0x30: {  	[tilespmem:s6], [sflag:$0x1] =	stream.indirect.gather [hbm4b:s5+s6], $0x40, s2, s6, $0xb8;
	[tilespmem:$0x14500] =	vst v63  }
0x31: {  	p0 =	sne.s32 s15, $0x1;
	_ =	swait.ge [sflag:s7], $0x14000  }
.Ltmp0:
0x32: {  	s31 =	sshll.u32 s17, $0x3;
	[sflag:s7] =	ssyncset.done $0x0;
	(pc) =	sbr.rel @!p0 .LBB2_2-.Ltmp0, $4  }
0x33: {  	s14 =	sadd.s32 s16, s31;
	[sflag:s7] =	ssyncadd.s32 $0xFFFEC000  }
0x34: {  	[hbm4b:s14+s2] =	stream.linear.scatter [tilespmem:s6], [sflag:$0x2], $0x14000, $0x38;
	[tilespmem:$0x14500] =	vst v63  }
0x35: {  	_ =	swait.ge [sflag:s3], $0x14000  }
0x36: {  	s15 =	sadd.s32 $0xFFFFFFFF, s15;
	[sflag:s3] =	ssyncset.done $0x0  }
.LBB2_1:
0x37: {  	p0 =	sne.s32 s15, $0x1;
	s15 =	sadd.s32 $0xFFFFFFFF, s15;
	[sflag:s3] =	ssyncadd.s32 $0xFFFEC000  }
0x38: {  	[tilespmem:s2], [sflag:$0x2] =	stream.linear.gather [hbm4b:s4+s2], $0x500, $0x38;
	[tilespmem:$0x14500] =	vst v63  }
0x39: {  	_ =	swait.ge [sflag:s3], $0x500  }
0x3a: {  	[sflag:s3] =	ssyncset.done $0x0  }
0x3b: {  	[sflag:s3] =	ssyncadd.s32 $0xFFFFFB00  }
0x3c: {  	[tilespmem:s6], [sflag:$0x1] =	stream.indirect.gather [hbm4b:s5+s6], $0x40, s2, s6, $0xb8;
	[tilespmem:$0x14500] =	vst v63  }
0x3d: {  	_ =	swait.ge [sflag:s7], $0x14000  }
0x3e: {  	[sflag:s7] =	ssyncset.done $0x0  }
0x3f: {  	[sflag:s7] =	ssyncadd.s32 $0xFFFEC000  }
0x40: {  	[hbm4b:s8+s2] =	stream.linear.scatter [tilespmem:s6], [sflag:$0x2], $0x14000, $0x38;
	[tilespmem:$0x14500] =	vst v63  }
0x41: {  	_ =	swait.ge [sflag:s3], $0x14000  }
0x42: {  	[sflag:s3] =	ssyncset.done $0x0  }
0x43: {  	[sflag:s3] =	ssyncadd.s32 $0xFFFEC000  }
0x44: {  	[tilespmem:s2], [sflag:$0x2] =	stream.linear.gather [hbm4b:s9+s2], $0x500, $0x38;
	[tilespmem:$0x14500] =	vst v63  }
0x45: {  	_ =	swait.ge [sflag:s3], $0x500  }
0x46: {  	[sflag:s3] =	ssyncset.done $0x0  }
0x47: {  	[sflag:s3] =	ssyncadd.s32 $0xFFFFFB00  }
0x48: {  	[tilespmem:s6], [sflag:$0x1] =	stream.indirect.gather [hbm4b:s5+s6], $0x40, s2, s6, $0xb8;
	[tilespmem:$0x14500] =	vst v63  }
0x49: {  	_ =	swait.ge [sflag:s7], $0x14000  }
0x4a: {  	[sflag:s7] =	ssyncset.done $0x0  }
0x4b: {  	[sflag:s7] =	ssyncadd.s32 $0xFFFEC000  }
0x4c: {  	[hbm4b:s10+s2] =	stream.linear.scatter [tilespmem:s6], [sflag:$0x2], $0x14000, $0x38;
	[tilespmem:$0x14500] =	vst v63  }
0x4d: {  	_ =	swait.ge [sflag:s3], $0x14000  }
0x4e: {  	[sflag:s3] =	ssyncset.done $0x0  }
0x4f: {  	[sflag:s3] =	ssyncadd.s32 $0xFFFEC000  }
0x50: {  	[tilespmem:s2], [sflag:$0x2] =	stream.linear.gather [hbm4b:s11+s2], $0x500, $0x38;
	[tilespmem:$0x14500] =	vst v63  }
0x51: {  	_ =	swait.ge [sflag:s3], $0x500  }
0x52: {  	[sflag:s3] =	ssyncset.done $0x0  }
0x53: {  	[sflag:s3] =	ssyncadd.s32 $0xFFFFFB00  }
0x54: {  	[tilespmem:s6], [sflag:$0x1] =	stream.indirect.gather [hbm4b:s5+s6], $0x40, s2, s6, $0xb8;
	[tilespmem:$0x14500] =	vst v63  }
0x55: {  	_ =	swait.ge [sflag:s7], $0x14000  }
0x56: {  	[sflag:s7] =	ssyncset.done $0x0  }
0x57: {  	[sflag:s7] =	ssyncadd.s32 $0xFFFEC000  }
0x58: {  	[hbm4b:s12+s2] =	stream.linear.scatter [tilespmem:s6], [sflag:$0x2], $0x14000, $0x38;
	[tilespmem:$0x14500] =	vst v63  }
0x59: {  	_ =	swait.ge [sflag:s3], $0x14000  }
0x5a: {  	[sflag:s3] =	ssyncset.done $0x0  }
0x5b: {  	[sflag:s3] =	ssyncadd.s32 $0xFFFEC000  }
0x5c: {  	[tilespmem:s2], [sflag:$0x2] =	stream.linear.gather [hbm4b:s13+s2], $0x500, $0x38;
	[tilespmem:$0x14500] =	vst v63  }
0x5d: {  	_ =	swait.ge [sflag:s3], $0x500  }
0x5e: {  	[sflag:s3] =	ssyncset.done $0x0  }
0x5f: {  	[sflag:s3] =	ssyncadd.s32 $0xFFFFFB00  }
0x60: {  	[tilespmem:s6], [sflag:$0x1] =	stream.indirect.gather [hbm4b:s5+s6], $0x40, s2, s6, $0xb8;
	[tilespmem:$0x14500] =	vst v63  }
0x61: {  	_ =	swait.ge [sflag:s7], $0x14000  }
.Ltmp1:
0x62: {  	[sflag:s7] =	ssyncset.done $0x0;
	(pc) =	sbr.rel @p0 .LBB2_1-.Ltmp1, $4  }
0x63: {  	[sflag:s7] =	ssyncadd.s32 $0xFFFEC000  }
0x64: {  	[hbm4b:s14+s2] =	stream.linear.scatter [tilespmem:s6], [sflag:$0x2], $0x14000, $0x38;
	[tilespmem:$0x14500] =	vst v63  }
0x65: {  	_ =	swait.ge [sflag:s3], $0x14000  }
0x66: {  	[sflag:s3] =	ssyncset.done $0x0  }
.LBB2_2:
0x67: {  	[sflag:s3] =	ssyncadd.s32 $0xFFFEC000  }
0x68: {  	_ =	sfence.sel $0x180000  }
0x69: {  	[bflag:$0x0] =	sbarrier.arrive $0xFFFF  }
0x6a: {  	p0 =	sne.s32 s0, $0x0;
	_ =	strace $0x9000004A  }
0x6b: {  	s0 =	sadd.s32 @!p0 $0x100000, s1;
	[bflag:$0x2] =	sbarrier.arrive $0xFFFF  }
0x6c: {  	[sflag:s0] =	ssyncadd.tile.s32 @!p0 $0x1;
	_ =	shalt  }
.Lfunc_end2:
_tile_overlayer_lowered:
.L_overlay_start_2:
0x6d: {  	(tag) =	ssettag $0x2  }
0x6e: {  	s0 =	rddreg [dreg:$0x0];
	s2 =	stileid.u32  }
0x6f: {  	s1 =	rddreg [dreg:$0x1];
	p0 =	sne.s32 s2, $0x0  }
0x70: {  	s3 =	rddreg [dreg:$0x2];
	[bflag:$0x3] =	sbarrier.arrive $0xFFFF;
	s2 =	simm.s32 @!p0 $0x1C02  }
0x71: {  	[timem:s3], [sflag:s2] =	dma.local @!p0 [hbm:s0], s1  }
0x72: {  	s0 =	simm.s32 @!p0 $0x2  }
0x73: {  	_ =	swait.ge @!p0 [sflag:s0], s1  }
0x74: {  	s1 =	ssub.s32 @!p0 $0x0, s1;
	[sflag:s0] =	ssyncset.done @!p0 $0x0  }
0x75: {  	[sflag:s0] =	ssyncadd.s32 @!p0 s1  }
0x76: {  	[bflag:$0x3] =	sbarrier.arrive $0xFFFF  }
0x77: {  	_ =	shalt  }

// kernel: kernel.17.cloned.1.call-start
scs
__scs_entry_jumppad:
0x0: {  	(pc) =	sbr.rel $0x88, $3  }
0x1: {  	(tag) =	ssettag $0x0;
	lr =	simm.s32 $0x1  }
0x2: {  	[smem:$0x3F7F] =	sst lr;
	_ =	strace $0xD0000000  }
0x3: {  	_ = 	snop  }
0x4: {  	_ = 	snop  }
0x5: {  	_ = 	snop  }
0x6: {  	_ = 	snop  }
0x7: {  	_ = 	snop  }
__scs_overlays_trampoline_lowered:
0x8: {  	[smem:$0x3F8E] =	sst s0  }
0x9: {  	[smem:$0x3F8F] =	sst s1  }
0xa: {  	[smem:$0x3F90] =	sst s2  }
0xb: {  	[smem:$0x3F91] =	sst s3  }
0xc: {  	[smem:$0x3F92] =	sst s4  }
0xd: {  	[smem:$0x3F93] =	sst s5  }
0xe: {  	[smem:$0x3F94] =	sst s6  }
0xf: {  	[smem:$0x3F95] =	sst s7  }
0x10: {  	[smem:$0x3F96] =	sst s8  }
0x11: {  	[smem:$0x3F97] =	sst s9;
	s0 =	simm.s32 @!p0 $0x0  }
0x12: {  	s1 =	sld [smem:$0x3F7D];
	s0 =	simm.s32 @p0 $0x1  }
0x13: {  	[smem:$0x3F98] =	sst s0;
	s0 =	simm.s32 @!p1 $0x0  }
0x14: {  	s2 =	sld [smem:$0x3F7C];
	s0 =	simm.s32 @p1 $0x1  }
0x15: {  	[smem:$0x3F99] =	sst s0;
	s0 =	simm.s32 @!p2 $0x0  }
0x16: {  	s3 =	sld [smem:$0x3FDB];
	s0 =	simm.s32 @p2 $0x1  }
0x17: {  	s4 =	simm.s32 $0x1BF5;
	[smem:$0x3F9B] =	sst s0  }
0x18: {  	s0 =	sld [smem:$0x3F7E];
	_ =	swait.ge [sflag:s4], $0x0  }
0x19: {  	s7 =	sld [smem:$0x3F7F]  }
0x1a: {  	s8 =	sadd.s32 $0xFFFFE003, lr  }
0x1b: {  	s9 =	sadd.s32 $0xFFFFFEF7, lr;
	s5 =	simm.s32 $0xFFFFFFFF;
	p2 =	slt.u32 s8, $0xFFFFF086  }
0x1c: {  	p1 =	slt.u32 s9, $0xF7A;
	s5 =	simm.s32 @!p2 $0x0  }
0x1d: {  	s5 =	simm.s32 @p1 $0x1;
	p0 =	seq.s32 s7, s2  }
0x1e: {  	s7 =	smul.u32 @!p0 $0xF7A, s2;
	p2 =	seq.s32 @!p0 s5, $0x0  }
0x1f: {  	s9 =	smul.u32 $0xF7A, s1;
	s8 =	simm.s32 @!p0 $0x1BF5;
	p2 =	por !p2, p0  }
0x20: {  	[sflag:s8] =	ssyncset.s32 @!p0 $0xFFFFF086;
	s6 =	sadd.s32 @!p0 s3, s7;
	s7 =	simm.s32 @!p0 $0x108  }
0x21: {  	s3 =	sadd.s32 s3, s9;
	s6 =	sadd.s32 @!p0 $0x88, s6;
	s7 =	simm.s32 @p2 $0x1082  }
0x22: {  	[simem:s7], [sflag:s8] =	dma.local @!p0 [hbm:s6], $0xF7A  }
0x23: {  	s9 =	sor.u32 $0xD0000000, s2;
	s6 =	simm.s32 $0x108;
	_ =	swait.ge @!p0 [sflag:s8], $0x0  }
0x24: {  	s3 =	sadd.s32 $0x88, s3;
	s6 =	simm.s32 @!p1 $0x1082;
	[sflag:s4] =	ssyncset.s32 $0xFFFFF086  }
0x25: {  	[simem:s6], [sflag:s4] =	dma.local [hbm:s3], $0xF7A  }
0x26: {  	[smem:$0x3F7F] =	sst s1;
	(tag) =	ssettag s2;
	_ =	strace s9  }
0x27: {  	s1 =	sld [smem:$0x3F8F]  }
0x28: {  	s2 =	sld [smem:$0x3F90]  }
0x29: {  	s4 =	sld [smem:$0x3F92]  }
0x2a: {  	p0 =	seq.s32 s5, $0x0;
	s5 =	sld [smem:$0x3F93]  }
0x2b: {  	s6 =	sld [smem:$0x3F94]  }
0x2c: {  	s7 =	sld [smem:$0x3F95]  }
0x2d: {  	s3 =	simm.s32 $0x108;
	s8 =	sld [smem:$0x3F96]  }
0x2e: {  	s3 =	simm.s32 @!p0 $0x1082;
	s9 =	sld [smem:$0x3F97]  }
0x2f: {  	lr =	sadd.s32 s0, s3;
	s0 =	sld [smem:$0x3F8E]  }
0x30: {  	s3 =	sld [smem:$0x3F91]  }
0x31: {  	[smem:$0x3F9A] =	sst s10  }
0x32: {  	s10 =	sld [smem:$0x3F98];
	_ =	sdelay $0x3  }
0x33: {  	p0 =	seq.s32 s10, $0x1;
	s10 =	sld [smem:$0x3F9A];
	_ =	sdelay $0x3  }
0x34: {  	[smem:$0x3F9A] =	sst s10  }
0x35: {  	s10 =	sld [smem:$0x3F99];
	_ =	sdelay $0x3  }
0x36: {  	p1 =	seq.s32 s10, $0x1;
	s10 =	sld [smem:$0x3F9A];
	_ =	sdelay $0x3  }
0x37: {  	[smem:$0x3F9A] =	sst s10  }
0x38: {  	s10 =	sld [smem:$0x3F9B]  }
0x39: {  	_ = 	snop;
	(pc) =	sbr.ind lr, $3  }
0x3a: {  	_ = 	snop  }
0x3b: {  	_ = 	snop  }
0x3c: {  	p2 =	seq.s32 s10, $0x1;
	s10 =	sld [smem:$0x3F9A]  }
0x3d: {  	_ =	shalt  }
0x3e: {  	_ =	shalt  }
0x3f: {  	_ =	shalt  }
0x40: {  	_ =	shalt  }
0x41: {  	_ =	shalt  }
0x42: {  	_ =	shalt  }
0x43: {  	_ =	shalt  }
0x44: {  	_ =	shalt  }
0x45: {  	_ =	shalt  }
0x46: {  	_ =	shalt  }
0x47: {  	_ =	shalt  }
0x48: {  	_ =	shalt  }
0x49: {  	_ =	shalt  }
0x4a: {  	_ =	shalt  }
0x4b: {  	_ =	shalt  }
0x4c: {  	_ =	shalt  }
0x4d: {  	_ =	shalt  }
0x4e: {  	_ =	shalt  }
0x4f: {  	_ =	shalt  }
0x50: {  	_ =	shalt  }
0x51: {  	_ =	shalt  }
0x52: {  	_ =	shalt  }
0x53: {  	_ =	shalt  }
0x54: {  	_ =	shalt  }
0x55: {  	_ =	shalt  }
0x56: {  	_ =	shalt  }
0x57: {  	_ =	shalt  }
0x58: {  	_ =	shalt  }
0x59: {  	_ =	shalt  }
0x5a: {  	_ =	shalt  }
0x5b: {  	_ =	shalt  }
0x5c: {  	_ =	shalt  }
0x5d: {  	_ =	shalt  }
0x5e: {  	_ =	shalt  }
0x5f: {  	_ =	shalt  }
0x60: {  	_ =	shalt  }
0x61: {  	_ =	shalt  }
0x62: {  	_ =	shalt  }
0x63: {  	_ =	shalt  }
0x64: {  	_ =	shalt  }
0x65: {  	_ =	shalt  }
0x66: {  	_ =	shalt  }
0x67: {  	_ =	shalt  }
0x68: {  	_ =	shalt  }
0x69: {  	_ =	shalt  }
0x6a: {  	_ =	shalt  }
0x6b: {  	_ =	shalt  }
0x6c: {  	_ =	shalt  }
0x6d: {  	_ =	shalt  }
0x6e: {  	_ =	shalt  }
0x6f: {  	_ =	shalt  }
0x70: {  	_ =	shalt  }
0x71: {  	_ =	shalt  }
0x72: {  	_ =	shalt  }
0x73: {  	_ =	shalt  }
0x74: {  	_ =	shalt  }
0x75: {  	_ =	shalt  }
0x76: {  	_ =	shalt  }
0x77: {  	_ =	shalt  }
0x78: {  	_ =	shalt  }
0x79: {  	_ =	shalt  }
0x7a: {  	_ =	shalt  }
0x7b: {  	_ =	shalt  }
0x7c: {  	_ =	shalt  }
0x7d: {  	_ =	shalt  }
0x7e: {  	_ =	shalt  }
0x7f: {  	_ =	shalt  }
0x80: {  	_ =	shalt  }
0x81: {  	_ =	shalt  }
0x82: {  	_ =	shalt  }
0x83: {  	_ =	shalt  }
0x84: {  	_ =	shalt  }
0x85: {  	_ =	shalt  }
0x86: {  	_ =	shalt  }
0x87: {  	_ =	shalt  }
.Lfunc_end0:
.L_simem_size_0:
called_computation.2_lowered:
.L_overlay_start_0:
0x88: {  	s2 =	sld [smem:$0x3FD9]  }
0x89: {  	s3 =	sld [smem:$0x3FFE];
	_ =	sdelay $0x1  }
0x8a: {  	s1 =	srdreg.scid  }
0x8b: {  	s0 =	sand.u32 $0x1, s1  }
0x8c: {  	s14 =	sshll.u32 s0, $0xA;
	s2 =	sadd.s32 s3, s2  }
0x8d: {  	s2 =	sadd.s32 s2, s14  }
0x8e: {  	[smem:$0x3FA6] =	sst s2  }
0x8f: {  	_ = 	snop  }
0x90: {  	s2 =	sld [smem:$0x3FD0];
	_ =	sdelay $0x2  }
0x91: {  	s15 =	simm.s32 $0xA;
	s4 =	simm.s32 $0x10  }
0x92: {  	[smem:s4], [sflag:s15] =	dma.local [hbm:s2], $0x1  }
0x93: {  	_ =	swait.eq [sflag:s15], $0x1  }
0x94: {  	[sflag:s15] =	ssyncset.done $0x0  }
0x95: {  	[sflag:s15] =	ssyncadd.s32 $0xFFFFFFFF  }
0x96: {  	s16 =	sld [smem:$0x10];
	(tm) =	ssettm $0x1  }
0x97: {  	s17 =	sld [smem:$0x3FFB];
	_ =	sdelay $0x3  }
0x98: {  	_ =	strace s17  }
0x99: {  	s3 =	sld [smem:$0x3FFC];
	_ =	sdelay $0x3  }
0x9a: {  	_ =	strace s3  }
0x9b: {  	s3 =	sld [smem:$0x3FFD];
	_ =	sdelay $0x3  }
0x9c: {  	_ =	strace s3  }
0x9d: {  	_ =	strace $0x8FFFFFFF  }
0x9e: {  	s18 =	sld [smem:$0x3FDB];
	_ =	sdelay $0x1  }
0x9f: {  	s19 =	simm.s32 $_scs_section_size  }
0xa0: {  	s5 =	simm.s32 $_size__tile_overlayer_lowered;
	s6 =	simm.s32 $_tile_overlayer_lowered  }
0xa1: {  	s22 =	simm.s32 $0x1BFF;
	s21 =	sshll.u32 s6, $0x1;
	s3 =	sadd.s32 s19, s18  }
0xa2: {  	s7 =	simm.s32 $0x0;
	s20 =	sshll.u32 s5, $0x1;
	s5 =	sadd.s32 s21, s3  }
0xa3: {  	[timem:s7], [sflag:s22] =	dma.local [hbm:s5], s20  }
0xa4: {  	_ =	swait.ge [sflag:s22], s20  }
0xa5: {  	s4 =	ssub.s32 $0x0, s20;
	[sflag:s22] =	ssyncset.done $0x0  }
0xa6: {  	[sflag:s22] =	ssyncadd.s32 s4;
	_ =	sdelay $0x1  }
0xa7: {  	s23 =	simm.s32 $0x1B8B  }
0xa8: {  	_ =	swait.ge [sflag:s23], $0x1  }
0xa9: {  	[sflag:s23] =	ssyncset.done $0x0  }
0xaa: {  	s25 =	simm.s32 $0x1B8E;
	s24 =	sld [smem:$0x3FFE];
	[sflag:s23] =	ssyncadd.s32 $0xFFFFFFFF  }
0xab: {  	s26 =	simm.s32 $execute0_lowered;
	[smem:$0x3FD2] =	sst s25  }
0xac: {  	s5 =	sshll.u32 s26, $0x1;
	_ =	strace $0x8000004C;
	[dreg:$0x1] =	wrdreg $0xFFFFFFFF  }
0xad: {  	s28 =	simm.s32 $_size_execute0_lowered;
	s3 =	sadd.s32 s3, s5;
	[dreg:$0x0] =	wrdreg $0x0  }
0xae: {  	s5 =	sshll.u32 s28, $0x1;
	[dreg:$0x2] =	wrdreg s3  }
0xaf: {  	[dreg:$0x3] =	wrdreg s5  }
0xb0: {  	[dreg:$0x4] =	wrdreg $0xC0  }
0xb1: {  	_ =	task [dreg:s7], $0x5FFFF  }
0xb2: {  	[dreg:$0x1] =	wrdreg $0xFFFFFFFF  }
0xb3: {  	[dreg:$0x0] =	wrdreg $0x60  }
0xb4: {  	[dreg:$0x2] =	wrdreg s16  }
0xb5: {  	[dreg:$0x3] =	wrdreg s24  }
0xb6: {  	[dreg:$0x4] =	wrdreg $0x9  }
0xb7: {  	_ =	task.clear_ibuf [dreg:s7], $0x5FFFF;
	_ =	strace $0x9000004C  }
0xb8: {  	s29 =	simm.s32 $0x9;
	_ =	strace $0x8000004E  }
0xb9: {  	_ =	swait.ge [sflag:s29], $0x1  }
0xba: {  	[sflag:s29] =	ssyncadd.s32 $0xFFFFFFFF  }
0xbb: {  	_ =	strace $0x9000004E  }
0xbc: {  	_ =	sfence  }
0xbd: {  	s30 =	sld [smem:$0x0];
	_ =	sdelay $0x2  }
0xbe: {  	s31 =	sshll.u32 s1, $0xD;
	s1 =	sshrl.u32 s1, $0x2  }
0xbf: {  	s3 =	sand.u32 $0x4000, s31;
	s1 =	sadd.s32 s1, s30  }
0xc0: {  	s0 =	sor.u32 s3, s0;
	s1 =	sshll.u32 s1, $0x11  }
0xc1: {  	s0 =	sor.u32 s1, s0  }
0xc2: {  	s0 =	sadd.s32 $0x8F2B, s0  }
0xc3: {  	[sflag:s0] =	ssyncadd.remote.s32 $0x1  }
0xc4: {  	_ =	sfence.sel $0xFFFF  }
0xc5: {  	[dreg:$0x0] =	wrdreg $0xFFFFFFFF;
	(pc) =	sbr.abs _section_cstart, $3  }
0xc6: {  	[dreg:$0x1] =	wrdreg $0xFFFFFFFF  }
0xc7: {  	_ =	task.clear_ibuf [dreg:s7], $0x2FFFF;
	_ =	strace $0x9FFFFFFF  }
0xc8: {  	(tm) =	ssettm $0x7FFFFFFF  }
0xc9: {  	_ =	shalt  }
tec
execute0_lowered:
.L_overlay_start_1:
0x0: {  	(tag) =	ssettag $0x1  }
0x1: {  	s1 =	srdreg.scid;
	s0 =	stileid.u32  }
0x2: {  	s14 =	sand.u32 $0x1, s1;
	s28 =	sshll.u32 s0, $0x1  }
0x3: {  	s2 =	rddreg [dreg:$0x0];
	s8 =	sor.u32 s14, s28  }
0x4: {  	s9 =	rddreg [dreg:$0x1];
	s13 =	smul.u32 $0x1400, s8  }
0x5: {  	s3 =	simm.s32 $0x0;
	s1 =	rddreg [dreg:$0x2]  }
0x6: {  	[smem:$0x7FF] =	sst s3;
	s15 =	sadd.s32 $0x7400, s9;
	s4 =	sshrl.u32 s13, $0x3  }
0x7: {  	_ =	strace $0x8000004D;
	s5 =	sadd.s32 s15, s4;
	s4 =	simm.s32 $0x2  }
0x8: {  	[tilespmem:s3], [sflag:$0x2] =	stream.linear.gather [hbm4b:s5+s3], $0x500, $0x38;
	[tilespmem:$0xA500] =	vst v63  }
0x9: {  	_ =	swait.ge [sflag:s4], $0x500  }
0xa: {  	[sflag:s4] =	ssyncset.done $0x0  }
0xb: {  	s6 =	simm.s32 $0x500;
	s7 =	simm.s32 $0x1;
	[sflag:s4] =	ssyncadd.s32 $0xFFFFFB00  }
0xc: {  	[tilespmem:s6], [sflag:$0x1] =	stream.indirect.gather [hbm4b:s2+s6], $0x20, s3, s6, $0xb8;
	[tilespmem:$0xA500] =	vst v63  }
0xd: {  	s8 =	smul.u32 $0x5000, s8;
	_ =	swait.ge [sflag:s7], $0xA000  }
0xe: {  	s16 =	sadd.s32 $0xC400, s9;
	[sflag:s7] =	ssyncset.done $0x0  }
0xf: {  	s8 =	sadd.s32 s16, s8;
	[sflag:s7] =	ssyncadd.s32 $0xFFFF6000  }
0x10: {  	[hbm4b:s8+s3] =	stream.linear.scatter [tilespmem:s6], [sflag:$0x2], $0xA000, $0x38;
	[tilespmem:$0xA500] =	vst v63  }
0x11: {  	s10 =	sadd.s32 $0x500, s13;
	_ =	swait.ge [sflag:s4], $0xA000  }
0x12: {  	s29 =	sshrl.u32 s10, $0x3;
	[sflag:s4] =	ssyncset.done $0x0  }
0x13: {  	s9 =	sadd.s32 s15, s29;
	[sflag:s4] =	ssyncadd.s32 $0xFFFF6000  }
0x14: {  	[tilespmem:s3], [sflag:$0x2] =	stream.linear.gather [hbm4b:s9+s3], $0x500, $0x38;
	[tilespmem:$0xA500] =	vst v63  }
0x15: {  	_ =	swait.ge [sflag:s4], $0x500  }
0x16: {  	[sflag:s4] =	ssyncset.done $0x0  }
0x17: {  	[sflag:s4] =	ssyncadd.s32 $0xFFFFFB00  }
0x18: {  	[tilespmem:s6], [sflag:$0x1] =	stream.indirect.gather [hbm4b:s2+s6], $0x20, s3, s6, $0xb8;
	[tilespmem:$0xA500] =	vst v63  }
0x19: {  	_ =	swait.ge [sflag:s7], $0xA000  }
0x1a: {  	s10 =	sshll.u32 s10, $0x2;
	[sflag:s7] =	ssyncset.done $0x0  }
0x1b: {  	s10 =	sadd.s32 s16, s10;
	[sflag:s7] =	ssyncadd.s32 $0xFFFF6000  }
0x1c: {  	[hbm4b:s10+s3] =	stream.linear.scatter [tilespmem:s6], [sflag:$0x2], $0xA000, $0x38;
	[tilespmem:$0xA500] =	vst v63  }
0x1d: {  	s12 =	sadd.s32 $0xA00, s13;
	_ =	swait.ge [sflag:s4], $0xA000  }
0x1e: {  	s11 =	sshrl.u32 s12, $0x3;
	[sflag:s4] =	ssyncset.done $0x0  }
0x1f: {  	s11 =	sadd.s32 s15, s11;
	[sflag:s4] =	ssyncadd.s32 $0xFFFF6000  }
0x20: {  	[tilespmem:s3], [sflag:$0x2] =	stream.linear.gather [hbm4b:s11+s3], $0x500, $0x38;
	[tilespmem:$0xA500] =	vst v63  }
0x21: {  	_ =	swait.ge [sflag:s4], $0x500  }
0x22: {  	[sflag:s4] =	ssyncset.done $0x0  }
0x23: {  	[sflag:s4] =	ssyncadd.s32 $0xFFFFFB00  }
0x24: {  	[tilespmem:s6], [sflag:$0x1] =	stream.indirect.gather [hbm4b:s2+s6], $0x20, s3, s6, $0xb8;
	[tilespmem:$0xA500] =	vst v63  }
0x25: {  	_ =	swait.ge [sflag:s7], $0xA000  }
0x26: {  	s12 =	sshll.u32 s12, $0x2;
	[sflag:s7] =	ssyncset.done $0x0  }
0x27: {  	s12 =	sadd.s32 s16, s12;
	[sflag:s7] =	ssyncadd.s32 $0xFFFF6000  }
0x28: {  	[hbm4b:s12+s3] =	stream.linear.scatter [tilespmem:s6], [sflag:$0x2], $0xA000, $0x38;
	[tilespmem:$0xA500] =	vst v63  }
0x29: {  	s17 =	sadd.s32 $0xF00, s13;
	_ =	swait.ge [sflag:s4], $0xA000  }
0x2a: {  	s13 =	sshrl.u32 s17, $0x3;
	[sflag:s4] =	ssyncset.done $0x0  }
0x2b: {  	s14 =	ssub.s32 $0x2, s14;
	s13 =	sadd.s32 s15, s13;
	[sflag:s4] =	ssyncadd.s32 $0xFFFF6000  }
0x2c: {  	[tilespmem:s3], [sflag:$0x2] =	stream.linear.gather [hbm4b:s13+s3], $0x500, $0x38;
	[tilespmem:$0xA500] =	vst v63  }
0x2d: {  	s30 =	sshrl.u32 s14, $0x1;
	_ =	swait.ge [sflag:s4], $0x500  }
0x2e: {  	s15 =	ssub.s32 s14, s30;
	[sflag:s4] =	ssyncset.done $0x0  }
0x2f: {  	s15 =	smax.u32 s15, $0x1;
	[sflag:s4] =	ssyncadd.s32 $0xFFFFFB00  }
0x30: {  	[tilespmem:s6], [sflag:$0x1] =	stream.indirect.gather [hbm4b:s2+s6], $0x20, s3, s6, $0xb8;
	[tilespmem:$0xA500] =	vst v63  }
0x31: {  	p0 =	sne.s32 s15, $0x1;
	_ =	swait.ge [sflag:s7], $0xA000  }
.Ltmp0:
0x32: {  	s31 =	sshll.u32 s17, $0x2;
	[sflag:s7] =	ssyncset.done $0x0;
	(pc) =	sbr.rel @!p0 .LBB2_2-.Ltmp0, $4  }
0x33: {  	s14 =	sadd.s32 s16, s31;
	[sflag:s7] =	ssyncadd.s32 $0xFFFF6000  }
0x34: {  	[hbm4b:s14+s3] =	stream.linear.scatter [tilespmem:s6], [sflag:$0x2], $0xA000, $0x38;
	[tilespmem:$0xA500] =	vst v63  }
0x35: {  	_ =	swait.ge [sflag:s4], $0xA000  }
0x36: {  	s15 =	sadd.s32 $0xFFFFFFFF, s15;
	[sflag:s4] =	ssyncset.done $0x0  }
.LBB2_1:
0x37: {  	p0 =	sne.s32 s15, $0x1;
	s15 =	sadd.s32 $0xFFFFFFFF, s15;
	[sflag:s4] =	ssyncadd.s32 $0xFFFF6000  }
0x38: {  	[tilespmem:s3], [sflag:$0x2] =	stream.linear.gather [hbm4b:s5+s3], $0x500, $0x38;
	[tilespmem:$0xA500] =	vst v63  }
0x39: {  	_ =	swait.ge [sflag:s4], $0x500  }
0x3a: {  	[sflag:s4] =	ssyncset.done $0x0  }
0x3b: {  	[sflag:s4] =	ssyncadd.s32 $0xFFFFFB00  }
0x3c: {  	[tilespmem:s6], [sflag:$0x1] =	stream.indirect.gather [hbm4b:s2+s6], $0x20, s3, s6, $0xb8;
	[tilespmem:$0xA500] =	vst v63  }
0x3d: {  	_ =	swait.ge [sflag:s7], $0xA000  }
0x3e: {  	[sflag:s7] =	ssyncset.done $0x0  }
0x3f: {  	[sflag:s7] =	ssyncadd.s32 $0xFFFF6000  }
0x40: {  	[hbm4b:s8+s3] =	stream.linear.scatter [tilespmem:s6], [sflag:$0x2], $0xA000, $0x38;
	[tilespmem:$0xA500] =	vst v63  }
0x41: {  	_ =	swait.ge [sflag:s4], $0xA000  }
0x42: {  	[sflag:s4] =	ssyncset.done $0x0  }
0x43: {  	[sflag:s4] =	ssyncadd.s32 $0xFFFF6000  }
0x44: {  	[tilespmem:s3], [sflag:$0x2] =	stream.linear.gather [hbm4b:s9+s3], $0x500, $0x38;
	[tilespmem:$0xA500] =	vst v63  }
0x45: {  	_ =	swait.ge [sflag:s4], $0x500  }
0x46: {  	[sflag:s4] =	ssyncset.done $0x0  }
0x47: {  	[sflag:s4] =	ssyncadd.s32 $0xFFFFFB00  }
0x48: {  	[tilespmem:s6], [sflag:$0x1] =	stream.indirect.gather [hbm4b:s2+s6], $0x20, s3, s6, $0xb8;
	[tilespmem:$0xA500] =	vst v63  }
0x49: {  	_ =	swait.ge [sflag:s7], $0xA000  }
0x4a: {  	[sflag:s7] =	ssyncset.done $0x0  }
0x4b: {  	[sflag:s7] =	ssyncadd.s32 $0xFFFF6000  }
0x4c: {  	[hbm4b:s10+s3] =	stream.linear.scatter [tilespmem:s6], [sflag:$0x2], $0xA000, $0x38;
	[tilespmem:$0xA500] =	vst v63  }
0x4d: {  	_ =	swait.ge [sflag:s4], $0xA000  }
0x4e: {  	[sflag:s4] =	ssyncset.done $0x0  }
0x4f: {  	[sflag:s4] =	ssyncadd.s32 $0xFFFF6000  }
0x50: {  	[tilespmem:s3], [sflag:$0x2] =	stream.linear.gather [hbm4b:s11+s3], $0x500, $0x38;
	[tilespmem:$0xA500] =	vst v63  }
0x51: {  	_ =	swait.ge [sflag:s4], $0x500  }
0x52: {  	[sflag:s4] =	ssyncset.done $0x0  }
0x53: {  	[sflag:s4] =	ssyncadd.s32 $0xFFFFFB00  }
0x54: {  	[tilespmem:s6], [sflag:$0x1] =	stream.indirect.gather [hbm4b:s2+s6], $0x20, s3, s6, $0xb8;
	[tilespmem:$0xA500] =	vst v63  }
0x55: {  	_ =	swait.ge [sflag:s7], $0xA000  }
0x56: {  	[sflag:s7] =	ssyncset.done $0x0  }
0x57: {  	[sflag:s7] =	ssyncadd.s32 $0xFFFF6000  }
0x58: {  	[hbm4b:s12+s3] =	stream.linear.scatter [tilespmem:s6], [sflag:$0x2], $0xA000, $0x38;
	[tilespmem:$0xA500] =	vst v63  }
0x59: {  	_ =	swait.ge [sflag:s4], $0xA000  }
0x5a: {  	[sflag:s4] =	ssyncset.done $0x0  }
0x5b: {  	[sflag:s4] =	ssyncadd.s32 $0xFFFF6000  }
0x5c: {  	[tilespmem:s3], [sflag:$0x2] =	stream.linear.gather [hbm4b:s13+s3], $0x500, $0x38;
	[tilespmem:$0xA500] =	vst v63  }
0x5d: {  	_ =	swait.ge [sflag:s4], $0x500  }
0x5e: {  	[sflag:s4] =	ssyncset.done $0x0  }
0x5f: {  	[sflag:s4] =	ssyncadd.s32 $0xFFFFFB00  }
0x60: {  	[tilespmem:s6], [sflag:$0x1] =	stream.indirect.gather [hbm4b:s2+s6], $0x20, s3, s6, $0xb8;
	[tilespmem:$0xA500] =	vst v63  }
0x61: {  	_ =	swait.ge [sflag:s7], $0xA000  }
.Ltmp1:
0x62: {  	[sflag:s7] =	ssyncset.done $0x0;
	(pc) =	sbr.rel @p0 .LBB2_1-.Ltmp1, $4  }
0x63: {  	[sflag:s7] =	ssyncadd.s32 $0xFFFF6000  }
0x64: {  	[hbm4b:s14+s3] =	stream.linear.scatter [tilespmem:s6], [sflag:$0x2], $0xA000, $0x38;
	[tilespmem:$0xA500] =	vst v63  }
0x65: {  	_ =	swait.ge [sflag:s4], $0xA000  }
0x66: {  	[sflag:s4] =	ssyncset.done $0x0  }
.LBB2_2:
0x67: {  	[sflag:s4] =	ssyncadd.s32 $0xFFFF6000  }
0x68: {  	_ =	sfence.sel $0x180000  }
0x69: {  	[bflag:$0x0] =	sbarrier.arrive $0xFFFF  }
0x6a: {  	p0 =	sne.s32 s0, $0x0;
	_ =	strace $0x9000004D  }
0x6b: {  	s0 =	sadd.s32 @!p0 $0x100000, s1;
	[bflag:$0x2] =	sbarrier.arrive $0xFFFF  }
0x6c: {  	[sflag:s0] =	ssyncadd.tile.s32 @!p0 $0x1;
	_ =	shalt  }
.Lfunc_end2:
_tile_overlayer_lowered:
.L_overlay_start_2:
0x6d: {  	(tag) =	ssettag $0x2  }
0x6e: {  	s0 =	rddreg [dreg:$0x0];
	s2 =	stileid.u32  }
0x6f: {  	s1 =	rddreg [dreg:$0x1];
	p0 =	sne.s32 s2, $0x0  }
0x70: {  	s3 =	rddreg [dreg:$0x2];
	[bflag:$0x3] =	sbarrier.arrive $0xFFFF;
	s2 =	simm.s32 @!p0 $0x1C02  }
0x71: {  	[timem:s3], [sflag:s2] =	dma.local @!p0 [hbm:s0], s1  }
0x72: {  	s0 =	simm.s32 @!p0 $0x2  }
0x73: {  	_ =	swait.ge @!p0 [sflag:s0], s1  }
0x74: {  	s1 =	ssub.s32 @!p0 $0x0, s1;
	[sflag:s0] =	ssyncset.done @!p0 $0x0  }
0x75: {  	[sflag:s0] =	ssyncadd.s32 @!p0 s1  }
0x76: {  	[bflag:$0x3] =	sbarrier.arrive $0xFFFF  }
0x77: {  	_ =	shalt  }

// kernel: kernel.20.cloned.1.call-start
scs
__scs_entry_jumppad:
0x0: {  	(pc) =	sbr.rel $0x88, $3  }
0x1: {  	(tag) =	ssettag $0x0;
	lr =	simm.s32 $0x1  }
0x2: {  	[smem:$0x3F7F] =	sst lr;
	_ =	strace $0xD0000000  }
0x3: {  	_ = 	snop  }
0x4: {  	_ = 	snop  }
0x5: {  	_ = 	snop  }
0x6: {  	_ = 	snop  }
0x7: {  	_ = 	snop  }
__scs_overlays_trampoline_lowered:
0x8: {  	[smem:$0x3F8E] =	sst s0  }
0x9: {  	[smem:$0x3F8F] =	sst s1  }
0xa: {  	[smem:$0x3F90] =	sst s2  }
0xb: {  	[smem:$0x3F91] =	sst s3  }
0xc: {  	[smem:$0x3F92] =	sst s4  }
0xd: {  	[smem:$0x3F93] =	sst s5  }
0xe: {  	[smem:$0x3F94] =	sst s6  }
0xf: {  	[smem:$0x3F95] =	sst s7  }
0x10: {  	[smem:$0x3F96] =	sst s8  }
0x11: {  	[smem:$0x3F97] =	sst s9;
	s0 =	simm.s32 @!p0 $0x0  }
0x12: {  	s1 =	sld [smem:$0x3F7D];
	s0 =	simm.s32 @p0 $0x1  }
0x13: {  	[smem:$0x3F98] =	sst s0;
	s0 =	simm.s32 @!p1 $0x0  }
0x14: {  	s2 =	sld [smem:$0x3F7C];
	s0 =	simm.s32 @p1 $0x1  }
0x15: {  	[smem:$0x3F99] =	sst s0;
	s0 =	simm.s32 @!p2 $0x0  }
0x16: {  	s3 =	sld [smem:$0x3FDB];
	s0 =	simm.s32 @p2 $0x1  }
0x17: {  	s4 =	simm.s32 $0x1BF5;
	[smem:$0x3F9B] =	sst s0  }
0x18: {  	s0 =	sld [smem:$0x3F7E];
	_ =	swait.ge [sflag:s4], $0x0  }
0x19: {  	s7 =	sld [smem:$0x3F7F]  }
0x1a: {  	s8 =	sadd.s32 $0xFFFFE003, lr  }
0x1b: {  	s9 =	sadd.s32 $0xFFFFFEF7, lr;
	s5 =	simm.s32 $0xFFFFFFFF;
	p2 =	slt.u32 s8, $0xFFFFF086  }
0x1c: {  	p1 =	slt.u32 s9, $0xF7A;
	s5 =	simm.s32 @!p2 $0x0  }
0x1d: {  	s5 =	simm.s32 @p1 $0x1;
	p0 =	seq.s32 s7, s2  }
0x1e: {  	s7 =	smul.u32 @!p0 $0xF7A, s2;
	p2 =	seq.s32 @!p0 s5, $0x0  }
0x1f: {  	s9 =	smul.u32 $0xF7A, s1;
	s8 =	simm.s32 @!p0 $0x1BF5;
	p2 =	por !p2, p0  }
0x20: {  	[sflag:s8] =	ssyncset.s32 @!p0 $0xFFFFF086;
	s6 =	sadd.s32 @!p0 s3, s7;
	s7 =	simm.s32 @!p0 $0x108  }
0x21: {  	s3 =	sadd.s32 s3, s9;
	s6 =	sadd.s32 @!p0 $0x88, s6;
	s7 =	simm.s32 @p2 $0x1082  }
0x22: {  	[simem:s7], [sflag:s8] =	dma.local @!p0 [hbm:s6], $0xF7A  }
0x23: {  	s9 =	sor.u32 $0xD0000000, s2;
	s6 =	simm.s32 $0x108;
	_ =	swait.ge @!p0 [sflag:s8], $0x0  }
0x24: {  	s3 =	sadd.s32 $0x88, s3;
	s6 =	simm.s32 @!p1 $0x1082;
	[sflag:s4] =	ssyncset.s32 $0xFFFFF086  }
0x25: {  	[simem:s6], [sflag:s4] =	dma.local [hbm:s3], $0xF7A  }
0x26: {  	[smem:$0x3F7F] =	sst s1;
	(tag) =	ssettag s2;
	_ =	strace s9  }
0x27: {  	s1 =	sld [smem:$0x3F8F]  }
0x28: {  	s2 =	sld [smem:$0x3F90]  }
0x29: {  	s4 =	sld [smem:$0x3F92]  }
0x2a: {  	p0 =	seq.s32 s5, $0x0;
	s5 =	sld [smem:$0x3F93]  }
0x2b: {  	s6 =	sld [smem:$0x3F94]  }
0x2c: {  	s7 =	sld [smem:$0x3F95]  }
0x2d: {  	s3 =	simm.s32 $0x108;
	s8 =	sld [smem:$0x3F96]  }
0x2e: {  	s3 =	simm.s32 @!p0 $0x1082;
	s9 =	sld [smem:$0x3F97]  }
0x2f: {  	lr =	sadd.s32 s0, s3;
	s0 =	sld [smem:$0x3F8E]  }
0x30: {  	s3 =	sld [smem:$0x3F91]  }
0x31: {  	[smem:$0x3F9A] =	sst s10  }
0x32: {  	s10 =	sld [smem:$0x3F98];
	_ =	sdelay $0x3  }
0x33: {  	p0 =	seq.s32 s10, $0x1;
	s10 =	sld [smem:$0x3F9A];
	_ =	sdelay $0x3  }
0x34: {  	[smem:$0x3F9A] =	sst s10  }
0x35: {  	s10 =	sld [smem:$0x3F99];
	_ =	sdelay $0x3  }
0x36: {  	p1 =	seq.s32 s10, $0x1;
	s10 =	sld [smem:$0x3F9A];
	_ =	sdelay $0x3  }
0x37: {  	[smem:$0x3F9A] =	sst s10  }
0x38: {  	s10 =	sld [smem:$0x3F9B]  }
0x39: {  	_ = 	snop;
	(pc) =	sbr.ind lr, $3  }
0x3a: {  	_ = 	snop  }
0x3b: {  	_ = 	snop  }
0x3c: {  	p2 =	seq.s32 s10, $0x1;
	s10 =	sld [smem:$0x3F9A]  }
0x3d: {  	_ =	shalt  }
0x3e: {  	_ =	shalt  }
0x3f: {  	_ =	shalt  }
0x40: {  	_ =	shalt  }
0x41: {  	_ =	shalt  }
0x42: {  	_ =	shalt  }
0x43: {  	_ =	shalt  }
0x44: {  	_ =	shalt  }
0x45: {  	_ =	shalt  }
0x46: {  	_ =	shalt  }
0x47: {  	_ =	shalt  }
0x48: {  	_ =	shalt  }
0x49: {  	_ =	shalt  }
0x4a: {  	_ =	shalt  }
0x4b: {  	_ =	shalt  }
0x4c: {  	_ =	shalt  }
0x4d: {  	_ =	shalt  }
0x4e: {  	_ =	shalt  }
0x4f: {  	_ =	shalt  }
0x50: {  	_ =	shalt  }
0x51: {  	_ =	shalt  }
0x52: {  	_ =	shalt  }
0x53: {  	_ =	shalt  }
0x54: {  	_ =	shalt  }
0x55: {  	_ =	shalt  }
0x56: {  	_ =	shalt  }
0x57: {  	_ =	shalt  }
0x58: {  	_ =	shalt  }
0x59: {  	_ =	shalt  }
0x5a: {  	_ =	shalt  }
0x5b: {  	_ =	shalt  }
0x5c: {  	_ =	shalt  }
0x5d: {  	_ =	shalt  }
0x5e: {  	_ =	shalt  }
0x5f: {  	_ =	shalt  }
0x60: {  	_ =	shalt  }
0x61: {  	_ =	shalt  }
0x62: {  	_ =	shalt  }
0x63: {  	_ =	shalt  }
0x64: {  	_ =	shalt  }
0x65: {  	_ =	shalt  }
0x66: {  	_ =	shalt  }
0x67: {  	_ =	shalt  }
0x68: {  	_ =	shalt  }
0x69: {  	_ =	shalt  }
0x6a: {  	_ =	shalt  }
0x6b: {  	_ =	shalt  }
0x6c: {  	_ =	shalt  }
0x6d: {  	_ =	shalt  }
0x6e: {  	_ =	shalt  }
0x6f: {  	_ =	shalt  }
0x70: {  	_ =	shalt  }
0x71: {  	_ =	shalt  }
0x72: {  	_ =	shalt  }
0x73: {  	_ =	shalt  }
0x74: {  	_ =	shalt  }
0x75: {  	_ =	shalt  }
0x76: {  	_ =	shalt  }
0x77: {  	_ =	shalt  }
0x78: {  	_ =	shalt  }
0x79: {  	_ =	shalt  }
0x7a: {  	_ =	shalt  }
0x7b: {  	_ =	shalt  }
0x7c: {  	_ =	shalt  }
0x7d: {  	_ =	shalt  }
0x7e: {  	_ =	shalt  }
0x7f: {  	_ =	shalt  }
0x80: {  	_ =	shalt  }
0x81: {  	_ =	shalt  }
0x82: {  	_ =	shalt  }
0x83: {  	_ =	shalt  }
0x84: {  	_ =	shalt  }
0x85: {  	_ =	shalt  }
0x86: {  	_ =	shalt  }
0x87: {  	_ =	shalt  }
.Lfunc_end0:
.L_simem_size_0:
called_computation.3_lowered:
.L_overlay_start_0:
0x88: {  	s2 =	sld [smem:$0x3FD9]  }
0x89: {  	s3 =	sld [smem:$0x3FFE];
	_ =	sdelay $0x1  }
0x8a: {  	s1 =	srdreg.scid  }
0x8b: {  	s0 =	sand.u32 $0x1, s1  }
0x8c: {  	s14 =	sshll.u32 s0, $0xA;
	s2 =	sadd.s32 s3, s2  }
0x8d: {  	s2 =	sadd.s32 s2, s14  }
0x8e: {  	[smem:$0x3FA6] =	sst s2  }
0x8f: {  	_ = 	snop  }
0x90: {  	s2 =	sld [smem:$0x3FD0];
	_ =	sdelay $0x2  }
0x91: {  	s15 =	simm.s32 $0xA;
	s4 =	simm.s32 $0x10  }
0x92: {  	[smem:s4], [sflag:s15] =	dma.local [hbm:s2], $0x1  }
0x93: {  	_ =	swait.eq [sflag:s15], $0x1  }
0x94: {  	[sflag:s15] =	ssyncset.done $0x0  }
0x95: {  	[sflag:s15] =	ssyncadd.s32 $0xFFFFFFFF  }
0x96: {  	s16 =	sld [smem:$0x10];
	(tm) =	ssettm $0x1  }
0x97: {  	s17 =	sld [smem:$0x3FFB];
	_ =	sdelay $0x3  }
0x98: {  	_ =	strace s17  }
0x99: {  	s3 =	sld [smem:$0x3FFC];
	_ =	sdelay $0x3  }
0x9a: {  	_ =	strace s3  }
0x9b: {  	s3 =	sld [smem:$0x3FFD];
	_ =	sdelay $0x3  }
0x9c: {  	_ =	strace s3  }
0x9d: {  	_ =	strace $0x8FFFFFFF  }
0x9e: {  	s18 =	sld [smem:$0x3FDB];
	_ =	sdelay $0x1  }
0x9f: {  	s19 =	simm.s32 $_scs_section_size  }
0xa0: {  	s5 =	simm.s32 $_size__tile_overlayer_lowered;
	s6 =	simm.s32 $_tile_overlayer_lowered  }
0xa1: {  	s22 =	simm.s32 $0x1BFF;
	s21 =	sshll.u32 s6, $0x1;
	s3 =	sadd.s32 s19, s18  }
0xa2: {  	s7 =	simm.s32 $0x0;
	s20 =	sshll.u32 s5, $0x1;
	s5 =	sadd.s32 s21, s3  }
0xa3: {  	[timem:s7], [sflag:s22] =	dma.local [hbm:s5], s20  }
0xa4: {  	_ =	swait.ge [sflag:s22], s20  }
0xa5: {  	s4 =	ssub.s32 $0x0, s20;
	[sflag:s22] =	ssyncset.done $0x0  }
0xa6: {  	[sflag:s22] =	ssyncadd.s32 s4;
	_ =	sdelay $0x1  }
0xa7: {  	s23 =	simm.s32 $0x1B8B  }
0xa8: {  	_ =	swait.ge [sflag:s23], $0x1  }
0xa9: {  	[sflag:s23] =	ssyncset.done $0x0  }
0xaa: {  	s25 =	simm.s32 $0x1B8E;
	s24 =	sld [smem:$0x3FFE];
	[sflag:s23] =	ssyncadd.s32 $0xFFFFFFFF  }
0xab: {  	s26 =	simm.s32 $execute0_lowered;
	[smem:$0x3FD2] =	sst s25  }
0xac: {  	s5 =	sshll.u32 s26, $0x1;
	_ =	strace $0x8000004F;
	[dreg:$0x1] =	wrdreg $0xFFFFFFFF  }
0xad: {  	s28 =	simm.s32 $_size_execute0_lowered;
	s3 =	sadd.s32 s3, s5;
	[dreg:$0x0] =	wrdreg $0x0  }
0xae: {  	s5 =	sshll.u32 s28, $0x1;
	[dreg:$0x2] =	wrdreg s3  }
0xaf: {  	[dreg:$0x3] =	wrdreg s5  }
0xb0: {  	[dreg:$0x4] =	wrdreg $0xC0  }
0xb1: {  	_ =	task [dreg:s7], $0x5FFFF  }
0xb2: {  	[dreg:$0x1] =	wrdreg $0xFFFFFFFF  }
0xb3: {  	[dreg:$0x0] =	wrdreg $0x60  }
0xb4: {  	[dreg:$0x2] =	wrdreg s16  }
0xb5: {  	[dreg:$0x3] =	wrdreg s24  }
0xb6: {  	[dreg:$0x4] =	wrdreg $0x9  }
0xb7: {  	_ =	task.clear_ibuf [dreg:s7], $0x5FFFF;
	_ =	strace $0x9000004F  }
0xb8: {  	s29 =	simm.s32 $0x9;
	_ =	strace $0x80000051  }
0xb9: {  	_ =	swait.ge [sflag:s29], $0x1  }
0xba: {  	[sflag:s29] =	ssyncadd.s32 $0xFFFFFFFF  }
0xbb: {  	_ =	strace $0x90000051  }
0xbc: {  	_ =	sfence  }
0xbd: {  	s30 =	sld [smem:$0x0];
	_ =	sdelay $0x2  }
0xbe: {  	s31 =	sshll.u32 s1, $0xD;
	s1 =	sshrl.u32 s1, $0x2  }
0xbf: {  	s3 =	sand.u32 $0x4000, s31;
	s1 =	sadd.s32 s1, s30  }
0xc0: {  	s0 =	sor.u32 s3, s0;
	s1 =	sshll.u32 s1, $0x11  }
0xc1: {  	s0 =	sor.u32 s1, s0  }
0xc2: {  	s0 =	sadd.s32 $0x8F2B, s0  }
0xc3: {  	[sflag:s0] =	ssyncadd.remote.s32 $0x1  }
0xc4: {  	_ =	sfence.sel $0xFFFF  }
0xc5: {  	[dreg:$0x0] =	wrdreg $0xFFFFFFFF;
	(pc) =	sbr.abs _section_cstart, $3  }
0xc6: {  	[dreg:$0x1] =	wrdreg $0xFFFFFFFF  }
0xc7: {  	_ =	task.clear_ibuf [dreg:s7], $0x2FFFF;
	_ =	strace $0x9FFFFFFF  }
0xc8: {  	(tm) =	ssettm $0x7FFFFFFF  }
0xc9: {  	_ =	shalt  }
tec
execute0_lowered:
.L_overlay_start_1:
0x0: {  	(tag) =	ssettag $0x1  }
0x1: {  	s1 =	srdreg.scid;
	s0 =	stileid.u32  }
0x2: {  	s14 =	sand.u32 $0x1, s1;
	s28 =	sshll.u32 s0, $0x1  }
0x3: {  	s2 =	rddreg [dreg:$0x0];
	s8 =	sor.u32 s14, s28  }
0x4: {  	s9 =	rddreg [dreg:$0x1];
	s13 =	smul.u32 $0x1400, s8  }
0x5: {  	s3 =	simm.s32 $0x0;
	s1 =	rddreg [dreg:$0x2]  }
0x6: {  	[smem:$0x7FF] =	sst s3;
	s15 =	sadd.s32 $0x7400, s9;
	s4 =	sshrl.u32 s13, $0x3  }
0x7: {  	_ =	strace $0x80000050;
	s5 =	sadd.s32 s15, s4;
	s4 =	simm.s32 $0x2  }
0x8: {  	[tilespmem:s3], [sflag:$0x2] =	stream.linear.gather [hbm4b:s5+s3], $0x500, $0x38;
	[tilespmem:$0xA500] =	vst v63  }
0x9: {  	_ =	swait.ge [sflag:s4], $0x500  }
0xa: {  	[sflag:s4] =	ssyncset.done $0x0  }
0xb: {  	s6 =	simm.s32 $0x500;
	s7 =	simm.s32 $0x1;
	[sflag:s4] =	ssyncadd.s32 $0xFFFFFB00  }
0xc: {  	[tilespmem:s6], [sflag:$0x1] =	stream.indirect.gather [hbm4b:s2+s6], $0x20, s3, s6, $0xb8;
	[tilespmem:$0xA500] =	vst v63  }
0xd: {  	s8 =	smul.u32 $0x5000, s8;
	_ =	swait.ge [sflag:s7], $0xA000  }
0xe: {  	s16 =	sadd.s32 $0xC400, s9;
	[sflag:s7] =	ssyncset.done $0x0  }
0xf: {  	s8 =	sadd.s32 s16, s8;
	[sflag:s7] =	ssyncadd.s32 $0xFFFF6000  }
0x10: {  	[hbm4b:s8+s3] =	stream.linear.scatter [tilespmem:s6], [sflag:$0x2], $0xA000, $0x38;
	[tilespmem:$0xA500] =	vst v63  }
0x11: {  	s10 =	sadd.s32 $0x500, s13;
	_ =	swait.ge [sflag:s4], $0xA000  }
0x12: {  	s29 =	sshrl.u32 s10, $0x3;
	[sflag:s4] =	ssyncset.done $0x0  }
0x13: {  	s9 =	sadd.s32 s15, s29;
	[sflag:s4] =	ssyncadd.s32 $0xFFFF6000  }
0x14: {  	[tilespmem:s3], [sflag:$0x2] =	stream.linear.gather [hbm4b:s9+s3], $0x500, $0x38;
	[tilespmem:$0xA500] =	vst v63  }
0x15: {  	_ =	swait.ge [sflag:s4], $0x500  }
0x16: {  	[sflag:s4] =	ssyncset.done $0x0  }
0x17: {  	[sflag:s4] =	ssyncadd.s32 $0xFFFFFB00  }
0x18: {  	[tilespmem:s6], [sflag:$0x1] =	stream.indirect.gather [hbm4b:s2+s6], $0x20, s3, s6, $0xb8;
	[tilespmem:$0xA500] =	vst v63  }
0x19: {  	_ =	swait.ge [sflag:s7], $0xA000  }
0x1a: {  	s10 =	sshll.u32 s10, $0x2;
	[sflag:s7] =	ssyncset.done $0x0  }
0x1b: {  	s10 =	sadd.s32 s16, s10;
	[sflag:s7] =	ssyncadd.s32 $0xFFFF6000  }
0x1c: {  	[hbm4b:s10+s3] =	stream.linear.scatter [tilespmem:s6], [sflag:$0x2], $0xA000, $0x38;
	[tilespmem:$0xA500] =	vst v63  }
0x1d: {  	s12 =	sadd.s32 $0xA00, s13;
	_ =	swait.ge [sflag:s4], $0xA000  }
0x1e: {  	s11 =	sshrl.u32 s12, $0x3;
	[sflag:s4] =	ssyncset.done $0x0  }
0x1f: {  	s11 =	sadd.s32 s15, s11;
	[sflag:s4] =	ssyncadd.s32 $0xFFFF6000  }
0x20: {  	[tilespmem:s3], [sflag:$0x2] =	stream.linear.gather [hbm4b:s11+s3], $0x500, $0x38;
	[tilespmem:$0xA500] =	vst v63  }
0x21: {  	_ =	swait.ge [sflag:s4], $0x500  }
0x22: {  	[sflag:s4] =	ssyncset.done $0x0  }
0x23: {  	[sflag:s4] =	ssyncadd.s32 $0xFFFFFB00  }
0x24: {  	[tilespmem:s6], [sflag:$0x1] =	stream.indirect.gather [hbm4b:s2+s6], $0x20, s3, s6, $0xb8;
	[tilespmem:$0xA500] =	vst v63  }
0x25: {  	_ =	swait.ge [sflag:s7], $0xA000  }
0x26: {  	s12 =	sshll.u32 s12, $0x2;
	[sflag:s7] =	ssyncset.done $0x0  }
0x27: {  	s12 =	sadd.s32 s16, s12;
	[sflag:s7] =	ssyncadd.s32 $0xFFFF6000  }
0x28: {  	[hbm4b:s12+s3] =	stream.linear.scatter [tilespmem:s6], [sflag:$0x2], $0xA000, $0x38;
	[tilespmem:$0xA500] =	vst v63  }
0x29: {  	s17 =	sadd.s32 $0xF00, s13;
	_ =	swait.ge [sflag:s4], $0xA000  }
0x2a: {  	s13 =	sshrl.u32 s17, $0x3;
	[sflag:s4] =	ssyncset.done $0x0  }
0x2b: {  	s14 =	ssub.s32 $0x2, s14;
	s13 =	sadd.s32 s15, s13;
	[sflag:s4] =	ssyncadd.s32 $0xFFFF6000  }
0x2c: {  	[tilespmem:s3], [sflag:$0x2] =	stream.linear.gather [hbm4b:s13+s3], $0x500, $0x38;
	[tilespmem:$0xA500] =	vst v63  }
0x2d: {  	s30 =	sshrl.u32 s14, $0x1;
	_ =	swait.ge [sflag:s4], $0x500  }
0x2e: {  	s15 =	ssub.s32 s14, s30;
	[sflag:s4] =	ssyncset.done $0x0  }
0x2f: {  	s15 =	smax.u32 s15, $0x1;
	[sflag:s4] =	ssyncadd.s32 $0xFFFFFB00  }
0x30: {  	[tilespmem:s6], [sflag:$0x1] =	stream.indirect.gather [hbm4b:s2+s6], $0x20, s3, s6, $0xb8;
	[tilespmem:$0xA500] =	vst v63  }
0x31: {  	p0 =	sne.s32 s15, $0x1;
	_ =	swait.ge [sflag:s7], $0xA000  }
.Ltmp0:
0x32: {  	s31 =	sshll.u32 s17, $0x2;
	[sflag:s7] =	ssyncset.done $0x0;
	(pc) =	sbr.rel @!p0 .LBB2_2-.Ltmp0, $4  }
0x33: {  	s14 =	sadd.s32 s16, s31;
	[sflag:s7] =	ssyncadd.s32 $0xFFFF6000  }
0x34: {  	[hbm4b:s14+s3] =	stream.linear.scatter [tilespmem:s6], [sflag:$0x2], $0xA000, $0x38;
	[tilespmem:$0xA500] =	vst v63  }
0x35: {  	_ =	swait.ge [sflag:s4], $0xA000  }
0x36: {  	s15 =	sadd.s32 $0xFFFFFFFF, s15;
	[sflag:s4] =	ssyncset.done $0x0  }
.LBB2_1:
0x37: {  	p0 =	sne.s32 s15, $0x1;
	s15 =	sadd.s32 $0xFFFFFFFF, s15;
	[sflag:s4] =	ssyncadd.s32 $0xFFFF6000  }
0x38: {  	[tilespmem:s3], [sflag:$0x2] =	stream.linear.gather [hbm4b:s5+s3], $0x500, $0x38;
	[tilespmem:$0xA500] =	vst v63  }
0x39: {  	_ =	swait.ge [sflag:s4], $0x500  }
0x3a: {  	[sflag:s4] =	ssyncset.done $0x0  }
0x3b: {  	[sflag:s4] =	ssyncadd.s32 $0xFFFFFB00  }
0x3c: {  	[tilespmem:s6], [sflag:$0x1] =	stream.indirect.gather [hbm4b:s2+s6], $0x20, s3, s6, $0xb8;
	[tilespmem:$0xA500] =	vst v63  }
0x3d: {  	_ =	swait.ge [sflag:s7], $0xA000  }
0x3e: {  	[sflag:s7] =	ssyncset.done $0x0  }
0x3f: {  	[sflag:s7] =	ssyncadd.s32 $0xFFFF6000  }
0x40: {  	[hbm4b:s8+s3] =	stream.linear.scatter [tilespmem:s6], [sflag:$0x2], $0xA000, $0x38;
	[tilespmem:$0xA500] =	vst v63  }
0x41: {  	_ =	swait.ge [sflag:s4], $0xA000  }
0x42: {  	[sflag:s4] =	ssyncset.done $0x0  }
0x43: {  	[sflag:s4] =	ssyncadd.s32 $0xFFFF6000  }
0x44: {  	[tilespmem:s3], [sflag:$0x2] =	stream.linear.gather [hbm4b:s9+s3], $0x500, $0x38;
	[tilespmem:$0xA500] =	vst v63  }
0x45: {  	_ =	swait.ge [sflag:s4], $0x500  }
0x46: {  	[sflag:s4] =	ssyncset.done $0x0  }
0x47: {  	[sflag:s4] =	ssyncadd.s32 $0xFFFFFB00  }
0x48: {  	[tilespmem:s6], [sflag:$0x1] =	stream.indirect.gather [hbm4b:s2+s6], $0x20, s3, s6, $0xb8;
	[tilespmem:$0xA500] =	vst v63  }
0x49: {  	_ =	swait.ge [sflag:s7], $0xA000  }
0x4a: {  	[sflag:s7] =	ssyncset.done $0x0  }
0x4b: {  	[sflag:s7] =	ssyncadd.s32 $0xFFFF6000  }
0x4c: {  	[hbm4b:s10+s3] =	stream.linear.scatter [tilespmem:s6], [sflag:$0x2], $0xA000, $0x38;
	[tilespmem:$0xA500] =	vst v63  }
0x4d: {  	_ =	swait.ge [sflag:s4], $0xA000  }
0x4e: {  	[sflag:s4] =	ssyncset.done $0x0  }
0x4f: {  	[sflag:s4] =	ssyncadd.s32 $0xFFFF6000  }
0x50: {  	[tilespmem:s3], [sflag:$0x2] =	stream.linear.gather [hbm4b:s11+s3], $0x500, $0x38;
	[tilespmem:$0xA500] =	vst v63  }
0x51: {  	_ =	swait.ge [sflag:s4], $0x500  }
0x52: {  	[sflag:s4] =	ssyncset.done $0x0  }
0x53: {  	[sflag:s4] =	ssyncadd.s32 $0xFFFFFB00  }
0x54: {  	[tilespmem:s6], [sflag:$0x1] =	stream.indirect.gather [hbm4b:s2+s6], $0x20, s3, s6, $0xb8;
	[tilespmem:$0xA500] =	vst v63  }
0x55: {  	_ =	swait.ge [sflag:s7], $0xA000  }
0x56: {  	[sflag:s7] =	ssyncset.done $0x0  }
0x57: {  	[sflag:s7] =	ssyncadd.s32 $0xFFFF6000  }
0x58: {  	[hbm4b:s12+s3] =	stream.linear.scatter [tilespmem:s6], [sflag:$0x2], $0xA000, $0x38;
	[tilespmem:$0xA500] =	vst v63  }
0x59: {  	_ =	swait.ge [sflag:s4], $0xA000  }
0x5a: {  	[sflag:s4] =	ssyncset.done $0x0  }
0x5b: {  	[sflag:s4] =	ssyncadd.s32 $0xFFFF6000  }
0x5c: {  	[tilespmem:s3], [sflag:$0x2] =	stream.linear.gather [hbm4b:s13+s3], $0x500, $0x38;
	[tilespmem:$0xA500] =	vst v63  }
0x5d: {  	_ =	swait.ge [sflag:s4], $0x500  }
0x5e: {  	[sflag:s4] =	ssyncset.done $0x0  }
0x5f: {  	[sflag:s4] =	ssyncadd.s32 $0xFFFFFB00  }
0x60: {  	[tilespmem:s6], [sflag:$0x1] =	stream.indirect.gather [hbm4b:s2+s6], $0x20, s3, s6, $0xb8;
	[tilespmem:$0xA500] =	vst v63  }
0x61: {  	_ =	swait.ge [sflag:s7], $0xA000  }
.Ltmp1:
0x62: {  	[sflag:s7] =	ssyncset.done $0x0;
	(pc) =	sbr.rel @p0 .LBB2_1-.Ltmp1, $4  }
0x63: {  	[sflag:s7] =	ssyncadd.s32 $0xFFFF6000  }
0x64: {  	[hbm4b:s14+s3] =	stream.linear.scatter [tilespmem:s6], [sflag:$0x2], $0xA000, $0x38;
	[tilespmem:$0xA500] =	vst v63  }
0x65: {  	_ =	swait.ge [sflag:s4], $0xA000  }
0x66: {  	[sflag:s4] =	ssyncset.done $0x0  }
.LBB2_2:
0x67: {  	[sflag:s4] =	ssyncadd.s32 $0xFFFF6000  }
0x68: {  	_ =	sfence.sel $0x180000  }
0x69: {  	[bflag:$0x0] =	sbarrier.arrive $0xFFFF  }
0x6a: {  	p0 =	sne.s32 s0, $0x0;
	_ =	strace $0x90000050  }
0x6b: {  	s0 =	sadd.s32 @!p0 $0x100000, s1;
	[bflag:$0x2] =	sbarrier.arrive $0xFFFF  }
0x6c: {  	[sflag:s0] =	ssyncadd.tile.s32 @!p0 $0x1;
	_ =	shalt  }
.Lfunc_end2:
_tile_overlayer_lowered:
.L_overlay_start_2:
0x6d: {  	(tag) =	ssettag $0x2  }
0x6e: {  	s0 =	rddreg [dreg:$0x0];
	s2 =	stileid.u32  }
0x6f: {  	s1 =	rddreg [dreg:$0x1];
	p0 =	sne.s32 s2, $0x0  }
0x70: {  	s3 =	rddreg [dreg:$0x2];
	[bflag:$0x3] =	sbarrier.arrive $0xFFFF;
	s2 =	simm.s32 @!p0 $0x1C02  }
0x71: {  	[timem:s3], [sflag:s2] =	dma.local @!p0 [hbm:s0], s1  }
0x72: {  	s0 =	simm.s32 @!p0 $0x2  }
0x73: {  	_ =	swait.ge @!p0 [sflag:s0], s1  }
0x74: {  	s1 =	ssub.s32 @!p0 $0x0, s1;
	[sflag:s0] =	ssyncset.done @!p0 $0x0  }
0x75: {  	[sflag:s0] =	ssyncadd.s32 @!p0 s1  }
0x76: {  	[bflag:$0x3] =	sbarrier.arrive $0xFFFF  }
0x77: {  	_ =	shalt  }

// kernel: sparse-core-data-format-call.cloned.1.call-start
scs
called_computation_lowered:
.L_overlay_start_0:
0x0: {  	s1 =	sld [smem:$0x3FD9]  }
0x1: {  	s2 =	sld [smem:$0x3FFE];
	_ =	sdelay $0x1  }
0x2: {  	s3 =	srdreg.scid  }
0x3: {  	s0 =	sand.u32 $0x1, s3  }
0x4: {  	s17 =	sshll.u32 s0, $0xA;
	s1 =	sadd.s32 s2, s1  }
0x5: {  	s1 =	sadd.s32 s1, s17  }
0x6: {  	[smem:$0x3FA6] =	sst s1  }
0x7: {  	_ = 	snop  }
0x8: {  	(tm) =	ssettm $0x1  }
0x9: {  	s18 =	sld [smem:$0x3FFB];
	_ =	sdelay $0x3  }
0xa: {  	_ =	strace s18  }
0xb: {  	s1 =	sld [smem:$0x3FFC];
	_ =	sdelay $0x3  }
0xc: {  	_ =	strace s1  }
0xd: {  	s1 =	sld [smem:$0x3FFD];
	_ =	sdelay $0x3  }
0xe: {  	_ =	strace s1  }
0xf: {  	_ =	strace $0x8FFFFFFF  }
0x10: {  	s19 =	sld [smem:$0x3FDB];
	_ =	sdelay $0x1  }
0x11: {  	s20 =	simm.s32 $_scs_section_size  }
0x12: {  	s4 =	simm.s32 $_size__tile_overlayer_lowered;
	s5 =	simm.s32 $_tile_overlayer_lowered  }
0x13: {  	s23 =	simm.s32 $0x1BFF;
	s22 =	sshll.u32 s5, $0x1;
	s1 =	sadd.s32 s20, s19  }
0x14: {  	s6 =	simm.s32 $0x0;
	s21 =	sshll.u32 s4, $0x1;
	s4 =	sadd.s32 s22, s1  }
0x15: {  	[timem:s6], [sflag:s23] =	dma.local [hbm:s4], s21  }
0x16: {  	_ =	swait.ge [sflag:s23], s21  }
0x17: {  	s2 =	ssub.s32 $0x0, s21;
	[sflag:s23] =	ssyncset.done $0x0  }
0x18: {  	[sflag:s23] =	ssyncadd.s32 s2;
	_ =	sdelay $0x1  }
0x19: {  	s24 =	simm.s32 $0x1B8B  }
0x1a: {  	_ =	swait.ge [sflag:s24], $0x1  }
0x1b: {  	[sflag:s24] =	ssyncset.done $0x0  }
0x1c: {  	s26 =	simm.s32 $0x1B8E;
	s25 =	sld [smem:$0x3FFE];
	[sflag:s24] =	ssyncadd.s32 $0xFFFFFFFF  }
0x1d: {  	s27 =	simm.s32 $execute0_lowered;
	[smem:$0x3FD2] =	sst s26  }
0x1e: {  	s4 =	sshll.u32 s27, $0x1;
	_ =	strace $0x80000046;
	[dreg:$0x1] =	wrdreg $0xFFFFFFFF  }
0x1f: {  	s28 =	simm.s32 $_size_execute0_lowered;
	s1 =	sadd.s32 s1, s4;
	[dreg:$0x0] =	wrdreg $0x0  }
0x20: {  	s4 =	sshll.u32 s28, $0x1;
	[dreg:$0x2] =	wrdreg s1  }
0x21: {  	[dreg:$0x3] =	wrdreg s4  }
0x22: {  	[dreg:$0x4] =	wrdreg $0xC0  }
0x23: {  	_ =	task [dreg:s6], $0x5FFFF  }
0x24: {  	[dreg:$0x1] =	wrdreg $0xFFFFFFFF  }
0x25: {  	[dreg:$0x0] =	wrdreg $0x60  }
0x26: {  	[dreg:$0x2] =	wrdreg s25  }
0x27: {  	[dreg:$0x3] =	wrdreg $0x9  }
0x28: {  	_ =	task.clear_ibuf [dreg:s6], $0x4FFFF;
	_ =	strace $0x90000046  }
0x29: {  	s29 =	simm.s32 $0x9;
	_ =	strace $0x80000048  }
0x2a: {  	_ =	swait.ge [sflag:s29], $0x1  }
0x2b: {  	[sflag:s29] =	ssyncadd.s32 $0xFFFFFFFF  }
0x2c: {  	_ =	strace $0x90000048  }
0x2d: {  	_ =	sfence  }
0x2e: {  	s30 =	sld [smem:$0x0];
	_ =	sdelay $0x2  }
0x2f: {  	s31 =	sshll.u32 s3, $0xD;
	s3 =	sshrl.u32 s3, $0x2  }
0x30: {  	s2 =	sand.u32 $0x4000, s31;
	s1 =	sadd.s32 s3, s30  }
0x31: {  	s0 =	sor.u32 s2, s0;
	s1 =	sshll.u32 s1, $0x11  }
0x32: {  	s0 =	sor.u32 s1, s0  }
0x33: {  	s0 =	sadd.s32 $0x8F2B, s0  }
0x34: {  	[sflag:s0] =	ssyncadd.remote.s32 $0x1  }
0x35: {  	_ =	sfence.sel $0xFFFF  }
0x36: {  	[dreg:$0x0] =	wrdreg $0xFFFFFFFF;
	(pc) =	sbr.abs _section_cstart, $3  }
0x37: {  	[dreg:$0x1] =	wrdreg $0xFFFFFFFF  }
0x38: {  	_ =	task.clear_ibuf [dreg:s6], $0x2FFFF;
	_ =	strace $0x9FFFFFFF  }
0x39: {  	(tm) =	ssettm $0x7FFFFFFF  }
tec
execute0_lowered:
.L_overlay_start_1:
0x0: {  	(tag) =	ssettag $0x1  }
0x1: {  	s1 =	rddreg [dreg:$0x0]  }
0x2: {  	s0 =	rddreg [dreg:$0x1]  }
0x3: {  	_ =	strace $0x80000047;
	s4 =	srdreg.scid;
	s6 =	simm.s32 $0x2  }
0x4: {  	s11 =	simm.s32 $0x0;
	p0 =	por $0x0, $0x0;
	s7 =	simm.s32 $0x2800  }
.Ltmp0:
0x5: {  	s12 =	simm.s32 $0x0;
	s9 =	simm.s32 $0x0;
	(pc) =	sbr.rel .LBB1_1-.Ltmp0, $4  }
0x6: {  	s2 =	sadd.s32 $0x57400, s1;
	s3 =	sadd.s32 $0xCFF400, s1;
	s5 =	sshll.u32 s4, $0x4  }
0x7: {  	s1 =	stileid.u32;
	s4 =	simm.s32 $0x1;
	s5 =	sand.u32 $0x10, s5  }
0x8: {  	s8 =	simm.s32 $0x0;
	[sflag:s4] =	ssyncpa.u1 $0x0;
	s5 =	sor.u32 s1, s5  }
0x9: {  	[sflag:s6] =	ssyncpa.u1 $0x0;
	s6 =	simm.s32 $0x800;
	s10 =	smov.u32 s5  }
.LBB1_7:
0xa: {  	s13 =	sadd.s32 $0x10, s9  }
0xb: {  	s11 =	sadd.s32 $0x20, s10;
	s15 =	smov.u32 s10;
	p2 =	sgt.s32 s13, $0x4F  }
0xc: {  	p1 =	slt.u32 s8, $0x2;
	s15 =	smov.u32 @p2 s11  }
0xd: {  	s8 =	sadd.s32 $0x1, s8;
	s13 =	simm.s32 @p2 $0x0;
	p2 =	sgt.s32 s15, $0x4FF  }
0xe: {  	s15 =	smov.u32 @p2 s5;
	p2 =	sne.s32 s8, $0xCA  }
.Ltmp1:
0xf: {  	_ = 	snop;
	(pc) =	sbr.rel @!p2 .LBB1_8-.Ltmp1, $4  }
0x10: {  	s14 =	simm.s32 @!p1 $0x2  }
0x11: {  	s12 =	smov.u32 s10;
	_ =	swait.ge @!p1 [sflag:s14], $0x4000  }
0x12: {  	p0 =	por !p0, !p0;
	s11 =	smov.u32 s9;
	[sflag:s14] =	ssyncset.done @!p1 $0x0  }
0x13: {  	s9 =	smov.u32 s13;
	[sflag:s14] =	ssyncadd.s32 @!p1 $0xFFFFC000;
	s10 =	smov.u32 s15  }
.LBB1_1:
0x14: {  	p1 =	sgt.u32 s8, $0xC7  }
0x15: {  	s13 =	smul.u32 @!p1 $0x2800, s10  }
0x16: {  	s14 =	sxor.u32 @!p1 $0xFFFFFFFF, s8  }
0x17: {  	s15 =	sshll.u32 @!p1 s9, $0x7;
	s14 =	sshll.u32 @!p1 s14, $0xE;
	s13 =	sadd.s32 @!p1 s2, s13  }
0x18: {  	s14 =	sand.u32 @!p1 $0x4000, s14;
	s13 =	sadd.s32 @!p1 s15, s13;
	s15 =	simm.s32 @!p1 $0x0  }
0x19: {  	[tilespmem:s14], [sflag:$0x1] =	stream.linear.gather @!p1 [hbm4b:s13+s15], $0x4000, $0x38;
	[tilespmem:$0x10000] =	vst v63  }
0x1a: {  	p1 =	seq.s32 s8, $0x0  }
0x1b: {  	p2 =	seq.s32 @!p1 s8, $0xC9  }
0x1c: {  	p1 =	por p1, p2  }
.Ltmp2:
0x1d: {  	_ = 	snop;
	(pc) =	sbr.rel @p1 .LBB1_7-.Ltmp2, $1  }
0x1e: {  	_ =	sdelay $0x3  }
0x1f: {  	s13 =	simm.s32 $0x1;
	_ =	swait.ge [sflag:s4], $0x4000;
	s16 =	sshll.u32 s8, $0xE  }
0x20: {  	s13 =	simm.s32 @!p0 $0x0;
	[sflag:s4] =	ssyncset.done $0x0;
	s31 =	sand.u32 $0x4000, s16  }
0x21: {  	s16 =	simm.s32 $0x0;
	s13 =	sshll.u32 s13, $0xE;
	[sflag:s4] =	ssyncadd.s32 $0xFFFFC000  }
0x22: {  	s14 =	sor.u32 $0x8040, s13;
	s15 =	sor.u32 $0x40, s13;
	s13 =	sor.u32 $0x8000, s31  }
.LBB1_3:
0x23: {  	v0 =	vmov s15;
	_ =	sdelay $0x3  }
0x24: {  	s18 =	simm.s32 $0x0  }
0x25: {  	v6 =	vld.idx.msk [tilespmem:v0+s18+$0x30 ss:$0x1], $0xffff  }
0x26: {  	v7 =	vld.idx.msk [tilespmem:v0+s18+$0xFFFFFFC0 ss:$0x1], $0xffff  }
0x27: {  	v5 =	vld.idx.msk [tilespmem:v0+s18+$0xFFFFFFD0 ss:$0x1], $0xffff  }
0x28: {  	v4 =	vld.idx.msk [tilespmem:v0+s18+$0xFFFFFFE0 ss:$0x1], $0xffff  }
0x29: {  	v3 =	vld.idx.msk [tilespmem:v0+s18+$0xFFFFFFF0 ss:$0x1], $0xffff  }
0x2a: {  	v1 =	vld.idx.msk [tilespmem:v0+s18+$0x0 ss:$0x1], $0xffff  }
0x2b: {  	v2 =	vld.idx.msk [tilespmem:v0+s18+$0x10 ss:$0x1], $0xffff;
	[tilespmem:s14+$0x30] =	vst v6  }
0x2c: {  	s17 =	simm.s32 $0x80;
	s19 =	simm.s32 $0x400;
	[tilespmem:s14+$0xFFFFFFC0] =	vst v7;
	v6 =	vld.idx.msk [tilespmem:v0+s18+$0x20 ss:$0x1], $0xffff;
	s18 =	smov.u32 s14  }
.LBB1_4:
0x2d: {  	p1 =	sne.s32 s19, $0xE00;
	v7 =	vld.idx.msk [tilespmem:v0+s17+$0x30 ss:$0x1], $0xffff;
	[tilespmem:s18+$0xFFFFFFD0] =	vst v5  }
0x2e: {  	v8 =	vld.idx.msk [tilespmem:v0+s17+$0xFFFFFFC0 ss:$0x1], $0xffff;
	[tilespmem:s18+$0xFFFFFFE0] =	vst v4  }
0x2f: {  	v5 =	vld.idx.msk [tilespmem:v0+s17+$0xFFFFFFD0 ss:$0x1], $0xffff;
	[tilespmem:s18+$0xFFFFFFF0] =	vst v3  }
.Ltmp3:
0x30: {  	v4 =	vld.idx.msk [tilespmem:v0+s17+$0xFFFFFFE0 ss:$0x1], $0xffff;
	[tilespmem:s18+$0x0] =	vst v1;
	(pc) =	sbr.rel @p1 .LBB1_4-.Ltmp3, $4  }
0x31: {  	v3 =	vld.idx.msk [tilespmem:v0+s17+$0xFFFFFFF0 ss:$0x1], $0xffff;
	[tilespmem:s18+$0x10] =	vst v2  }
0x32: {  	v1 =	vld.idx.msk [tilespmem:v0+s17+$0x0 ss:$0x1], $0xffff;
	[tilespmem:s18+$0x20] =	vst v6;
	s18 =	sadd.s32 $0x800, s18  }
0x33: {  	v2 =	vld.idx.msk [tilespmem:v0+s17+$0x10 ss:$0x1], $0xffff;
	[tilespmem:s18+$0x30] =	vst v7  }
0x34: {  	[tilespmem:s18+$0xFFFFFFC0] =	vst v8;
	v6 =	vld.idx.msk [tilespmem:v0+s17+$0x20 ss:$0x1], $0xffff;
	s17 =	sshra.s32 s19, $0x2;
	s19 =	sadd.s32 $0x200, s19  }
0x35: {  	_ =	sdelay $0x2  }
0x36: {  	[tilespmem:s18+$0xFFFFFFD0] =	vst v5  }
0x37: {  	v56 =	vld.idx.msk [tilespmem:v0+s17+$0x30 ss:$0x1], $0xffff;
	[tilespmem:s18+$0xFFFFFFE0] =	vst v4  }
0x38: {  	v57 =	vld.idx.msk [tilespmem:v0+s17+$0xFFFFFFC0 ss:$0x1], $0xffff;
	[tilespmem:s18+$0xFFFFFFF0] =	vst v3  }
0x39: {  	v58 =	vld.idx.msk [tilespmem:v0+s17+$0xFFFFFFD0 ss:$0x1], $0xffff;
	[tilespmem:s18+$0x0] =	vst v1  }
0x3a: {  	v59 =	vld.idx.msk [tilespmem:v0+s17+$0xFFFFFFE0 ss:$0x1], $0xffff;
	[tilespmem:s18+$0x10] =	vst v2  }
0x3b: {  	v60 =	vld.idx.msk [tilespmem:v0+s17+$0xFFFFFFF0 ss:$0x1], $0xffff;
	s31 =	sadd.s32 $0x800, s18;
	[tilespmem:s18+$0x20] =	vst v6  }
0x3c: {  	v61 =	vld.idx.msk [tilespmem:v0+s17+$0x0 ss:$0x1], $0xffff;
	[tilespmem:s31+$0x30] =	vst v56  }
0x3d: {  	v62 =	vld.idx.msk [tilespmem:v0+s17+$0x10 ss:$0x1], $0xffff;
	s16 =	sadd.s32 $0x1, s16;
	[tilespmem:s31+$0xFFFFFFC0] =	vst v57  }
0x3e: {  	v63 =	vld.idx.msk [tilespmem:v0+s17+$0x20 ss:$0x1], $0xffff;
	p1 =	sne.s32 s16, $0x10;
	[tilespmem:s31+$0xFFFFFFD0] =	vst v58  }
.Ltmp4:
0x3f: {  	[tilespmem:s31+$0xFFFFFFE0] =	vst v59;
	(pc) =	sbr.rel @p1 .LBB1_3-.Ltmp4, $4  }
0x40: {  	[tilespmem:s31+$0xFFFFFFF0] =	vst v60  }
0x41: {  	[tilespmem:s31+$0x0] =	vst v61  }
0x42: {  	[tilespmem:s31+$0x10] =	vst v62  }
0x43: {  	s14 =	sadd.s32 $0x80, s14;
	s15 =	sadd.s32 $0x400, s15;
	[tilespmem:s31+$0x20] =	vst v63  }
0x44: {  	s11 =	sand.u32 $0x1FFFFFF, s11  }
0x45: {  	s14 =	smulhi.u32 $0x3333334, s11  }
0x46: {  	s12 =	smul.u32 $0x2800, s12  }
0x47: {  	s14 =	smul.u32 $0x50, s14  }
.Ltmp5:
0x48: {  	_ = 	snop;
	(pc) =	sbr.rel .LBB1_7-.Ltmp5, $4  }
0x49: {  	s11 =	ssub.s32 s11, s14  }
0x4a: {  	s12 =	sadd.s32 s3, s12;
	s11 =	sshll.u32 s11, $0x4  }
0x4b: {  	s11 =	sadd.s32 s11, s12  }
0x4c: {  	[hbm4b:s11+s6] =	stream.strided.scatter [tilespmem:s13], [sflag:$0x2], $0x4000, s7, s6, $0x38;
	[tilespmem:$0x10000] =	vst v63  }
.LBB1_8:
0x4d: {  	_ =	sfence.sel $0x180000  }
0x4e: {  	s2 =	simm.s32 $0x1;
	[bflag:$0x0] =	sbarrier.arrive $0xFFFF  }
0x4f: {  	s31 =	simm.s32 $0x2;
	[sflag:s2] =	ssyncpa.u1 $0x1  }
0x50: {  	[sflag:s31] =	ssyncpa.u1 $0x1  }
0x51: {  	p0 =	sne.s32 s1, $0x0;
	_ =	strace $0x90000047  }
0x52: {  	s0 =	sadd.s32 @!p0 $0x100000, s0;
	[bflag:$0x2] =	sbarrier.arrive $0xFFFF  }
0x53: {  	[sflag:s0] =	ssyncadd.tile.s32 @!p0 $0x1;
	_ =	shalt  }
.Lfunc_end1:
_tile_overlayer_lowered:
.L_overlay_start_2:
0x54: {  	(tag) =	ssettag $0x2  }
0x55: {  	s0 =	rddreg [dreg:$0x0];
	s2 =	stileid.u32  }
0x56: {  	s1 =	rddreg [dreg:$0x1];
	p0 =	sne.s32 s2, $0x0  }
0x57: {  	s3 =	rddreg [dreg:$0x2];
	[bflag:$0x3] =	sbarrier.arrive $0xFFFF;
	s2 =	simm.s32 @!p0 $0x1C01  }
0x58: {  	[timem:s3], [sflag:s2] =	dma.local @!p0 [hbm:s0], s1  }
0x59: {  	s0 =	simm.s32 @!p0 $0x1  }
0x5a: {  	_ =	swait.ge @!p0 [sflag:s0], s1  }
0x5b: {  	s1 =	ssub.s32 @!p0 $0x0, s1;
	[sflag:s0] =	ssyncset.done @!p0 $0x0  }
0x5c: {  	[sflag:s0] =	ssyncadd.s32 @!p0 s1  }
0x5d: {  	[bflag:$0x3] =	sbarrier.arrive $0xFFFF  }
0x5e: {  	_ =	shalt  }

</sc_bundles>
